<compile_context>
chip_gen: v7x
topology: tpu7x:2x2x1
jax: 0.10.2.dev20260603
libtpu: 0.0.44.dev20260713+nightly
codegen_flags: <defaults>
</compile_context>

<pallas_src>
import jax
import jax.numpy as jnp
from jax import lax
from jax.experimental import pallas as pl
from jax.experimental.pallas import tpu as pltpu
from jax.experimental.pallas import tpu_sc as plsc

VOCAB = 1000000
EMBED = 64
B = 4096
L = 200

NC = 2
NS = 16
NW = NC * NS

N = B * L
IDX_W = 128
PER_W = N // NW
CH = 512
IR = CH // IDX_W
N_CHUNKS = PER_W // CH
IROWS_W = PER_W // IDX_W

SEG_REP = 2048


def _body(seq_hbm, lbl_hbm, tok_hbm, seg_hbm, out_hbm,
          idx0, lbl0, rows0, idx1, lbl1, rows1,
          g0, g1, w0, w1):
    wid = lax.axis_index("s") * NC + lax.axis_index("c")
    row0 = wid * IROWS_W
    lanes = lax.iota(jnp.int32, 16)

    bufs = ((idx0, lbl0, rows0, g0, w0),
            (idx1, lbl1, rows1, g1, w1))

    def prep_seg(c, bs):
        idx_v, lbl_v, rows_v, g, _ = bs
        ir0 = row0 + c * IR
        pltpu.sync_copy(seq_hbm.at[pl.ds(ir0, IR)], idx_v)
        pltpu.sync_copy(lbl_hbm.at[pl.ds(ir0, IR)], lbl_v)
        for j in range(IR):
            for q in range(IDX_W // 16):
                sl = pl.ds(q * 16, 16)
                koff = wid * CH + j * IDX_W + q * 16
                lbl_v[j, sl] = lbl_v[j, sl] + ((lanes + koff) & (SEG_REP - 1)) * 3
        for j in range(IR):
            pltpu.async_copy(seg_hbm.at[lbl_v.at[j]],
                             rows_v.at[pl.ds(j * IDX_W, IDX_W)], g)

    def prep_tok(bs):
        idx_v, lbl_v, rows_v, g, _ = bs
        pltpu.make_async_copy(out_hbm.at[pl.ds(0, CH)], rows_v, g).wait()
        for j in range(IR):
            pltpu.async_copy(tok_hbm.at[idx_v.at[j]],
                             rows_v.at[pl.ds(j * IDX_W, IDX_W)], g, add=True)

    def finish(c, bs):
        idx_v, lbl_v, rows_v, g, w = bs
        pltpu.make_async_copy(out_hbm.at[pl.ds(0, CH)], rows_v, g).wait()
        pltpu.async_copy(rows_v, out_hbm.at[pl.ds((row0 + c * IR) * IDX_W, CH)], w)

    def drain_w(bs):
        rows_v, w = bs[2], bs[4]
        pltpu.make_async_copy(rows_v, out_hbm.at[pl.ds(0, CH)], w).wait()

    prep_seg(0, bufs[0])
    prep_tok(bufs[0])

    def iter_t(t, _):
        c0 = 2 * t
        c1 = c0 + 1
        c2 = c0 + 2

        @pl.when(t != 0)
        def _():
            drain_w(bufs[1])

        prep_seg(c1, bufs[1])
        finish(c0, bufs[0])
        prep_tok(bufs[1])

        drain_w(bufs[0])

        @pl.when(c2 < N_CHUNKS)
        def _():
            prep_seg(c2, bufs[0])

        finish(c1, bufs[1])

        @pl.when(c2 < N_CHUNKS)
        def _():
            prep_tok(bufs[0])

        return 0

    lax.fori_loop(0, N_CHUNKS // 2, iter_t, 0)
    drain_w(bufs[1])


@jax.jit
def _run(seq2, lbl2, token_table, seg_big):
    mesh = plsc.VectorSubcoreMesh(core_axis_name="c", subcore_axis_name="s")
    f = pl.kernel(
        _body,
        out_type=jax.ShapeDtypeStruct((N, EMBED), jnp.float32),
        mesh=mesh,
        scratch_types=[
            pltpu.VMEM((IR, IDX_W), jnp.int32),
            pltpu.VMEM((IR, IDX_W), jnp.int32),
            pltpu.VMEM((CH, EMBED), jnp.float32),
            pltpu.VMEM((IR, IDX_W), jnp.int32),
            pltpu.VMEM((IR, IDX_W), jnp.int32),
            pltpu.VMEM((CH, EMBED), jnp.float32),
            pltpu.SemaphoreType.DMA,
            pltpu.SemaphoreType.DMA,
            pltpu.SemaphoreType.DMA,
            pltpu.SemaphoreType.DMA,
        ],
        compiler_params=pltpu.CompilerParams(use_tc_tiling_on_sc=False),
    )
    return f(seq2, lbl2, token_table, seg_big)


def kernel(sequence, segment_label, token_table, segment_table):
    seq2 = sequence.reshape(N // IDX_W, IDX_W)
    lbl2 = segment_label.reshape(N // IDX_W, IDX_W)
    seg_big = jnp.tile(segment_table, (SEG_REP, 1))
    out = _run(seq2, lbl2, token_table, seg_big)
    return out.reshape(B, L, EMBED)

# --- scband reference (transcript-rebuilt; emitter-appended) ---
"""Pipeline reference for scband-bertembedding-61838939128343 (READ-ONLY COPY).

The authoritative reference and input builder live on the scoring server;
editing this copy changes nothing except your own understanding.
"""

import jax, jax.numpy as jnp
import numpy as np

VOCAB = 1000000
EMBED = 64
B = 4096
L = 200

def setup_inputs(seed: int = 0) -> dict:
    key = jax.random.key(seed)
    k1, k2, k3, k4 = jax.random.split(key, 4)
    sequence = jax.random.randint(k1, (B, L), 0, VOCAB, dtype=jnp.int64 if jax.config.jax_enable_x64 else jnp.int32).astype(jnp.int32)
    segment_label = jax.random.randint(k2, (B, L), 0, 3).astype(jnp.int32)
    token_table = jax.random.normal(k3, (VOCAB, EMBED), dtype=jnp.float32) * 0.02
    segment_table = jax.random.normal(k4, (3, EMBED), dtype=jnp.float32) * 0.02
    # padding_idx=0 rows are zero-initialized in torch Embedding
    token_table = token_table.at[0].set(0.0)
    segment_table = segment_table.at[0].set(0.0)
    return {"sequence": sequence, "segment_label": segment_label, "token_table": token_table, "segment_table": segment_table}

def reference(sequence, segment_label, token_table, segment_table):
    # BERTEmbedding.forward: token(sequence) + segment(segment_label)
    tok = jnp.take(token_table, sequence, axis=0)
    seg = jnp.take(segment_table, segment_label, axis=0)
    return tok + seg

if __name__ == "__main__":
    import jax
    _d = setup_inputs()
    print(jax.jit(kernel)(*tuple(_d.values())))

</pallas_src>

<mosaic_0001>
#map = affine_map<(d0, d1) -> (0, 0)>
module attributes {stable_mosaic.version = 14 : i64} {
  func.func @_body(%arg0: i32, %arg1: i32, %arg2: memref<6400x128xi32, #tpu.memory_space<hbm>>, %arg3: memref<6400x128xi32, #tpu.memory_space<hbm>>, %arg4: memref<1000000x64xf32, #tpu.memory_space<hbm>>, %arg5: memref<6144x64xf32, #tpu.memory_space<hbm>>, %arg6: memref<819200x64xf32, #tpu.memory_space<hbm>>, %arg7: memref<4x128xi32, #tpu.memory_space<vmem>>, %arg8: memref<4x128xi32, #tpu.memory_space<vmem>>, %arg9: memref<512x64xf32, #tpu.memory_space<vmem>>, %arg10: memref<4x128xi32, #tpu.memory_space<vmem>>, %arg11: memref<4x128xi32, #tpu.memory_space<vmem>>, %arg12: memref<512x64xf32, #tpu.memory_space<vmem>>, %arg13: memref<!tpu.dma_semaphore, #tpu.memory_space<semaphore_mem>>, %arg14: memref<!tpu.dma_semaphore, #tpu.memory_space<semaphore_mem>>, %arg15: memref<!tpu.dma_semaphore, #tpu.memory_space<semaphore_mem>>, %arg16: memref<!tpu.dma_semaphore, #tpu.memory_space<semaphore_mem>>) attributes {dimension_semantics = [#tpu.dimension_semantics<core_parallel>, #tpu.dimension_semantics<subcore_parallel>], iteration_bounds = array<i64: 2, 16>, scalar_prefetch = 0 : i64, scratch_operands = 10 : i64, tpu.core_type = #tpu.core_type<sc_vector_subcore>, window_params = [{transform_indices = #map}, {transform_indices = #map}, {transform_indices = #map}, {transform_indices = #map}, {transform_indices = #map}]} {
    %mul3A = arith.constant 2 : i32
    %mul3A_0 = arith.muli %arg1, %mul3A : i32
    %add3A = arith.addi %mul3A_0, %arg0 : i32
    %mul3A_1 = arith.constant 200 : i32
    %mul3A_2 = arith.muli %add3A, %mul3A_1 : i32
    %iota3A = tpu.iota {dimensions = array<i32: 0>} : vector<16xi32>
    %add3A_3 = arith.constant 0 : i32
    %add3A_4 = arith.addi %mul3A_2, %add3A_3 : i32
    "tpu.region"() ({
      %run_scoped3A = tpu.sem_alloc : memref<!tpu.dma_semaphore, #tpu.memory_space<semaphore_mem>>
      %dma_start3A_930 = arith.constant 0 : i32
      %dma_start3A_931 = tpu.memref_slice %arg2[%add3A_4, %dma_start3A_930] : memref<6400x128xi32, #tpu.memory_space<hbm>> -> memref<4x128xi32, #tpu.memory_space<hbm>>
      %dma_start3A_932 = arith.constant 0 : i32
      %dma_start3A_933 = tpu.memref_slice %arg2[%add3A_4, %dma_start3A_932] : memref<6400x128xi32, #tpu.memory_space<hbm>> -> memref<4x128xi32, #tpu.memory_space<hbm>>
      tpu.enqueue_dma source(%dma_start3A_933 : memref<4x128xi32, #tpu.memory_space<hbm>>) target(%arg7 : memref<4x128xi32, #tpu.memory_space<vmem>>) target_semaphore(%run_scoped3A : memref<!tpu.dma_semaphore, #tpu.memory_space<semaphore_mem>>)
      %dma_wait3A_934 = arith.constant 0 : i32
      %dma_wait3A_935 = tpu.memref_slice %arg2[%add3A_4, %dma_wait3A_934] : memref<6400x128xi32, #tpu.memory_space<hbm>> -> memref<4x128xi32, #tpu.memory_space<hbm>>
      %dma_wait3A_936 = arith.constant 0 : i32
      %dma_wait3A_937 = tpu.memref_slice %arg2[%add3A_4, %dma_wait3A_936] : memref<6400x128xi32, #tpu.memory_space<hbm>> -> memref<4x128xi32, #tpu.memory_space<hbm>>
      tpu.wait_dma2 semaphore(%run_scoped3A : memref<!tpu.dma_semaphore, #tpu.memory_space<semaphore_mem>>) src(%dma_wait3A_937 : memref<4x128xi32, #tpu.memory_space<hbm>>) dst(%arg7 : memref<4x128xi32, #tpu.memory_space<vmem>>)
      tpu.yield
    }) : () -> ()
    "tpu.region"() ({
      %run_scoped3A = tpu.sem_alloc : memref<!tpu.dma_semaphore, #tpu.memory_space<semaphore_mem>>
      %dma_start3A_930 = arith.constant 0 : i32
      %dma_start3A_931 = tpu.memref_slice %arg3[%add3A_4, %dma_start3A_930] : memref<6400x128xi32, #tpu.memory_space<hbm>> -> memref<4x128xi32, #tpu.memory_space<hbm>>
      %dma_start3A_932 = arith.constant 0 : i32
      %dma_start3A_933 = tpu.memref_slice %arg3[%add3A_4, %dma_start3A_932] : memref<6400x128xi32, #tpu.memory_space<hbm>> -> memref<4x128xi32, #tpu.memory_space<hbm>>
      tpu.enqueue_dma source(%dma_start3A_933 : memref<4x128xi32, #tpu.memory_space<hbm>>) target(%arg8 : memref<4x128xi32, #tpu.memory_space<vmem>>) target_semaphore(%run_scoped3A : memref<!tpu.dma_semaphore, #tpu.memory_space<semaphore_mem>>)
      %dma_wait3A_934 = arith.constant 0 : i32
      %dma_wait3A_935 = tpu.memref_slice %arg3[%add3A_4, %dma_wait3A_934] : memref<6400x128xi32, #tpu.memory_space<hbm>> -> memref<4x128xi32, #tpu.memory_space<hbm>>
      %dma_wait3A_936 = arith.constant 0 : i32
      %dma_wait3A_937 = tpu.memref_slice %arg3[%add3A_4, %dma_wait3A_936] : memref<6400x128xi32, #tpu.memory_space<hbm>> -> memref<4x128xi32, #tpu.memory_space<hbm>>
      tpu.wait_dma2 semaphore(%run_scoped3A : memref<!tpu.dma_semaphore, #tpu.memory_space<semaphore_mem>>) src(%dma_wait3A_937 : memref<4x128xi32, #tpu.memory_space<hbm>>) dst(%arg8 : memref<4x128xi32, #tpu.memory_space<vmem>>)
      tpu.yield
    }) : () -> ()
    %mul3A_5 = arith.constant 512 : i32
    %mul3A_6 = arith.muli %add3A, %mul3A_5 : i32
    %add3A_7 = arith.constant 0 : i32
    %add3A_8 = arith.addi %mul3A_6, %add3A_7 : i32
    %add3A_9 = arith.constant 0 : i32
    %add3A_10 = arith.addi %add3A_8, %add3A_9 : i32
    %get3A = arith.constant 0 : i32
    %get3A_11 = arith.index_cast %get3A : i32 to index
    %get3A_12 = arith.constant 0 : index
    %get3A_13 = tpu.vector_load %arg8[%get3A_11, %get3A_12] {strides = array<i32>} : memref<4x128xi32, #tpu.memory_space<vmem>>, vector<1x16xi32>,
    %get3A_14 = vector.shape_cast %get3A_13 : vector<1x16xi32> to vector<16xi32>
    %add3A_15 = vector.broadcast %add3A_10 : i32 to vector<16xi32>
    %add3A_16 = arith.addi %iota3A, %add3A_15 : vector<16xi32>
    %and3A = arith.constant 2047 : i32
    %and3A_17 = vector.broadcast %and3A : i32 to vector<16xi32>
    %and3A_18 = arith.andi %add3A_16, %and3A_17 : vector<16xi32>
    %mul3A_19 = arith.constant 3 : i32
    %mul3A_20 = vector.broadcast %mul3A_19 : i32 to vector<16xi32>
    %mul3A_21 = arith.muli %and3A_18, %mul3A_20 : vector<16xi32>
    %add3A_22 = arith.addi %get3A_14, %mul3A_21 : vector<16xi32>
    %swap3A = arith.constant 0 : i32
    %swap3A_23 = arith.index_cast %swap3A : i32 to index
    %swap3A_24 = arith.constant 0 : index
    %swap3A_25 = tpu.vector_load %arg8[%swap3A_23, %swap3A_24] {strides = array<i32>} : memref<4x128xi32, #tpu.memory_space<vmem>>, vector<1x16xi32>,
    %swap3A_26 = vector.shape_cast %swap3A_25 : vector<1x16xi32> to vector<16xi32>
    %swap3A_27 = vector.shape_cast %add3A_22 : vector<16xi32> to vector<1x16xi32>
    tpu.vector_store %arg8[%swap3A_23, %swap3A_24], %swap3A_27 {strides = array<i32>} : memref<4x128xi32, #tpu.memory_space<vmem>>, vector<1x16xi32>,
    %mul3A_28 = arith.constant 512 : i32
    %mul3A_29 = arith.muli %add3A, %mul3A_28 : i32
    %add3A_30 = arith.constant 0 : i32
    %add3A_31 = arith.addi %mul3A_29, %add3A_30 : i32
    %add3A_32 = arith.constant 16 : i32
    %add3A_33 = arith.addi %add3A_31, %add3A_32 : i32
    %get3A_34 = arith.constant 0 : i32
    %get3A_35 = arith.index_cast %get3A_34 : i32 to index
    %get3A_36 = arith.constant 16 : index
    %get3A_37 = tpu.vector_load %arg8[%get3A_35, %get3A_36] {strides = array<i32>} : memref<4x128xi32, #tpu.memory_space<vmem>>, vector<1x16xi32>,
    %get3A_38 = vector.shape_cast %get3A_37 : vector<1x16xi32> to vector<16xi32>
    %add3A_39 = vector.broadcast %add3A_33 : i32 to vector<16xi32>
    %add3A_40 = arith.addi %iota3A, %add3A_39 : vector<16xi32>
    %and3A_41 = arith.constant 2047 : i32
    %and3A_42 = vector.broadcast %and3A_41 : i32 to vector<16xi32>
    %and3A_43 = arith.andi %add3A_40, %and3A_42 : vector<16xi32>
    %mul3A_44 = arith.constant 3 : i32
    %mul3A_45 = vector.broadcast %mul3A_44 : i32 to vector<16xi32>
    %mul3A_46 = arith.muli %and3A_43, %mul3A_45 : vector<16xi32>
    %add3A_47 = arith.addi %get3A_38, %mul3A_46 : vector<16xi32>
    %swap3A_48 = arith.constant 0 : i32
    %swap3A_49 = arith.index_cast %swap3A_48 : i32 to index
    %swap3A_50 = arith.constant 16 : index
    %swap3A_51 = tpu.vector_load %arg8[%swap3A_49, %swap3A_50] {strides = array<i32>} : memref<4x128xi32, #tpu.memory_space<vmem>>, vector<1x16xi32>,
    %swap3A_52 = vector.shape_cast %swap3A_51 : vector<1x16xi32> to vector<16xi32>
    %swap3A_53 = vector.shape_cast %add3A_47 : vector<16xi32> to vector<1x16xi32>
    tpu.vector_store %arg8[%swap3A_49, %swap3A_50], %swap3A_53 {strides = array<i32>} : memref<4x128xi32, #tpu.memory_space<vmem>>, vector<1x16xi32>,
    %mul3A_54 = arith.constant 512 : i32
    %mul3A_55 = arith.muli %add3A, %mul3A_54 : i32
    %add3A_56 = arith.constant 0 : i32
    %add3A_57 = arith.addi %mul3A_55, %add3A_56 : i32
    %add3A_58 = arith.constant 32 : i32
    %add3A_59 = arith.addi %add3A_57, %add3A_58 : i32
    %get3A_60 = arith.constant 0 : i32
    %get3A_61 = arith.index_cast %get3A_60 : i32 to index
    %get3A_62 = arith.constant 32 : index
    %get3A_63 = tpu.vector_load %arg8[%get3A_61, %get3A_62] {strides = array<i32>} : memref<4x128xi32, #tpu.memory_space<vmem>>, vector<1x16xi32>,
    %get3A_64 = vector.shape_cast %get3A_63 : vector<1x16xi32> to vector<16xi32>
    %add3A_65 = vector.broadcast %add3A_59 : i32 to vector<16xi32>
    %add3A_66 = arith.addi %iota3A, %add3A_65 : vector<16xi32>
    %and3A_67 = arith.constant 2047 : i32
    %and3A_68 = vector.broadcast %and3A_67 : i32 to vector<16xi32>
    %and3A_69 = arith.andi %add3A_66, %and3A_68 : vector<16xi32>
    %mul3A_70 = arith.constant 3 : i32
    %mul3A_71 = vector.broadcast %mul3A_70 : i32 to vector<16xi32>
    %mul3A_72 = arith.muli %and3A_69, %mul3A_71 : vector<16xi32>
    %add3A_73 = arith.addi %get3A_64, %mul3A_72 : vector<16xi32>
    %swap3A_74 = arith.constant 0 : i32
    %swap3A_75 = arith.index_cast %swap3A_74 : i32 to index
    %swap3A_76 = arith.constant 32 : index
    %swap3A_77 = tpu.vector_load %arg8[%swap3A_75, %swap3A_76] {strides = array<i32>} : memref<4x128xi32, #tpu.memory_space<vmem>>, vector<1x16xi32>,
    %swap3A_78 = vector.shape_cast %swap3A_77 : vector<1x16xi32> to vector<16xi32>
    %swap3A_79 = vector.shape_cast %add3A_73 : vector<16xi32> to vector<1x16xi32>
    tpu.vector_store %arg8[%swap3A_75, %swap3A_76], %swap3A_79 {strides = array<i32>} : memref<4x128xi32, #tpu.memory_space<vmem>>, vector<1x16xi32>,
    %mul3A_80 = arith.constant 512 : i32
    %mul3A_81 = arith.muli %add3A, %mul3A_80 : i32
    %add3A_82 = arith.constant 0 : i32
    %add3A_83 = arith.addi %mul3A_81, %add3A_82 : i32
    %add3A_84 = arith.constant 48 : i32
    %add3A_85 = arith.addi %add3A_83, %add3A_84 : i32
    %get3A_86 = arith.constant 0 : i32
    %get3A_87 = arith.index_cast %get3A_86 : i32 to index
    %get3A_88 = arith.constant 48 : index
    %get3A_89 = tpu.vector_load %arg8[%get3A_87, %get3A_88] {strides = array<i32>} : memref<4x128xi32, #tpu.memory_space<vmem>>, vector<1x16xi32>,
    %get3A_90 = vector.shape_cast %get3A_89 : vector<1x16xi32> to vector<16xi32>
    %add3A_91 = vector.broadcast %add3A_85 : i32 to vector<16xi32>
    %add3A_92 = arith.addi %iota3A, %add3A_91 : vector<16xi32>
    %and3A_93 = arith.constant 2047 : i32
    %and3A_94 = vector.broadcast %and3A_93 : i32 to vector<16xi32>
    %and3A_95 = arith.andi %add3A_92, %and3A_94 : vector<16xi32>
    %mul3A_96 = arith.constant 3 : i32
    %mul3A_97 = vector.broadcast %mul3A_96 : i32 to vector<16xi32>
    %mul3A_98 = arith.muli %and3A_95, %mul3A_97 : vector<16xi32>
    %add3A_99 = arith.addi %get3A_90, %mul3A_98 : vector<16xi32>
    %swap3A_100 = arith.constant 0 : i32
    %swap3A_101 = arith.index_cast %swap3A_100 : i32 to index
    %swap3A_102 = arith.constant 48 : index
    %swap3A_103 = tpu.vector_load %arg8[%swap3A_101, %swap3A_102] {strides = array<i32>} : memref<4x128xi32, #tpu.memory_space<vmem>>, vector<1x16xi32>,
    %swap3A_104 = vector.shape_cast %swap3A_103 : vector<1x16xi32> to vector<16xi32>
    %swap3A_105 = vector.shape_cast %add3A_99 : vector<16xi32> to vector<1x16xi32>
    tpu.vector_store %arg8[%swap3A_101, %swap3A_102], %swap3A_105 {strides = array<i32>} : memref<4x128xi32, #tpu.memory_space<vmem>>, vector<1x16xi32>,
    %mul3A_106 = arith.constant 512 : i32
    %mul3A_107 = arith.muli %add3A, %mul3A_106 : i32
    %add3A_108 = arith.constant 0 : i32
    %add3A_109 = arith.addi %mul3A_107, %add3A_108 : i32
    %add3A_110 = arith.constant 64 : i32
    %add3A_111 = arith.addi %add3A_109, %add3A_110 : i32
    %get3A_112 = arith.constant 0 : i32
    %get3A_113 = arith.index_cast %get3A_112 : i32 to index
    %get3A_114 = arith.constant 64 : index
    %get3A_115 = tpu.vector_load %arg8[%get3A_113, %get3A_114] {strides = array<i32>} : memref<4x128xi32, #tpu.memory_space<vmem>>, vector<1x16xi32>,
    %get3A_116 = vector.shape_cast %get3A_115 : vector<1x16xi32> to vector<16xi32>
    %add3A_117 = vector.broadcast %add3A_111 : i32 to vector<16xi32>
    %add3A_118 = arith.addi %iota3A, %add3A_117 : vector<16xi32>
    %and3A_119 = arith.constant 2047 : i32
    %and3A_120 = vector.broadcast %and3A_119 : i32 to vector<16xi32>
    %and3A_121 = arith.andi %add3A_118, %and3A_120 : vector<16xi32>
    %mul3A_122 = arith.constant 3 : i32
    %mul3A_123 = vector.broadcast %mul3A_122 : i32 to vector<16xi32>
    %mul3A_124 = arith.muli %and3A_121, %mul3A_123 : vector<16xi32>
    %add3A_125 = arith.addi %get3A_116, %mul3A_124 : vector<16xi32>
    %swap3A_126 = arith.constant 0 : i32
    %swap3A_127 = arith.index_cast %swap3A_126 : i32 to index
    %swap3A_128 = arith.constant 64 : index
    %swap3A_129 = tpu.vector_load %arg8[%swap3A_127, %swap3A_128] {strides = array<i32>} : memref<4x128xi32, #tpu.memory_space<vmem>>, vector<1x16xi32>,
    %swap3A_130 = vector.shape_cast %swap3A_129 : vector<1x16xi32> to vector<16xi32>
    %swap3A_131 = vector.shape_cast %add3A_125 : vector<16xi32> to vector<1x16xi32>
    tpu.vector_store %arg8[%swap3A_127, %swap3A_128], %swap3A_131 {strides = array<i32>} : memref<4x128xi32, #tpu.memory_space<vmem>>, vector<1x16xi32>,
    %mul3A_132 = arith.constant 512 : i32
    %mul3A_133 = arith.muli %add3A, %mul3A_132 : i32
    %add3A_134 = arith.constant 0 : i32
    %add3A_135 = arith.addi %mul3A_133, %add3A_134 : i32
    %add3A_136 = arith.constant 80 : i32
    %add3A_137 = arith.addi %add3A_135, %add3A_136 : i32
    %get3A_138 = arith.constant 0 : i32
    %get3A_139 = arith.index_cast %get3A_138 : i32 to index
    %get3A_140 = arith.constant 80 : index
    %get3A_141 = tpu.vector_load %arg8[%get3A_139, %get3A_140] {strides = array<i32>} : memref<4x128xi32, #tpu.memory_space<vmem>>, vector<1x16xi32>,
    %get3A_142 = vector.shape_cast %get3A_141 : vector<1x16xi32> to vector<16xi32>
    %add3A_143 = vector.broadcast %add3A_137 : i32 to vector<16xi32>
    %add3A_144 = arith.addi %iota3A, %add3A_143 : vector<16xi32>
    %and3A_145 = arith.constant 2047 : i32
    %and3A_146 = vector.broadcast %and3A_145 : i32 to vector<16xi32>
    %and3A_147 = arith.andi %add3A_144, %and3A_146 : vector<16xi32>
    %mul3A_148 = arith.constant 3 : i32
    %mul3A_149 = vector.broadcast %mul3A_148 : i32 to vector<16xi32>
    %mul3A_150 = arith.muli %and3A_147, %mul3A_149 : vector<16xi32>
    %add3A_151 = arith.addi %get3A_142, %mul3A_150 : vector<16xi32>
    %swap3A_152 = arith.constant 0 : i32
    %swap3A_153 = arith.index_cast %swap3A_152 : i32 to index
    %swap3A_154 = arith.constant 80 : index
    %swap3A_155 = tpu.vector_load %arg8[%swap3A_153, %swap3A_154] {strides = array<i32>} : memref<4x128xi32, #tpu.memory_space<vmem>>, vector<1x16xi32>,
    %swap3A_156 = vector.shape_cast %swap3A_155 : vector<1x16xi32> to vector<16xi32>
    %swap3A_157 = vector.shape_cast %add3A_151 : vector<16xi32> to vector<1x16xi32>
    tpu.vector_store %arg8[%swap3A_153, %swap3A_154], %swap3A_157 {strides = array<i32>} : memref<4x128xi32, #tpu.memory_space<vmem>>, vector<1x16xi32>,
    %mul3A_158 = arith.constant 512 : i32
    %mul3A_159 = arith.muli %add3A, %mul3A_158 : i32
    %add3A_160 = arith.constant 0 : i32
    %add3A_161 = arith.addi %mul3A_159, %add3A_160 : i32
    %add3A_162 = arith.constant 96 : i32
    %add3A_163 = arith.addi %add3A_161, %add3A_162 : i32
    %get3A_164 = arith.constant 0 : i32
    %get3A_165 = arith.index_cast %get3A_164 : i32 to index
    %get3A_166 = arith.constant 96 : index
    %get3A_167 = tpu.vector_load %arg8[%get3A_165, %get3A_166] {strides = array<i32>} : memref<4x128xi32, #tpu.memory_space<vmem>>, vector<1x16xi32>,
    %get3A_168 = vector.shape_cast %get3A_167 : vector<1x16xi32> to vector<16xi32>
    %add3A_169 = vector.broadcast %add3A_163 : i32 to vector<16xi32>
    %add3A_170 = arith.addi %iota3A, %add3A_169 : vector<16xi32>
    %and3A_171 = arith.constant 2047 : i32
    %and3A_172 = vector.broadcast %and3A_171 : i32 to vector<16xi32>
    %and3A_173 = arith.andi %add3A_170, %and3A_172 : vector<16xi32>
    %mul3A_174 = arith.constant 3 : i32
    %mul3A_175 = vector.broadcast %mul3A_174 : i32 to vector<16xi32>
    %mul3A_176 = arith.muli %and3A_173, %mul3A_175 : vector<16xi32>
    %add3A_177 = arith.addi %get3A_168, %mul3A_176 : vector<16xi32>
    %swap3A_178 = arith.constant 0 : i32
    %swap3A_179 = arith.index_cast %swap3A_178 : i32 to index
    %swap3A_180 = arith.constant 96 : index
    %swap3A_181 = tpu.vector_load %arg8[%swap3A_179, %swap3A_180] {strides = array<i32>} : memref<4x128xi32, #tpu.memory_space<vmem>>, vector<1x16xi32>,
    %swap3A_182 = vector.shape_cast %swap3A_181 : vector<1x16xi32> to vector<16xi32>
    %swap3A_183 = vector.shape_cast %add3A_177 : vector<16xi32> to vector<1x16xi32>
    tpu.vector_store %arg8[%swap3A_179, %swap3A_180], %swap3A_183 {strides = array<i32>} : memref<4x128xi32, #tpu.memory_space<vmem>>, vector<1x16xi32>,
    %mul3A_184 = arith.constant 512 : i32
    %mul3A_185 = arith.muli %add3A, %mul3A_184 : i32
    %add3A_186 = arith.constant 0 : i32
    %add3A_187 = arith.addi %mul3A_185, %add3A_186 : i32
    %add3A_188 = arith.constant 112 : i32
    %add3A_189 = arith.addi %add3A_187, %add3A_188 : i32
    %get3A_190 = arith.constant 0 : i32
    %get3A_191 = arith.index_cast %get3A_190 : i32 to index
    %get3A_192 = arith.constant 112 : index
    %get3A_193 = tpu.vector_load %arg8[%get3A_191, %get3A_192] {strides = array<i32>} : memref<4x128xi32, #tpu.memory_space<vmem>>, vector<1x16xi32>,
    %get3A_194 = vector.shape_cast %get3A_193 : vector<1x16xi32> to vector<16xi32>
    %add3A_195 = vector.broadcast %add3A_189 : i32 to vector<16xi32>
    %add3A_196 = arith.addi %iota3A, %add3A_195 : vector<16xi32>
    %and3A_197 = arith.constant 2047 : i32
    %and3A_198 = vector.broadcast %and3A_197 : i32 to vector<16xi32>
    %and3A_199 = arith.andi %add3A_196, %and3A_198 : vector<16xi32>
    %mul3A_200 = arith.constant 3 : i32
    %mul3A_201 = vector.broadcast %mul3A_200 : i32 to vector<16xi32>
    %mul3A_202 = arith.muli %and3A_199, %mul3A_201 : vector<16xi32>
    %add3A_203 = arith.addi %get3A_194, %mul3A_202 : vector<16xi32>
    %swap3A_204 = arith.constant 0 : i32
    %swap3A_205 = arith.index_cast %swap3A_204 : i32 to index
    %swap3A_206 = arith.constant 112 : index
    %swap3A_207 = tpu.vector_load %arg8[%swap3A_205, %swap3A_206] {strides = array<i32>} : memref<4x128xi32, #tpu.memory_space<vmem>>, vector<1x16xi32>,
    %swap3A_208 = vector.shape_cast %swap3A_207 : vector<1x16xi32> to vector<16xi32>
    %swap3A_209 = vector.shape_cast %add3A_203 : vector<16xi32> to vector<1x16xi32>
    tpu.vector_store %arg8[%swap3A_205, %swap3A_206], %swap3A_209 {strides = array<i32>} : memref<4x128xi32, #tpu.memory_space<vmem>>, vector<1x16xi32>,
    %mul3A_210 = arith.constant 512 : i32
    %mul3A_211 = arith.muli %add3A, %mul3A_210 : i32
    %add3A_212 = arith.constant 128 : i32
    %add3A_213 = arith.addi %mul3A_211, %add3A_212 : i32
    %add3A_214 = arith.constant 0 : i32
    %add3A_215 = arith.addi %add3A_213, %add3A_214 : i32
    %get3A_216 = arith.constant 1 : i32
    %get3A_217 = arith.index_cast %get3A_216 : i32 to index
    %get3A_218 = arith.constant 0 : index
    %get3A_219 = tpu.vector_load %arg8[%get3A_217, %get3A_218] {strides = array<i32>} : memref<4x128xi32, #tpu.memory_space<vmem>>, vector<1x16xi32>,
    %get3A_220 = vector.shape_cast %get3A_219 : vector<1x16xi32> to vector<16xi32>
    %add3A_221 = vector.broadcast %add3A_215 : i32 to vector<16xi32>
    %add3A_222 = arith.addi %iota3A, %add3A_221 : vector<16xi32>
    %and3A_223 = arith.constant 2047 : i32
    %and3A_224 = vector.broadcast %and3A_223 : i32 to vector<16xi32>
    %and3A_225 = arith.andi %add3A_222, %and3A_224 : vector<16xi32>
    %mul3A_226 = arith.constant 3 : i32
    %mul3A_227 = vector.broadcast %mul3A_226 : i32 to vector<16xi32>
    %mul3A_228 = arith.muli %and3A_225, %mul3A_227 : vector<16xi32>
    %add3A_229 = arith.addi %get3A_220, %mul3A_228 : vector<16xi32>
    %swap3A_230 = arith.constant 1 : i32
    %swap3A_231 = arith.index_cast %swap3A_230 : i32 to index
    %swap3A_232 = arith.constant 0 : index
    %swap3A_233 = tpu.vector_load %arg8[%swap3A_231, %swap3A_232] {strides = array<i32>} : memref<4x128xi32, #tpu.memory_space<vmem>>, vector<1x16xi32>,
    %swap3A_234 = vector.shape_cast %swap3A_233 : vector<1x16xi32> to vector<16xi32>
    %swap3A_235 = vector.shape_cast %add3A_229 : vector<16xi32> to vector<1x16xi32>
    tpu.vector_store %arg8[%swap3A_231, %swap3A_232], %swap3A_235 {strides = array<i32>} : memref<4x128xi32, #tpu.memory_space<vmem>>, vector<1x16xi32>,
    %mul3A_236 = arith.constant 512 : i32
    %mul3A_237 = arith.muli %add3A, %mul3A_236 : i32
    %add3A_238 = arith.constant 128 : i32
    %add3A_239 = arith.addi %mul3A_237, %add3A_238 : i32
    %add3A_240 = arith.constant 16 : i32
    %add3A_241 = arith.addi %add3A_239, %add3A_240 : i32
    %get3A_242 = arith.constant 1 : i32
    %get3A_243 = arith.index_cast %get3A_242 : i32 to index
    %get3A_244 = arith.constant 16 : index
    %get3A_245 = tpu.vector_load %arg8[%get3A_243, %get3A_244] {strides = array<i32>} : memref<4x128xi32, #tpu.memory_space<vmem>>, vector<1x16xi32>,
    %get3A_246 = vector.shape_cast %get3A_245 : vector<1x16xi32> to vector<16xi32>
    %add3A_247 = vector.broadcast %add3A_241 : i32 to vector<16xi32>
    %add3A_248 = arith.addi %iota3A, %add3A_247 : vector<16xi32>
    %and3A_249 = arith.constant 2047 : i32
    %and3A_250 = vector.broadcast %and3A_249 : i32 to vector<16xi32>
    %and3A_251 = arith.andi %add3A_248, %and3A_250 : vector<16xi32>
    %mul3A_252 = arith.constant 3 : i32
    %mul3A_253 = vector.broadcast %mul3A_252 : i32 to vector<16xi32>
    %mul3A_254 = arith.muli %and3A_251, %mul3A_253 : vector<16xi32>
    %add3A_255 = arith.addi %get3A_246, %mul3A_254 : vector<16xi32>
    %swap3A_256 = arith.constant 1 : i32
    %swap3A_257 = arith.index_cast %swap3A_256 : i32 to index
    %swap3A_258 = arith.constant 16 : index
    %swap3A_259 = tpu.vector_load %arg8[%swap3A_257, %swap3A_258] {strides = array<i32>} : memref<4x128xi32, #tpu.memory_space<vmem>>, vector<1x16xi32>,
    %swap3A_260 = vector.shape_cast %swap3A_259 : vector<1x16xi32> to vector<16xi32>
    %swap3A_261 = vector.shape_cast %add3A_255 : vector<16xi32> to vector<1x16xi32>
    tpu.vector_store %arg8[%swap3A_257, %swap3A_258], %swap3A_261 {strides = array<i32>} : memref<4x128xi32, #tpu.memory_space<vmem>>, vector<1x16xi32>,
    %mul3A_262 = arith.constant 512 : i32
    %mul3A_263 = arith.muli %add3A, %mul3A_262 : i32
    %add3A_264 = arith.constant 128 : i32
    %add3A_265 = arith.addi %mul3A_263, %add3A_264 : i32
    %add3A_266 = arith.constant 32 : i32
    %add3A_267 = arith.addi %add3A_265, %add3A_266 : i32
    %get3A_268 = arith.constant 1 : i32
    %get3A_269 = arith.index_cast %get3A_268 : i32 to index
    %get3A_270 = arith.constant 32 : index
    %get3A_271 = tpu.vector_load %arg8[%get3A_269, %get3A_270] {strides = array<i32>} : memref<4x128xi32, #tpu.memory_space<vmem>>, vector<1x16xi32>,
    %get3A_272 = vector.shape_cast %get3A_271 : vector<1x16xi32> to vector<16xi32>
    %add3A_273 = vector.broadcast %add3A_267 : i32 to vector<16xi32>
    %add3A_274 = arith.addi %iota3A, %add3A_273 : vector<16xi32>
    %and3A_275 = arith.constant 2047 : i32
    %and3A_276 = vector.broadcast %and3A_275 : i32 to vector<16xi32>
    %and3A_277 = arith.andi %add3A_274, %and3A_276 : vector<16xi32>
    %mul3A_278 = arith.constant 3 : i32
    %mul3A_279 = vector.broadcast %mul3A_278 : i32 to vector<16xi32>
    %mul3A_280 = arith.muli %and3A_277, %mul3A_279 : vector<16xi32>
    %add3A_281 = arith.addi %get3A_272, %mul3A_280 : vector<16xi32>
    %swap3A_282 = arith.constant 1 : i32
    %swap3A_283 = arith.index_cast %swap3A_282 : i32 to index
    %swap3A_284 = arith.constant 32 : index
    %swap3A_285 = tpu.vector_load %arg8[%swap3A_283, %swap3A_284] {strides = array<i32>} : memref<4x128xi32, #tpu.memory_space<vmem>>, vector<1x16xi32>,
    %swap3A_286 = vector.shape_cast %swap3A_285 : vector<1x16xi32> to vector<16xi32>
    %swap3A_287 = vector.shape_cast %add3A_281 : vector<16xi32> to vector<1x16xi32>
    tpu.vector_store %arg8[%swap3A_283, %swap3A_284], %swap3A_287 {strides = array<i32>} : memref<4x128xi32, #tpu.memory_space<vmem>>, vector<1x16xi32>,
    %mul3A_288 = arith.constant 512 : i32
    %mul3A_289 = arith.muli %add3A, %mul3A_288 : i32
    %add3A_290 = arith.constant 128 : i32
    %add3A_291 = arith.addi %mul3A_289, %add3A_290 : i32
    %add3A_292 = arith.constant 48 : i32
    %add3A_293 = arith.addi %add3A_291, %add3A_292 : i32
    %get3A_294 = arith.constant 1 : i32
    %get3A_295 = arith.index_cast %get3A_294 : i32 to index
    %get3A_296 = arith.constant 48 : index
    %get3A_297 = tpu.vector_load %arg8[%get3A_295, %get3A_296] {strides = array<i32>} : memref<4x128xi32, #tpu.memory_space<vmem>>, vector<1x16xi32>,
    %get3A_298 = vector.shape_cast %get3A_297 : vector<1x16xi32> to vector<16xi32>
    %add3A_299 = vector.broadcast %add3A_293 : i32 to vector<16xi32>
    %add3A_300 = arith.addi %iota3A, %add3A_299 : vector<16xi32>
    %and3A_301 = arith.constant 2047 : i32
    %and3A_302 = vector.broadcast %and3A_301 : i32 to vector<16xi32>
    %and3A_303 = arith.andi %add3A_300, %and3A_302 : vector<16xi32>
    %mul3A_304 = arith.constant 3 : i32
    %mul3A_305 = vector.broadcast %mul3A_304 : i32 to vector<16xi32>
    %mul3A_306 = arith.muli %and3A_303, %mul3A_305 : vector<16xi32>
    %add3A_307 = arith.addi %get3A_298, %mul3A_306 : vector<16xi32>
    %swap3A_308 = arith.constant 1 : i32
    %swap3A_309 = arith.index_cast %swap3A_308 : i32 to index
    %swap3A_310 = arith.constant 48 : index
    %swap3A_311 = tpu.vector_load %arg8[%swap3A_309, %swap3A_310] {strides = array<i32>} : memref<4x128xi32, #tpu.memory_space<vmem>>, vector<1x16xi32>,
    %swap3A_312 = vector.shape_cast %swap3A_311 : vector<1x16xi32> to vector<16xi32>
    %swap3A_313 = vector.shape_cast %add3A_307 : vector<16xi32> to vector<1x16xi32>
    tpu.vector_store %arg8[%swap3A_309, %swap3A_310], %swap3A_313 {strides = array<i32>} : memref<4x128xi32, #tpu.memory_space<vmem>>, vector<1x16xi32>,
    %mul3A_314 = arith.constant 512 : i32
    %mul3A_315 = arith.muli %add3A, %mul3A_314 : i32
    %add3A_316 = arith.constant 128 : i32
    %add3A_317 = arith.addi %mul3A_315, %add3A_316 : i32
    %add3A_318 = arith.constant 64 : i32
    %add3A_319 = arith.addi %add3A_317, %add3A_318 : i32
    %get3A_320 = arith.constant 1 : i32
    %get3A_321 = arith.index_cast %get3A_320 : i32 to index
    %get3A_322 = arith.constant 64 : index
    %get3A_323 = tpu.vector_load %arg8[%get3A_321, %get3A_322] {strides = array<i32>} : memref<4x128xi32, #tpu.memory_space<vmem>>, vector<1x16xi32>,
    %get3A_324 = vector.shape_cast %get3A_323 : vector<1x16xi32> to vector<16xi32>
    %add3A_325 = vector.broadcast %add3A_319 : i32 to vector<16xi32>
    %add3A_326 = arith.addi %iota3A, %add3A_325 : vector<16xi32>
    %and3A_327 = arith.constant 2047 : i32
    %and3A_328 = vector.broadcast %and3A_327 : i32 to vector<16xi32>
    %and3A_329 = arith.andi %add3A_326, %and3A_328 : vector<16xi32>
    %mul3A_330 = arith.constant 3 : i32
    %mul3A_331 = vector.broadcast %mul3A_330 : i32 to vector<16xi32>
    %mul3A_332 = arith.muli %and3A_329, %mul3A_331 : vector<16xi32>
    %add3A_333 = arith.addi %get3A_324, %mul3A_332 : vector<16xi32>
    %swap3A_334 = arith.constant 1 : i32
    %swap3A_335 = arith.index_cast %swap3A_334 : i32 to index
    %swap3A_336 = arith.constant 64 : index
    %swap3A_337 = tpu.vector_load %arg8[%swap3A_335, %swap3A_336] {strides = array<i32>} : memref<4x128xi32, #tpu.memory_space<vmem>>, vector<1x16xi32>,
    %swap3A_338 = vector.shape_cast %swap3A_337 : vector<1x16xi32> to vector<16xi32>
    %swap3A_339 = vector.shape_cast %add3A_333 : vector<16xi32> to vector<1x16xi32>
    tpu.vector_store %arg8[%swap3A_335, %swap3A_336], %swap3A_339 {strides = array<i32>} : memref<4x128xi32, #tpu.memory_space<vmem>>, vector<1x16xi32>,
    %mul3A_340 = arith.constant 512 : i32
    %mul3A_341 = arith.muli %add3A, %mul3A_340 : i32
    %add3A_342 = arith.constant 128 : i32
    %add3A_343 = arith.addi %mul3A_341, %add3A_342 : i32
    %add3A_344 = arith.constant 80 : i32
    %add3A_345 = arith.addi %add3A_343, %add3A_344 : i32
    %get3A_346 = arith.constant 1 : i32
    %get3A_347 = arith.index_cast %get3A_346 : i32 to index
    %get3A_348 = arith.constant 80 : index
    %get3A_349 = tpu.vector_load %arg8[%get3A_347, %get3A_348] {strides = array<i32>} : memref<4x128xi32, #tpu.memory_space<vmem>>, vector<1x16xi32>,
    %get3A_350 = vector.shape_cast %get3A_349 : vector<1x16xi32> to vector<16xi32>
    %add3A_351 = vector.broadcast %add3A_345 : i32 to vector<16xi32>
    %add3A_352 = arith.addi %iota3A, %add3A_351 : vector<16xi32>
    %and3A_353 = arith.constant 2047 : i32
    %and3A_354 = vector.broadcast %and3A_353 : i32 to vector<16xi32>
    %and3A_355 = arith.andi %add3A_352, %and3A_354 : vector<16xi32>
    %mul3A_356 = arith.constant 3 : i32
    %mul3A_357 = vector.broadcast %mul3A_356 : i32 to vector<16xi32>
    %mul3A_358 = arith.muli %and3A_355, %mul3A_357 : vector<16xi32>
    %add3A_359 = arith.addi %get3A_350, %mul3A_358 : vector<16xi32>
    %swap3A_360 = arith.constant 1 : i32
    %swap3A_361 = arith.index_cast %swap3A_360 : i32 to index
    %swap3A_362 = arith.constant 80 : index
    %swap3A_363 = tpu.vector_load %arg8[%swap3A_361, %swap3A_362] {strides = array<i32>} : memref<4x128xi32, #tpu.memory_space<vmem>>, vector<1x16xi32>,
    %swap3A_364 = vector.shape_cast %swap3A_363 : vector<1x16xi32> to vector<16xi32>
    %swap3A_365 = vector.shape_cast %add3A_359 : vector<16xi32> to vector<1x16xi32>
    tpu.vector_store %arg8[%swap3A_361, %swap3A_362], %swap3A_365 {strides = array<i32>} : memref<4x128xi32, #tpu.memory_space<vmem>>, vector<1x16xi32>,
    %mul3A_366 = arith.constant 512 : i32
    %mul3A_367 = arith.muli %add3A, %mul3A_366 : i32
    %add3A_368 = arith.constant 128 : i32
    %add3A_369 = arith.addi %mul3A_367, %add3A_368 : i32
    %add3A_370 = arith.constant 96 : i32
    %add3A_371 = arith.addi %add3A_369, %add3A_370 : i32
    %get3A_372 = arith.constant 1 : i32
    %get3A_373 = arith.index_cast %get3A_372 : i32 to index
    %get3A_374 = arith.constant 96 : index
    %get3A_375 = tpu.vector_load %arg8[%get3A_373, %get3A_374] {strides = array<i32>} : memref<4x128xi32, #tpu.memory_space<vmem>>, vector<1x16xi32>,
    %get3A_376 = vector.shape_cast %get3A_375 : vector<1x16xi32> to vector<16xi32>
    %add3A_377 = vector.broadcast %add3A_371 : i32 to vector<16xi32>
    %add3A_378 = arith.addi %iota3A, %add3A_377 : vector<16xi32>
    %and3A_379 = arith.constant 2047 : i32
    %and3A_380 = vector.broadcast %and3A_379 : i32 to vector<16xi32>
    %and3A_381 = arith.andi %add3A_378, %and3A_380 : vector<16xi32>
    %mul3A_382 = arith.constant 3 : i32
    %mul3A_383 = vector.broadcast %mul3A_382 : i32 to vector<16xi32>
    %mul3A_384 = arith.muli %and3A_381, %mul3A_383 : vector<16xi32>
    %add3A_385 = arith.addi %get3A_376, %mul3A_384 : vector<16xi32>
    %swap3A_386 = arith.constant 1 : i32
    %swap3A_387 = arith.index_cast %swap3A_386 : i32 to index
    %swap3A_388 = arith.constant 96 : index
    %swap3A_389 = tpu.vector_load %arg8[%swap3A_387, %swap3A_388] {strides = array<i32>} : memref<4x128xi32, #tpu.memory_space<vmem>>, vector<1x16xi32>,
    %swap3A_390 = vector.shape_cast %swap3A_389 : vector<1x16xi32> to vector<16xi32>
    %swap3A_391 = vector.shape_cast %add3A_385 : vector<16xi32> to vector<1x16xi32>
    tpu.vector_store %arg8[%swap3A_387, %swap3A_388], %swap3A_391 {strides = array<i32>} : memref<4x128xi32, #tpu.memory_space<vmem>>, vector<1x16xi32>,
    %mul3A_392 = arith.constant 512 : i32
    %mul3A_393 = arith.muli %add3A, %mul3A_392 : i32
    %add3A_394 = arith.constant 128 : i32
    %add3A_395 = arith.addi %mul3A_393, %add3A_394 : i32
    %add3A_396 = arith.constant 112 : i32
    %add3A_397 = arith.addi %add3A_395, %add3A_396 : i32
    %get3A_398 = arith.constant 1 : i32
    %get3A_399 = arith.index_cast %get3A_398 : i32 to index
    %get3A_400 = arith.constant 112 : index
    %get3A_401 = tpu.vector_load %arg8[%get3A_399, %get3A_400] {strides = array<i32>} : memref<4x128xi32, #tpu.memory_space<vmem>>, vector<1x16xi32>,
    %get3A_402 = vector.shape_cast %get3A_401 : vector<1x16xi32> to vector<16xi32>
    %add3A_403 = vector.broadcast %add3A_397 : i32 to vector<16xi32>
    %add3A_404 = arith.addi %iota3A, %add3A_403 : vector<16xi32>
    %and3A_405 = arith.constant 2047 : i32
    %and3A_406 = vector.broadcast %and3A_405 : i32 to vector<16xi32>
    %and3A_407 = arith.andi %add3A_404, %and3A_406 : vector<16xi32>
    %mul3A_408 = arith.constant 3 : i32
    %mul3A_409 = vector.broadcast %mul3A_408 : i32 to vector<16xi32>
    %mul3A_410 = arith.muli %and3A_407, %mul3A_409 : vector<16xi32>
    %add3A_411 = arith.addi %get3A_402, %mul3A_410 : vector<16xi32>
    %swap3A_412 = arith.constant 1 : i32
    %swap3A_413 = arith.index_cast %swap3A_412 : i32 to index
    %swap3A_414 = arith.constant 112 : index
    %swap3A_415 = tpu.vector_load %arg8[%swap3A_413, %swap3A_414] {strides = array<i32>} : memref<4x128xi32, #tpu.memory_space<vmem>>, vector<1x16xi32>,
    %swap3A_416 = vector.shape_cast %swap3A_415 : vector<1x16xi32> to vector<16xi32>
    %swap3A_417 = vector.shape_cast %add3A_411 : vector<16xi32> to vector<1x16xi32>
    tpu.vector_store %arg8[%swap3A_413, %swap3A_414], %swap3A_417 {strides = array<i32>} : memref<4x128xi32, #tpu.memory_space<vmem>>, vector<1x16xi32>,
    %mul3A_418 = arith.constant 512 : i32
    %mul3A_419 = arith.muli %add3A, %mul3A_418 : i32
    %add3A_420 = arith.constant 256 : i32
    %add3A_421 = arith.addi %mul3A_419, %add3A_420 : i32
    %add3A_422 = arith.constant 0 : i32
    %add3A_423 = arith.addi %add3A_421, %add3A_422 : i32
    %get3A_424 = arith.constant 2 : i32
    %get3A_425 = arith.index_cast %get3A_424 : i32 to index
    %get3A_426 = arith.constant 0 : index
    %get3A_427 = tpu.vector_load %arg8[%get3A_425, %get3A_426] {strides = array<i32>} : memref<4x128xi32, #tpu.memory_space<vmem>>, vector<1x16xi32>,
    %get3A_428 = vector.shape_cast %get3A_427 : vector<1x16xi32> to vector<16xi32>
    %add3A_429 = vector.broadcast %add3A_423 : i32 to vector<16xi32>
    %add3A_430 = arith.addi %iota3A, %add3A_429 : vector<16xi32>
    %and3A_431 = arith.constant 2047 : i32
    %and3A_432 = vector.broadcast %and3A_431 : i32 to vector<16xi32>
    %and3A_433 = arith.andi %add3A_430, %and3A_432 : vector<16xi32>
    %mul3A_434 = arith.constant 3 : i32
    %mul3A_435 = vector.broadcast %mul3A_434 : i32 to vector<16xi32>
    %mul3A_436 = arith.muli %and3A_433, %mul3A_435 : vector<16xi32>
    %add3A_437 = arith.addi %get3A_428, %mul3A_436 : vector<16xi32>
    %swap3A_438 = arith.constant 2 : i32
    %swap3A_439 = arith.index_cast %swap3A_438 : i32 to index
    %swap3A_440 = arith.constant 0 : index
    %swap3A_441 = tpu.vector_load %arg8[%swap3A_439, %swap3A_440] {strides = array<i32>} : memref<4x128xi32, #tpu.memory_space<vmem>>, vector<1x16xi32>,
    %swap3A_442 = vector.shape_cast %swap3A_441 : vector<1x16xi32> to vector<16xi32>
    %swap3A_443 = vector.shape_cast %add3A_437 : vector<16xi32> to vector<1x16xi32>
    tpu.vector_store %arg8[%swap3A_439, %swap3A_440], %swap3A_443 {strides = array<i32>} : memref<4x128xi32, #tpu.memory_space<vmem>>, vector<1x16xi32>,
    %mul3A_444 = arith.constant 512 : i32
    %mul3A_445 = arith.muli %add3A, %mul3A_444 : i32
    %add3A_446 = arith.constant 256 : i32
    %add3A_447 = arith.addi %mul3A_445, %add3A_446 : i32
    %add3A_448 = arith.constant 16 : i32
    %add3A_449 = arith.addi %add3A_447, %add3A_448 : i32
    %get3A_450 = arith.constant 2 : i32
    %get3A_451 = arith.index_cast %get3A_450 : i32 to index
    %get3A_452 = arith.constant 16 : index
    %get3A_453 = tpu.vector_load %arg8[%get3A_451, %get3A_452] {strides = array<i32>} : memref<4x128xi32, #tpu.memory_space<vmem>>, vector<1x16xi32>,
    %get3A_454 = vector.shape_cast %get3A_453 : vector<1x16xi32> to vector<16xi32>
    %add3A_455 = vector.broadcast %add3A_449 : i32 to vector<16xi32>
    %add3A_456 = arith.addi %iota3A, %add3A_455 : vector<16xi32>
    %and3A_457 = arith.constant 2047 : i32
    %and3A_458 = vector.broadcast %and3A_457 : i32 to vector<16xi32>
    %and3A_459 = arith.andi %add3A_456, %and3A_458 : vector<16xi32>
    %mul3A_460 = arith.constant 3 : i32
    %mul3A_461 = vector.broadcast %mul3A_460 : i32 to vector<16xi32>
    %mul3A_462 = arith.muli %and3A_459, %mul3A_461 : vector<16xi32>
    %add3A_463 = arith.addi %get3A_454, %mul3A_462 : vector<16xi32>
    %swap3A_464 = arith.constant 2 : i32
    %swap3A_465 = arith.index_cast %swap3A_464 : i32 to index
    %swap3A_466 = arith.constant 16 : index
    %swap3A_467 = tpu.vector_load %arg8[%swap3A_465, %swap3A_466] {strides = array<i32>} : memref<4x128xi32, #tpu.memory_space<vmem>>, vector<1x16xi32>,
    %swap3A_468 = vector.shape_cast %swap3A_467 : vector<1x16xi32> to vector<16xi32>
    %swap3A_469 = vector.shape_cast %add3A_463 : vector<16xi32> to vector<1x16xi32>
    tpu.vector_store %arg8[%swap3A_465, %swap3A_466], %swap3A_469 {strides = array<i32>} : memref<4x128xi32, #tpu.memory_space<vmem>>, vector<1x16xi32>,
    %mul3A_470 = arith.constant 512 : i32
    %mul3A_471 = arith.muli %add3A, %mul3A_470 : i32
    %add3A_472 = arith.constant 256 : i32
    %add3A_473 = arith.addi %mul3A_471, %add3A_472 : i32
    %add3A_474 = arith.constant 32 : i32
    %add3A_475 = arith.addi %add3A_473, %add3A_474 : i32
    %get3A_476 = arith.constant 2 : i32
    %get3A_477 = arith.index_cast %get3A_476 : i32 to index
    %get3A_478 = arith.constant 32 : index
    %get3A_479 = tpu.vector_load %arg8[%get3A_477, %get3A_478] {strides = array<i32>} : memref<4x128xi32, #tpu.memory_space<vmem>>, vector<1x16xi32>,
    %get3A_480 = vector.shape_cast %get3A_479 : vector<1x16xi32> to vector<16xi32>
    %add3A_481 = vector.broadcast %add3A_475 : i32 to vector<16xi32>
    %add3A_482 = arith.addi %iota3A, %add3A_481 : vector<16xi32>
    %and3A_483 = arith.constant 2047 : i32
    %and3A_484 = vector.broadcast %and3A_483 : i32 to vector<16xi32>
    %and3A_485 = arith.andi %add3A_482, %and3A_484 : vector<16xi32>
    %mul3A_486 = arith.constant 3 : i32
    %mul3A_487 = vector.broadcast %mul3A_486 : i32 to vector<16xi32>
    %mul3A_488 = arith.muli %and3A_485, %mul3A_487 : vector<16xi32>
    %add3A_489 = arith.addi %get3A_480, %mul3A_488 : vector<16xi32>
    %swap3A_490 = arith.constant 2 : i32
    %swap3A_491 = arith.index_cast %swap3A_490 : i32 to index
    %swap3A_492 = arith.constant 32 : index
    %swap3A_493 = tpu.vector_load %arg8[%swap3A_491, %swap3A_492] {strides = array<i32>} : memref<4x128xi32, #tpu.memory_space<vmem>>, vector<1x16xi32>,
    %swap3A_494 = vector.shape_cast %swap3A_493 : vector<1x16xi32> to vector<16xi32>
    %swap3A_495 = vector.shape_cast %add3A_489 : vector<16xi32> to vector<1x16xi32>
    tpu.vector_store %arg8[%swap3A_491, %swap3A_492], %swap3A_495 {strides = array<i32>} : memref<4x128xi32, #tpu.memory_space<vmem>>, vector<1x16xi32>,
    %mul3A_496 = arith.constant 512 : i32
    %mul3A_497 = arith.muli %add3A, %mul3A_496 : i32
    %add3A_498 = arith.constant 256 : i32
    %add3A_499 = arith.addi %mul3A_497, %add3A_498 : i32
    %add3A_500 = arith.constant 48 : i32
    %add3A_501 = arith.addi %add3A_499, %add3A_500 : i32
    %get3A_502 = arith.constant 2 : i32
    %get3A_503 = arith.index_cast %get3A_502 : i32 to index
    %get3A_504 = arith.constant 48 : index
    %get3A_505 = tpu.vector_load %arg8[%get3A_503, %get3A_504] {strides = array<i32>} : memref<4x128xi32, #tpu.memory_space<vmem>>, vector<1x16xi32>,
    %get3A_506 = vector.shape_cast %get3A_505 : vector<1x16xi32> to vector<16xi32>
    %add3A_507 = vector.broadcast %add3A_501 : i32 to vector<16xi32>
    %add3A_508 = arith.addi %iota3A, %add3A_507 : vector<16xi32>
    %and3A_509 = arith.constant 2047 : i32
    %and3A_510 = vector.broadcast %and3A_509 : i32 to vector<16xi32>
    %and3A_511 = arith.andi %add3A_508, %and3A_510 : vector<16xi32>
    %mul3A_512 = arith.constant 3 : i32
    %mul3A_513 = vector.broadcast %mul3A_512 : i32 to vector<16xi32>
    %mul3A_514 = arith.muli %and3A_511, %mul3A_513 : vector<16xi32>
    %add3A_515 = arith.addi %get3A_506, %mul3A_514 : vector<16xi32>
    %swap3A_516 = arith.constant 2 : i32
    %swap3A_517 = arith.index_cast %swap3A_516 : i32 to index
    %swap3A_518 = arith.constant 48 : index
    %swap3A_519 = tpu.vector_load %arg8[%swap3A_517, %swap3A_518] {strides = array<i32>} : memref<4x128xi32, #tpu.memory_space<vmem>>, vector<1x16xi32>,
    %swap3A_520 = vector.shape_cast %swap3A_519 : vector<1x16xi32> to vector<16xi32>
    %swap3A_521 = vector.shape_cast %add3A_515 : vector<16xi32> to vector<1x16xi32>
    tpu.vector_store %arg8[%swap3A_517, %swap3A_518], %swap3A_521 {strides = array<i32>} : memref<4x128xi32, #tpu.memory_space<vmem>>, vector<1x16xi32>,
    %mul3A_522 = arith.constant 512 : i32
    %mul3A_523 = arith.muli %add3A, %mul3A_522 : i32
    %add3A_524 = arith.constant 256 : i32
    %add3A_525 = arith.addi %mul3A_523, %add3A_524 : i32
    %add3A_526 = arith.constant 64 : i32
    %add3A_527 = arith.addi %add3A_525, %add3A_526 : i32
    %get3A_528 = arith.constant 2 : i32
    %get3A_529 = arith.index_cast %get3A_528 : i32 to index
    %get3A_530 = arith.constant 64 : index
    %get3A_531 = tpu.vector_load %arg8[%get3A_529, %get3A_530] {strides = array<i32>} : memref<4x128xi32, #tpu.memory_space<vmem>>, vector<1x16xi32>,
    %get3A_532 = vector.shape_cast %get3A_531 : vector<1x16xi32> to vector<16xi32>
    %add3A_533 = vector.broadcast %add3A_527 : i32 to vector<16xi32>
    %add3A_534 = arith.addi %iota3A, %add3A_533 : vector<16xi32>
    %and3A_535 = arith.constant 2047 : i32
    %and3A_536 = vector.broadcast %and3A_535 : i32 to vector<16xi32>
    %and3A_537 = arith.andi %add3A_534, %and3A_536 : vector<16xi32>
    %mul3A_538 = arith.constant 3 : i32
    %mul3A_539 = vector.broadcast %mul3A_538 : i32 to vector<16xi32>
    %mul3A_540 = arith.muli %and3A_537, %mul3A_539 : vector<16xi32>
    %add3A_541 = arith.addi %get3A_532, %mul3A_540 : vector<16xi32>
    %swap3A_542 = arith.constant 2 : i32
    %swap3A_543 = arith.index_cast %swap3A_542 : i32 to index
    %swap3A_544 = arith.constant 64 : index
    %swap3A_545 = tpu.vector_load %arg8[%swap3A_543, %swap3A_544] {strides = array<i32>} : memref<4x128xi32, #tpu.memory_space<vmem>>, vector<1x16xi32>,
    %swap3A_546 = vector.shape_cast %swap3A_545 : vector<1x16xi32> to vector<16xi32>
    %swap3A_547 = vector.shape_cast %add3A_541 : vector<16xi32> to vector<1x16xi32>
    tpu.vector_store %arg8[%swap3A_543, %swap3A_544], %swap3A_547 {strides = array<i32>} : memref<4x128xi32, #tpu.memory_space<vmem>>, vector<1x16xi32>,
    %mul3A_548 = arith.constant 512 : i32
    %mul3A_549 = arith.muli %add3A, %mul3A_548 : i32
    %add3A_550 = arith.constant 256 : i32
    %add3A_551 = arith.addi %mul3A_549, %add3A_550 : i32
    %add3A_552 = arith.constant 80 : i32
    %add3A_553 = arith.addi %add3A_551, %add3A_552 : i32
    %get3A_554 = arith.constant 2 : i32
    %get3A_555 = arith.index_cast %get3A_554 : i32 to index
    %get3A_556 = arith.constant 80 : index
    %get3A_557 = tpu.vector_load %arg8[%get3A_555, %get3A_556] {strides = array<i32>} : memref<4x128xi32, #tpu.memory_space<vmem>>, vector<1x16xi32>,
    %get3A_558 = vector.shape_cast %get3A_557 : vector<1x16xi32> to vector<16xi32>
    %add3A_559 = vector.broadcast %add3A_553 : i32 to vector<16xi32>
    %add3A_560 = arith.addi %iota3A, %add3A_559 : vector<16xi32>
    %and3A_561 = arith.constant 2047 : i32
    %and3A_562 = vector.broadcast %and3A_561 : i32 to vector<16xi32>
    %and3A_563 = arith.andi %add3A_560, %and3A_562 : vector<16xi32>
    %mul3A_564 = arith.constant 3 : i32
    %mul3A_565 = vector.broadcast %mul3A_564 : i32 to vector<16xi32>
    %mul3A_566 = arith.muli %and3A_563, %mul3A_565 : vector<16xi32>
    %add3A_567 = arith.addi %get3A_558, %mul3A_566 : vector<16xi32>
    %swap3A_568 = arith.constant 2 : i32
    %swap3A_569 = arith.index_cast %swap3A_568 : i32 to index
    %swap3A_570 = arith.constant 80 : index
    %swap3A_571 = tpu.vector_load %arg8[%swap3A_569, %swap3A_570] {strides = array<i32>} : memref<4x128xi32, #tpu.memory_space<vmem>>, vector<1x16xi32>,
    %swap3A_572 = vector.shape_cast %swap3A_571 : vector<1x16xi32> to vector<16xi32>
    %swap3A_573 = vector.shape_cast %add3A_567 : vector<16xi32> to vector<1x16xi32>
    tpu.vector_store %arg8[%swap3A_569, %swap3A_570], %swap3A_573 {strides = array<i32>} : memref<4x128xi32, #tpu.memory_space<vmem>>, vector<1x16xi32>,
    %mul3A_574 = arith.constant 512 : i32
    %mul3A_575 = arith.muli %add3A, %mul3A_574 : i32
    %add3A_576 = arith.constant 256 : i32
    %add3A_577 = arith.addi %mul3A_575, %add3A_576 : i32
    %add3A_578 = arith.constant 96 : i32
    %add3A_579 = arith.addi %add3A_577, %add3A_578 : i32
    %get3A_580 = arith.constant 2 : i32
    %get3A_581 = arith.index_cast %get3A_580 : i32 to index
    %get3A_582 = arith.constant 96 : index
    %get3A_583 = tpu.vector_load %arg8[%get3A_581, %get3A_582] {strides = array<i32>} : memref<4x128xi32, #tpu.memory_space<vmem>>, vector<1x16xi32>,
    %get3A_584 = vector.shape_cast %get3A_583 : vector<1x16xi32> to vector<16xi32>
    %add3A_585 = vector.broadcast %add3A_579 : i32 to vector<16xi32>
    %add3A_586 = arith.addi %iota3A, %add3A_585 : vector<16xi32>
    %and3A_587 = arith.constant 2047 : i32
    %and3A_588 = vector.broadcast %and3A_587 : i32 to vector<16xi32>
    %and3A_589 = arith.andi %add3A_586, %and3A_588 : vector<16xi32>
    %mul3A_590 = arith.constant 3 : i32
    %mul3A_591 = vector.broadcast %mul3A_590 : i32 to vector<16xi32>
    %mul3A_592 = arith.muli %and3A_589, %mul3A_591 : vector<16xi32>
    %add3A_593 = arith.addi %get3A_584, %mul3A_592 : vector<16xi32>
    %swap3A_594 = arith.constant 2 : i32
    %swap3A_595 = arith.index_cast %swap3A_594 : i32 to index
    %swap3A_596 = arith.constant 96 : index
    %swap3A_597 = tpu.vector_load %arg8[%swap3A_595, %swap3A_596] {strides = array<i32>} : memref<4x128xi32, #tpu.memory_space<vmem>>, vector<1x16xi32>,
    %swap3A_598 = vector.shape_cast %swap3A_597 : vector<1x16xi32> to vector<16xi32>
    %swap3A_599 = vector.shape_cast %add3A_593 : vector<16xi32> to vector<1x16xi32>
    tpu.vector_store %arg8[%swap3A_595, %swap3A_596], %swap3A_599 {strides = array<i32>} : memref<4x128xi32, #tpu.memory_space<vmem>>, vector<1x16xi32>,
    %mul3A_600 = arith.constant 512 : i32
    %mul3A_601 = arith.muli %add3A, %mul3A_600 : i32
    %add3A_602 = arith.constant 256 : i32
    %add3A_603 = arith.addi %mul3A_601, %add3A_602 : i32
    %add3A_604 = arith.constant 112 : i32
    %add3A_605 = arith.addi %add3A_603, %add3A_604 : i32
    %get3A_606 = arith.constant 2 : i32
    %get3A_607 = arith.index_cast %get3A_606 : i32 to index
    %get3A_608 = arith.constant 112 : index
    %get3A_609 = tpu.vector_load %arg8[%get3A_607, %get3A_608] {strides = array<i32>} : memref<4x128xi32, #tpu.memory_space<vmem>>, vector<1x16xi32>,
    %get3A_610 = vector.shape_cast %get3A_609 : vector<1x16xi32> to vector<16xi32>
    %add3A_611 = vector.broadcast %add3A_605 : i32 to vector<16xi32>
    %add3A_612 = arith.addi %iota3A, %add3A_611 : vector<16xi32>
    %and3A_613 = arith.constant 2047 : i32
    %and3A_614 = vector.broadcast %and3A_613 : i32 to vector<16xi32>
    %and3A_615 = arith.andi %add3A_612, %and3A_614 : vector<16xi32>
    %mul3A_616 = arith.constant 3 : i32
    %mul3A_617 = vector.broadcast %mul3A_616 : i32 to vector<16xi32>
    %mul3A_618 = arith.muli %and3A_615, %mul3A_617 : vector<16xi32>
    %add3A_619 = arith.addi %get3A_610, %mul3A_618 : vector<16xi32>
    %swap3A_620 = arith.constant 2 : i32
    %swap3A_621 = arith.index_cast %swap3A_620 : i32 to index
    %swap3A_622 = arith.constant 112 : index
    %swap3A_623 = tpu.vector_load %arg8[%swap3A_621, %swap3A_622] {strides = array<i32>} : memref<4x128xi32, #tpu.memory_space<vmem>>, vector<1x16xi32>,
    %swap3A_624 = vector.shape_cast %swap3A_623 : vector<1x16xi32> to vector<16xi32>
    %swap3A_625 = vector.shape_cast %add3A_619 : vector<16xi32> to vector<1x16xi32>
    tpu.vector_store %arg8[%swap3A_621, %swap3A_622], %swap3A_625 {strides = array<i32>} : memref<4x128xi32, #tpu.memory_space<vmem>>, vector<1x16xi32>,
    %mul3A_626 = arith.constant 512 : i32
    %mul3A_627 = arith.muli %add3A, %mul3A_626 : i32
    %add3A_628 = arith.constant 384 : i32
    %add3A_629 = arith.addi %mul3A_627, %add3A_628 : i32
    %add3A_630 = arith.constant 0 : i32
    %add3A_631 = arith.addi %add3A_629, %add3A_630 : i32
    %get3A_632 = arith.constant 3 : i32
    %get3A_633 = arith.index_cast %get3A_632 : i32 to index
    %get3A_634 = arith.constant 0 : index
    %get3A_635 = tpu.vector_load %arg8[%get3A_633, %get3A_634] {strides = array<i32>} : memref<4x128xi32, #tpu.memory_space<vmem>>, vector<1x16xi32>,
    %get3A_636 = vector.shape_cast %get3A_635 : vector<1x16xi32> to vector<16xi32>
    %add3A_637 = vector.broadcast %add3A_631 : i32 to vector<16xi32>
    %add3A_638 = arith.addi %iota3A, %add3A_637 : vector<16xi32>
    %and3A_639 = arith.constant 2047 : i32
    %and3A_640 = vector.broadcast %and3A_639 : i32 to vector<16xi32>
    %and3A_641 = arith.andi %add3A_638, %and3A_640 : vector<16xi32>
    %mul3A_642 = arith.constant 3 : i32
    %mul3A_643 = vector.broadcast %mul3A_642 : i32 to vector<16xi32>
    %mul3A_644 = arith.muli %and3A_641, %mul3A_643 : vector<16xi32>
    %add3A_645 = arith.addi %get3A_636, %mul3A_644 : vector<16xi32>
    %swap3A_646 = arith.constant 3 : i32
    %swap3A_647 = arith.index_cast %swap3A_646 : i32 to index
    %swap3A_648 = arith.constant 0 : index
    %swap3A_649 = tpu.vector_load %arg8[%swap3A_647, %swap3A_648] {strides = array<i32>} : memref<4x128xi32, #tpu.memory_space<vmem>>, vector<1x16xi32>,
    %swap3A_650 = vector.shape_cast %swap3A_649 : vector<1x16xi32> to vector<16xi32>
    %swap3A_651 = vector.shape_cast %add3A_645 : vector<16xi32> to vector<1x16xi32>
    tpu.vector_store %arg8[%swap3A_647, %swap3A_648], %swap3A_651 {strides = array<i32>} : memref<4x128xi32, #tpu.memory_space<vmem>>, vector<1x16xi32>,
    %mul3A_652 = arith.constant 512 : i32
    %mul3A_653 = arith.muli %add3A, %mul3A_652 : i32
    %add3A_654 = arith.constant 384 : i32
    %add3A_655 = arith.addi %mul3A_653, %add3A_654 : i32
    %add3A_656 = arith.constant 16 : i32
    %add3A_657 = arith.addi %add3A_655, %add3A_656 : i32
    %get3A_658 = arith.constant 3 : i32
    %get3A_659 = arith.index_cast %get3A_658 : i32 to index
    %get3A_660 = arith.constant 16 : index
    %get3A_661 = tpu.vector_load %arg8[%get3A_659, %get3A_660] {strides = array<i32>} : memref<4x128xi32, #tpu.memory_space<vmem>>, vector<1x16xi32>,
    %get3A_662 = vector.shape_cast %get3A_661 : vector<1x16xi32> to vector<16xi32>
    %add3A_663 = vector.broadcast %add3A_657 : i32 to vector<16xi32>
    %add3A_664 = arith.addi %iota3A, %add3A_663 : vector<16xi32>
    %and3A_665 = arith.constant 2047 : i32
    %and3A_666 = vector.broadcast %and3A_665 : i32 to vector<16xi32>
    %and3A_667 = arith.andi %add3A_664, %and3A_666 : vector<16xi32>
    %mul3A_668 = arith.constant 3 : i32
    %mul3A_669 = vector.broadcast %mul3A_668 : i32 to vector<16xi32>
    %mul3A_670 = arith.muli %and3A_667, %mul3A_669 : vector<16xi32>
    %add3A_671 = arith.addi %get3A_662, %mul3A_670 : vector<16xi32>
    %swap3A_672 = arith.constant 3 : i32
    %swap3A_673 = arith.index_cast %swap3A_672 : i32 to index
    %swap3A_674 = arith.constant 16 : index
    %swap3A_675 = tpu.vector_load %arg8[%swap3A_673, %swap3A_674] {strides = array<i32>} : memref<4x128xi32, #tpu.memory_space<vmem>>, vector<1x16xi32>,
    %swap3A_676 = vector.shape_cast %swap3A_675 : vector<1x16xi32> to vector<16xi32>
    %swap3A_677 = vector.shape_cast %add3A_671 : vector<16xi32> to vector<1x16xi32>
    tpu.vector_store %arg8[%swap3A_673, %swap3A_674], %swap3A_677 {strides = array<i32>} : memref<4x128xi32, #tpu.memory_space<vmem>>, vector<1x16xi32>,
    %mul3A_678 = arith.constant 512 : i32
    %mul3A_679 = arith.muli %add3A, %mul3A_678 : i32
    %add3A_680 = arith.constant 384 : i32
    %add3A_681 = arith.addi %mul3A_679, %add3A_680 : i32
    %add3A_682 = arith.constant 32 : i32
    %add3A_683 = arith.addi %add3A_681, %add3A_682 : i32
    %get3A_684 = arith.constant 3 : i32
    %get3A_685 = arith.index_cast %get3A_684 : i32 to index
    %get3A_686 = arith.constant 32 : index
    %get3A_687 = tpu.vector_load %arg8[%get3A_685, %get3A_686] {strides = array<i32>} : memref<4x128xi32, #tpu.memory_space<vmem>>, vector<1x16xi32>,
    %get3A_688 = vector.shape_cast %get3A_687 : vector<1x16xi32> to vector<16xi32>
    %add3A_689 = vector.broadcast %add3A_683 : i32 to vector<16xi32>
    %add3A_690 = arith.addi %iota3A, %add3A_689 : vector<16xi32>
    %and3A_691 = arith.constant 2047 : i32
    %and3A_692 = vector.broadcast %and3A_691 : i32 to vector<16xi32>
    %and3A_693 = arith.andi %add3A_690, %and3A_692 : vector<16xi32>
    %mul3A_694 = arith.constant 3 : i32
    %mul3A_695 = vector.broadcast %mul3A_694 : i32 to vector<16xi32>
    %mul3A_696 = arith.muli %and3A_693, %mul3A_695 : vector<16xi32>
    %add3A_697 = arith.addi %get3A_688, %mul3A_696 : vector<16xi32>
    %swap3A_698 = arith.constant 3 : i32
    %swap3A_699 = arith.index_cast %swap3A_698 : i32 to index
    %swap3A_700 = arith.constant 32 : index
    %swap3A_701 = tpu.vector_load %arg8[%swap3A_699, %swap3A_700] {strides = array<i32>} : memref<4x128xi32, #tpu.memory_space<vmem>>, vector<1x16xi32>,
    %swap3A_702 = vector.shape_cast %swap3A_701 : vector<1x16xi32> to vector<16xi32>
    %swap3A_703 = vector.shape_cast %add3A_697 : vector<16xi32> to vector<1x16xi32>
    tpu.vector_store %arg8[%swap3A_699, %swap3A_700], %swap3A_703 {strides = array<i32>} : memref<4x128xi32, #tpu.memory_space<vmem>>, vector<1x16xi32>,
    %mul3A_704 = arith.constant 512 : i32
    %mul3A_705 = arith.muli %add3A, %mul3A_704 : i32
    %add3A_706 = arith.constant 384 : i32
    %add3A_707 = arith.addi %mul3A_705, %add3A_706 : i32
    %add3A_708 = arith.constant 48 : i32
    %add3A_709 = arith.addi %add3A_707, %add3A_708 : i32
    %get3A_710 = arith.constant 3 : i32
    %get3A_711 = arith.index_cast %get3A_710 : i32 to index
    %get3A_712 = arith.constant 48 : index
    %get3A_713 = tpu.vector_load %arg8[%get3A_711, %get3A_712] {strides = array<i32>} : memref<4x128xi32, #tpu.memory_space<vmem>>, vector<1x16xi32>,
    %get3A_714 = vector.shape_cast %get3A_713 : vector<1x16xi32> to vector<16xi32>
    %add3A_715 = vector.broadcast %add3A_709 : i32 to vector<16xi32>
    %add3A_716 = arith.addi %iota3A, %add3A_715 : vector<16xi32>
    %and3A_717 = arith.constant 2047 : i32
    %and3A_718 = vector.broadcast %and3A_717 : i32 to vector<16xi32>
    %and3A_719 = arith.andi %add3A_716, %and3A_718 : vector<16xi32>
    %mul3A_720 = arith.constant 3 : i32
    %mul3A_721 = vector.broadcast %mul3A_720 : i32 to vector<16xi32>
    %mul3A_722 = arith.muli %and3A_719, %mul3A_721 : vector<16xi32>
    %add3A_723 = arith.addi %get3A_714, %mul3A_722 : vector<16xi32>
    %swap3A_724 = arith.constant 3 : i32
    %swap3A_725 = arith.index_cast %swap3A_724 : i32 to index
    %swap3A_726 = arith.constant 48 : index
    %swap3A_727 = tpu.vector_load %arg8[%swap3A_725, %swap3A_726] {strides = array<i32>} : memref<4x128xi32, #tpu.memory_space<vmem>>, vector<1x16xi32>,
    %swap3A_728 = vector.shape_cast %swap3A_727 : vector<1x16xi32> to vector<16xi32>
    %swap3A_729 = vector.shape_cast %add3A_723 : vector<16xi32> to vector<1x16xi32>
    tpu.vector_store %arg8[%swap3A_725, %swap3A_726], %swap3A_729 {strides = array<i32>} : memref<4x128xi32, #tpu.memory_space<vmem>>, vector<1x16xi32>,
    %mul3A_730 = arith.constant 512 : i32
    %mul3A_731 = arith.muli %add3A, %mul3A_730 : i32
    %add3A_732 = arith.constant 384 : i32
    %add3A_733 = arith.addi %mul3A_731, %add3A_732 : i32
    %add3A_734 = arith.constant 64 : i32
    %add3A_735 = arith.addi %add3A_733, %add3A_734 : i32
    %get3A_736 = arith.constant 3 : i32
    %get3A_737 = arith.index_cast %get3A_736 : i32 to index
    %get3A_738 = arith.constant 64 : index
    %get3A_739 = tpu.vector_load %arg8[%get3A_737, %get3A_738] {strides = array<i32>} : memref<4x128xi32, #tpu.memory_space<vmem>>, vector<1x16xi32>,
    %get3A_740 = vector.shape_cast %get3A_739 : vector<1x16xi32> to vector<16xi32>
    %add3A_741 = vector.broadcast %add3A_735 : i32 to vector<16xi32>
    %add3A_742 = arith.addi %iota3A, %add3A_741 : vector<16xi32>
    %and3A_743 = arith.constant 2047 : i32
    %and3A_744 = vector.broadcast %and3A_743 : i32 to vector<16xi32>
    %and3A_745 = arith.andi %add3A_742, %and3A_744 : vector<16xi32>
    %mul3A_746 = arith.constant 3 : i32
    %mul3A_747 = vector.broadcast %mul3A_746 : i32 to vector<16xi32>
    %mul3A_748 = arith.muli %and3A_745, %mul3A_747 : vector<16xi32>
    %add3A_749 = arith.addi %get3A_740, %mul3A_748 : vector<16xi32>
    %swap3A_750 = arith.constant 3 : i32
    %swap3A_751 = arith.index_cast %swap3A_750 : i32 to index
    %swap3A_752 = arith.constant 64 : index
    %swap3A_753 = tpu.vector_load %arg8[%swap3A_751, %swap3A_752] {strides = array<i32>} : memref<4x128xi32, #tpu.memory_space<vmem>>, vector<1x16xi32>,
    %swap3A_754 = vector.shape_cast %swap3A_753 : vector<1x16xi32> to vector<16xi32>
    %swap3A_755 = vector.shape_cast %add3A_749 : vector<16xi32> to vector<1x16xi32>
    tpu.vector_store %arg8[%swap3A_751, %swap3A_752], %swap3A_755 {strides = array<i32>} : memref<4x128xi32, #tpu.memory_space<vmem>>, vector<1x16xi32>,
    %mul3A_756 = arith.constant 512 : i32
    %mul3A_757 = arith.muli %add3A, %mul3A_756 : i32
    %add3A_758 = arith.constant 384 : i32
    %add3A_759 = arith.addi %mul3A_757, %add3A_758 : i32
    %add3A_760 = arith.constant 80 : i32
    %add3A_761 = arith.addi %add3A_759, %add3A_760 : i32
    %get3A_762 = arith.constant 3 : i32
    %get3A_763 = arith.index_cast %get3A_762 : i32 to index
    %get3A_764 = arith.constant 80 : index
    %get3A_765 = tpu.vector_load %arg8[%get3A_763, %get3A_764] {strides = array<i32>} : memref<4x128xi32, #tpu.memory_space<vmem>>, vector<1x16xi32>,
    %get3A_766 = vector.shape_cast %get3A_765 : vector<1x16xi32> to vector<16xi32>
    %add3A_767 = vector.broadcast %add3A_761 : i32 to vector<16xi32>
    %add3A_768 = arith.addi %iota3A, %add3A_767 : vector<16xi32>
    %and3A_769 = arith.constant 2047 : i32
    %and3A_770 = vector.broadcast %and3A_769 : i32 to vector<16xi32>
    %and3A_771 = arith.andi %add3A_768, %and3A_770 : vector<16xi32>
    %mul3A_772 = arith.constant 3 : i32
    %mul3A_773 = vector.broadcast %mul3A_772 : i32 to vector<16xi32>
    %mul3A_774 = arith.muli %and3A_771, %mul3A_773 : vector<16xi32>
    %add3A_775 = arith.addi %get3A_766, %mul3A_774 : vector<16xi32>
    %swap3A_776 = arith.constant 3 : i32
    %swap3A_777 = arith.index_cast %swap3A_776 : i32 to index
    %swap3A_778 = arith.constant 80 : index
    %swap3A_779 = tpu.vector_load %arg8[%swap3A_777, %swap3A_778] {strides = array<i32>} : memref<4x128xi32, #tpu.memory_space<vmem>>, vector<1x16xi32>,
    %swap3A_780 = vector.shape_cast %swap3A_779 : vector<1x16xi32> to vector<16xi32>
    %swap3A_781 = vector.shape_cast %add3A_775 : vector<16xi32> to vector<1x16xi32>
    tpu.vector_store %arg8[%swap3A_777, %swap3A_778], %swap3A_781 {strides = array<i32>} : memref<4x128xi32, #tpu.memory_space<vmem>>, vector<1x16xi32>,
    %mul3A_782 = arith.constant 512 : i32
    %mul3A_783 = arith.muli %add3A, %mul3A_782 : i32
    %add3A_784 = arith.constant 384 : i32
    %add3A_785 = arith.addi %mul3A_783, %add3A_784 : i32
    %add3A_786 = arith.constant 96 : i32
    %add3A_787 = arith.addi %add3A_785, %add3A_786 : i32
    %get3A_788 = arith.constant 3 : i32
    %get3A_789 = arith.index_cast %get3A_788 : i32 to index
    %get3A_790 = arith.constant 96 : index
    %get3A_791 = tpu.vector_load %arg8[%get3A_789, %get3A_790] {strides = array<i32>} : memref<4x128xi32, #tpu.memory_space<vmem>>, vector<1x16xi32>,
    %get3A_792 = vector.shape_cast %get3A_791 : vector<1x16xi32> to vector<16xi32>
    %add3A_793 = vector.broadcast %add3A_787 : i32 to vector<16xi32>
    %add3A_794 = arith.addi %iota3A, %add3A_793 : vector<16xi32>
    %and3A_795 = arith.constant 2047 : i32
    %and3A_796 = vector.broadcast %and3A_795 : i32 to vector<16xi32>
    %and3A_797 = arith.andi %add3A_794, %and3A_796 : vector<16xi32>
    %mul3A_798 = arith.constant 3 : i32
    %mul3A_799 = vector.broadcast %mul3A_798 : i32 to vector<16xi32>
    %mul3A_800 = arith.muli %and3A_797, %mul3A_799 : vector<16xi32>
    %add3A_801 = arith.addi %get3A_792, %mul3A_800 : vector<16xi32>
    %swap3A_802 = arith.constant 3 : i32
    %swap3A_803 = arith.index_cast %swap3A_802 : i32 to index
    %swap3A_804 = arith.constant 96 : index
    %swap3A_805 = tpu.vector_load %arg8[%swap3A_803, %swap3A_804] {strides = array<i32>} : memref<4x128xi32, #tpu.memory_space<vmem>>, vector<1x16xi32>,
    %swap3A_806 = vector.shape_cast %swap3A_805 : vector<1x16xi32> to vector<16xi32>
    %swap3A_807 = vector.shape_cast %add3A_801 : vector<16xi32> to vector<1x16xi32>
    tpu.vector_store %arg8[%swap3A_803, %swap3A_804], %swap3A_807 {strides = array<i32>} : memref<4x128xi32, #tpu.memory_space<vmem>>, vector<1x16xi32>,
    %mul3A_808 = arith.constant 512 : i32
    %mul3A_809 = arith.muli %add3A, %mul3A_808 : i32
    %add3A_810 = arith.constant 384 : i32
    %add3A_811 = arith.addi %mul3A_809, %add3A_810 : i32
    %add3A_812 = arith.constant 112 : i32
    %add3A_813 = arith.addi %add3A_811, %add3A_812 : i32
    %get3A_814 = arith.constant 3 : i32
    %get3A_815 = arith.index_cast %get3A_814 : i32 to index
    %get3A_816 = arith.constant 112 : index
    %get3A_817 = tpu.vector_load %arg8[%get3A_815, %get3A_816] {strides = array<i32>} : memref<4x128xi32, #tpu.memory_space<vmem>>, vector<1x16xi32>,
    %get3A_818 = vector.shape_cast %get3A_817 : vector<1x16xi32> to vector<16xi32>
    %add3A_819 = vector.broadcast %add3A_813 : i32 to vector<16xi32>
    %add3A_820 = arith.addi %iota3A, %add3A_819 : vector<16xi32>
    %and3A_821 = arith.constant 2047 : i32
    %and3A_822 = vector.broadcast %and3A_821 : i32 to vector<16xi32>
    %and3A_823 = arith.andi %add3A_820, %and3A_822 : vector<16xi32>
    %mul3A_824 = arith.constant 3 : i32
    %mul3A_825 = vector.broadcast %mul3A_824 : i32 to vector<16xi32>
    %mul3A_826 = arith.muli %and3A_823, %mul3A_825 : vector<16xi32>
    %add3A_827 = arith.addi %get3A_818, %mul3A_826 : vector<16xi32>
    %swap3A_828 = arith.constant 3 : i32
    %swap3A_829 = arith.index_cast %swap3A_828 : i32 to index
    %swap3A_830 = arith.constant 112 : index
    %swap3A_831 = tpu.vector_load %arg8[%swap3A_829, %swap3A_830] {strides = array<i32>} : memref<4x128xi32, #tpu.memory_space<vmem>>, vector<1x16xi32>,
    %swap3A_832 = vector.shape_cast %swap3A_831 : vector<1x16xi32> to vector<16xi32>
    %swap3A_833 = vector.shape_cast %add3A_827 : vector<16xi32> to vector<1x16xi32>
    tpu.vector_store %arg8[%swap3A_829, %swap3A_830], %swap3A_833 {strides = array<i32>} : memref<4x128xi32, #tpu.memory_space<vmem>>, vector<1x16xi32>,
    %dma_start3A = arith.constant 0 : i32
    %dma_start3A_834 = arith.constant 0 : i32
    %dma_start3A_835 = arith.constant 0 : i32
    %dma_start3A_836 = tpu.memref_slice %arg9[%dma_start3A_834, %dma_start3A_835] : memref<512x64xf32, #tpu.memory_space<vmem>> -> memref<128x64xf32, #tpu.memory_space<vmem>>
    %dma_start3A_837 = arith.constant 0 : i32
    %dma_start3A_838 = tpu.memref_slice %arg8[%dma_start3A, %dma_start3A_837] : memref<4x128xi32, #tpu.memory_space<vmem>> -> memref<1x128xi32, #tpu.memory_space<vmem>>
    %dma_start3A_839 = tpu.memref_squeeze %dma_start3A_838 : memref<1x128xi32, #tpu.memory_space<vmem>> -> memref<128xi32, #tpu.memory_space<vmem>>
    %dma_start3A_840 = arith.constant 0 : i32
    %dma_start3A_841 = arith.constant 0 : i32
    %dma_start3A_842 = tpu.memref_slice %arg5[%dma_start3A_840, %dma_start3A_841] : memref<6144x64xf32, #tpu.memory_space<hbm>> -> memref<6144x64xf32, #tpu.memory_space<hbm>>
    tpu.enqueue_indirect_dma source(%dma_start3A_842 : memref<6144x64xf32, #tpu.memory_space<hbm>>) target(%dma_start3A_836 : memref<128x64xf32, #tpu.memory_space<vmem>>) offsets(%dma_start3A_839 : memref<128xi32, #tpu.memory_space<vmem>>) semaphore(%arg13 : memref<!tpu.dma_semaphore, #tpu.memory_space<semaphore_mem>>)
    %dma_start3A_843 = arith.constant 1 : i32
    %dma_start3A_844 = arith.constant 128 : i32
    %dma_start3A_845 = arith.constant 0 : i32
    %dma_start3A_846 = tpu.memref_slice %arg9[%dma_start3A_844, %dma_start3A_845] : memref<512x64xf32, #tpu.memory_space<vmem>> -> memref<128x64xf32, #tpu.memory_space<vmem>>
    %dma_start3A_847 = arith.constant 0 : i32
    %dma_start3A_848 = tpu.memref_slice %arg8[%dma_start3A_843, %dma_start3A_847] : memref<4x128xi32, #tpu.memory_space<vmem>> -> memref<1x128xi32, #tpu.memory_space<vmem>>
    %dma_start3A_849 = tpu.memref_squeeze %dma_start3A_848 : memref<1x128xi32, #tpu.memory_space<vmem>> -> memref<128xi32, #tpu.memory_space<vmem>>
    %dma_start3A_850 = arith.constant 0 : i32
    %dma_start3A_851 = arith.constant 0 : i32
    %dma_start3A_852 = tpu.memref_slice %arg5[%dma_start3A_850, %dma_start3A_851] : memref<6144x64xf32, #tpu.memory_space<hbm>> -> memref<6144x64xf32, #tpu.memory_space<hbm>>
    tpu.enqueue_indirect_dma source(%dma_start3A_852 : memref<6144x64xf32, #tpu.memory_space<hbm>>) target(%dma_start3A_846 : memref<128x64xf32, #tpu.memory_space<vmem>>) offsets(%dma_start3A_849 : memref<128xi32, #tpu.memory_space<vmem>>) semaphore(%arg13 : memref<!tpu.dma_semaphore, #tpu.memory_space<semaphore_mem>>)
    %dma_start3A_853 = arith.constant 2 : i32
    %dma_start3A_854 = arith.constant 256 : i32
    %dma_start3A_855 = arith.constant 0 : i32
    %dma_start3A_856 = tpu.memref_slice %arg9[%dma_start3A_854, %dma_start3A_855] : memref<512x64xf32, #tpu.memory_space<vmem>> -> memref<128x64xf32, #tpu.memory_space<vmem>>
    %dma_start3A_857 = arith.constant 0 : i32
    %dma_start3A_858 = tpu.memref_slice %arg8[%dma_start3A_853, %dma_start3A_857] : memref<4x128xi32, #tpu.memory_space<vmem>> -> memref<1x128xi32, #tpu.memory_space<vmem>>
    %dma_start3A_859 = tpu.memref_squeeze %dma_start3A_858 : memref<1x128xi32, #tpu.memory_space<vmem>> -> memref<128xi32, #tpu.memory_space<vmem>>
    %dma_start3A_860 = arith.constant 0 : i32
    %dma_start3A_861 = arith.constant 0 : i32
    %dma_start3A_862 = tpu.memref_slice %arg5[%dma_start3A_860, %dma_start3A_861] : memref<6144x64xf32, #tpu.memory_space<hbm>> -> memref<6144x64xf32, #tpu.memory_space<hbm>>
    tpu.enqueue_indirect_dma source(%dma_start3A_862 : memref<6144x64xf32, #tpu.memory_space<hbm>>) target(%dma_start3A_856 : memref<128x64xf32, #tpu.memory_space<vmem>>) offsets(%dma_start3A_859 : memref<128xi32, #tpu.memory_space<vmem>>) semaphore(%arg13 : memref<!tpu.dma_semaphore, #tpu.memory_space<semaphore_mem>>)
    %dma_start3A_863 = arith.constant 3 : i32
    %dma_start3A_864 = arith.constant 384 : i32
    %dma_start3A_865 = arith.constant 0 : i32
    %dma_start3A_866 = tpu.memref_slice %arg9[%dma_start3A_864, %dma_start3A_865] : memref<512x64xf32, #tpu.memory_space<vmem>> -> memref<128x64xf32, #tpu.memory_space<vmem>>
    %dma_start3A_867 = arith.constant 0 : i32
    %dma_start3A_868 = tpu.memref_slice %arg8[%dma_start3A_863, %dma_start3A_867] : memref<4x128xi32, #tpu.memory_space<vmem>> -> memref<1x128xi32, #tpu.memory_space<vmem>>
    %dma_start3A_869 = tpu.memref_squeeze %dma_start3A_868 : memref<1x128xi32, #tpu.memory_space<vmem>> -> memref<128xi32, #tpu.memory_space<vmem>>
    %dma_start3A_870 = arith.constant 0 : i32
    %dma_start3A_871 = arith.constant 0 : i32
    %dma_start3A_872 = tpu.memref_slice %arg5[%dma_start3A_870, %dma_start3A_871] : memref<6144x64xf32, #tpu.memory_space<hbm>> -> memref<6144x64xf32, #tpu.memory_space<hbm>>
    tpu.enqueue_indirect_dma source(%dma_start3A_872 : memref<6144x64xf32, #tpu.memory_space<hbm>>) target(%dma_start3A_866 : memref<128x64xf32, #tpu.memory_space<vmem>>) offsets(%dma_start3A_869 : memref<128xi32, #tpu.memory_space<vmem>>) semaphore(%arg13 : memref<!tpu.dma_semaphore, #tpu.memory_space<semaphore_mem>>)
    %dma_wait3A = arith.constant 0 : i32
    %dma_wait3A_873 = arith.constant 0 : i32
    %dma_wait3A_874 = tpu.memref_slice %arg6[%dma_wait3A, %dma_wait3A_873] : memref<819200x64xf32, #tpu.memory_space<hbm>> -> memref<512x64xf32, #tpu.memory_space<hbm>>
    %dma_wait3A_875 = arith.constant 0 : i32
    %dma_wait3A_876 = arith.constant 0 : i32
    %dma_wait3A_877 = tpu.memref_slice %arg6[%dma_wait3A_875, %dma_wait3A_876] : memref<819200x64xf32, #tpu.memory_space<hbm>> -> memref<512x64xf32, #tpu.memory_space<hbm>>
    tpu.wait_dma2 semaphore(%arg13 : memref<!tpu.dma_semaphore, #tpu.memory_space<semaphore_mem>>) src(%dma_wait3A_877 : memref<512x64xf32, #tpu.memory_space<hbm>>) dst(%arg9 : memref<512x64xf32, #tpu.memory_space<vmem>>)
    %dma_start3A_878 = arith.constant 0 : i32
    %dma_start3A_879 = arith.constant 0 : i32
    %dma_start3A_880 = arith.constant 0 : i32
    %dma_start3A_881 = tpu.memref_slice %arg9[%dma_start3A_879, %dma_start3A_880] : memref<512x64xf32, #tpu.memory_space<vmem>> -> memref<128x64xf32, #tpu.memory_space<vmem>>
    %dma_start3A_882 = arith.constant 0 : i32
    %dma_start3A_883 = tpu.memref_slice %arg7[%dma_start3A_878, %dma_start3A_882] : memref<4x128xi32, #tpu.memory_space<vmem>> -> memref<1x128xi32, #tpu.memory_space<vmem>>
    %dma_start3A_884 = tpu.memref_squeeze %dma_start3A_883 : memref<1x128xi32, #tpu.memory_space<vmem>> -> memref<128xi32, #tpu.memory_space<vmem>>
    %dma_start3A_885 = arith.constant 0 : i32
    %dma_start3A_886 = arith.constant 0 : i32
    %dma_start3A_887 = tpu.memref_slice %arg4[%dma_start3A_885, %dma_start3A_886] : memref<1000000x64xf32, #tpu.memory_space<hbm>> -> memref<1000000x64xf32, #tpu.memory_space<hbm>>
    tpu.enqueue_indirect_dma source(%dma_start3A_887 : memref<1000000x64xf32, #tpu.memory_space<hbm>>) target(%dma_start3A_881 : memref<128x64xf32, #tpu.memory_space<vmem>>) offsets(%dma_start3A_884 : memref<128xi32, #tpu.memory_space<vmem>>) semaphore(%arg13 : memref<!tpu.dma_semaphore, #tpu.memory_space<semaphore_mem>>) {add = true}
    %dma_start3A_888 = arith.constant 1 : i32
    %dma_start3A_889 = arith.constant 128 : i32
    %dma_start3A_890 = arith.constant 0 : i32
    %dma_start3A_891 = tpu.memref_slice %arg9[%dma_start3A_889, %dma_start3A_890] : memref<512x64xf32, #tpu.memory_space<vmem>> -> memref<128x64xf32, #tpu.memory_space<vmem>>
    %dma_start3A_892 = arith.constant 0 : i32
    %dma_start3A_893 = tpu.memref_slice %arg7[%dma_start3A_888, %dma_start3A_892] : memref<4x128xi32, #tpu.memory_space<vmem>> -> memref<1x128xi32, #tpu.memory_space<vmem>>
    %dma_start3A_894 = tpu.memref_squeeze %dma_start3A_893 : memref<1x128xi32, #tpu.memory_space<vmem>> -> memref<128xi32, #tpu.memory_space<vmem>>
    %dma_start3A_895 = arith.constant 0 : i32
    %dma_start3A_896 = arith.constant 0 : i32
    %dma_start3A_897 = tpu.memref_slice %arg4[%dma_start3A_895, %dma_start3A_896] : memref<1000000x64xf32, #tpu.memory_space<hbm>> -> memref<1000000x64xf32, #tpu.memory_space<hbm>>
    tpu.enqueue_indirect_dma source(%dma_start3A_897 : memref<1000000x64xf32, #tpu.memory_space<hbm>>) target(%dma_start3A_891 : memref<128x64xf32, #tpu.memory_space<vmem>>) offsets(%dma_start3A_894 : memref<128xi32, #tpu.memory_space<vmem>>) semaphore(%arg13 : memref<!tpu.dma_semaphore, #tpu.memory_space<semaphore_mem>>) {add = true}
    %dma_start3A_898 = arith.constant 2 : i32
    %dma_start3A_899 = arith.constant 256 : i32
    %dma_start3A_900 = arith.constant 0 : i32
    %dma_start3A_901 = tpu.memref_slice %arg9[%dma_start3A_899, %dma_start3A_900] : memref<512x64xf32, #tpu.memory_space<vmem>> -> memref<128x64xf32, #tpu.memory_space<vmem>>
    %dma_start3A_902 = arith.constant 0 : i32
    %dma_start3A_903 = tpu.memref_slice %arg7[%dma_start3A_898, %dma_start3A_902] : memref<4x128xi32, #tpu.memory_space<vmem>> -> memref<1x128xi32, #tpu.memory_space<vmem>>
    %dma_start3A_904 = tpu.memref_squeeze %dma_start3A_903 : memref<1x128xi32, #tpu.memory_space<vmem>> -> memref<128xi32, #tpu.memory_space<vmem>>
    %dma_start3A_905 = arith.constant 0 : i32
    %dma_start3A_906 = arith.constant 0 : i32
    %dma_start3A_907 = tpu.memref_slice %arg4[%dma_start3A_905, %dma_start3A_906] : memref<1000000x64xf32, #tpu.memory_space<hbm>> -> memref<1000000x64xf32, #tpu.memory_space<hbm>>
    tpu.enqueue_indirect_dma source(%dma_start3A_907 : memref<1000000x64xf32, #tpu.memory_space<hbm>>) target(%dma_start3A_901 : memref<128x64xf32, #tpu.memory_space<vmem>>) offsets(%dma_start3A_904 : memref<128xi32, #tpu.memory_space<vmem>>) semaphore(%arg13 : memref<!tpu.dma_semaphore, #tpu.memory_space<semaphore_mem>>) {add = true}
    %dma_start3A_908 = arith.constant 3 : i32
    %dma_start3A_909 = arith.constant 384 : i32
    %dma_start3A_910 = arith.constant 0 : i32
    %dma_start3A_911 = tpu.memref_slice %arg9[%dma_start3A_909, %dma_start3A_910] : memref<512x64xf32, #tpu.memory_space<vmem>> -> memref<128x64xf32, #tpu.memory_space<vmem>>
    %dma_start3A_912 = arith.constant 0 : i32
    %dma_start3A_913 = tpu.memref_slice %arg7[%dma_start3A_908, %dma_start3A_912] : memref<4x128xi32, #tpu.memory_space<vmem>> -> memref<1x128xi32, #tpu.memory_space<vmem>>
    %dma_start3A_914 = tpu.memref_squeeze %dma_start3A_913 : memref<1x128xi32, #tpu.memory_space<vmem>> -> memref<128xi32, #tpu.memory_space<vmem>>
    %dma_start3A_915 = arith.constant 0 : i32
    %dma_start3A_916 = arith.constant 0 : i32
    %dma_start3A_917 = tpu.memref_slice %arg4[%dma_start3A_915, %dma_start3A_916] : memref<1000000x64xf32, #tpu.memory_space<hbm>> -> memref<1000000x64xf32, #tpu.memory_space<hbm>>
    tpu.enqueue_indirect_dma source(%dma_start3A_917 : memref<1000000x64xf32, #tpu.memory_space<hbm>>) target(%dma_start3A_911 : memref<128x64xf32, #tpu.memory_space<vmem>>) offsets(%dma_start3A_914 : memref<128xi32, #tpu.memory_space<vmem>>) semaphore(%arg13 : memref<!tpu.dma_semaphore, #tpu.memory_space<semaphore_mem>>) {add = true}
    %scan3A = arith.constant 0 : i32
    %scan3A_918 = arith.constant 0 : i32
    %scan3A_919 = arith.constant 25 : i32
    %scan3A_920 = arith.addi %scan3A_918, %scan3A_919 : i32
    %scan3A_921 = arith.constant 1 : i32
    %scan3A_922 = scf.for %scan3A_930 = %scan3A_918 to %scan3A_920 step %scan3A_921 iter_args(%scan3A_931 = %scan3A) -> (i32)  : i32 {
      %mul3A_932 = arith.constant 2 : i32
      %mul3A_933 = arith.muli %mul3A_932, %scan3A_930 : i32
      %add3A_934 = arith.constant 1 : i32
      %add3A_935 = arith.addi %mul3A_933, %add3A_934 : i32
      %add3A_936 = arith.constant 2 : i32
      %add3A_937 = arith.addi %mul3A_933, %add3A_936 : i32
      %ne3A = arith.constant 0 : i32
      %ne3A_938 = arith.cmpi ne, %scan3A_930, %ne3A : i32
      %convert_element_type3A = arith.extui %ne3A_938 : i1 to i32
      %cond3A = arith.constant 0 : i32
      %cond3A_939 = arith.cmpi ne, %convert_element_type3A, %cond3A : i32
      scf.if %cond3A_939 {
        %dma_wait3A_1907 = arith.constant 0 : i32
        %dma_wait3A_1908 = arith.constant 0 : i32
        %dma_wait3A_1909 = tpu.memref_slice %arg6[%dma_wait3A_1907, %dma_wait3A_1908] : memref<819200x64xf32, #tpu.memory_space<hbm>> -> memref<512x64xf32, #tpu.memory_space<hbm>>
        %dma_wait3A_1910 = arith.constant 0 : i32
        %dma_wait3A_1911 = arith.constant 0 : i32
        %dma_wait3A_1912 = tpu.memref_slice %arg6[%dma_wait3A_1910, %dma_wait3A_1911] : memref<819200x64xf32, #tpu.memory_space<hbm>> -> memref<512x64xf32, #tpu.memory_space<hbm>>
        tpu.wait_dma2 semaphore(%arg16 : memref<!tpu.dma_semaphore, #tpu.memory_space<semaphore_mem>>) src(%arg12 : memref<512x64xf32, #tpu.memory_space<vmem>>) dst(%dma_wait3A_1912 : memref<512x64xf32, #tpu.memory_space<hbm>>)
      } else {
      }
      %mul3A_940 = arith.constant 4 : i32
      %mul3A_941 = arith.muli %add3A_935, %mul3A_940 : i32
      %add3A_942 = arith.addi %mul3A_2, %mul3A_941 : i32
      "tpu.region"() ({
        %run_scoped3A = tpu.sem_alloc : memref<!tpu.dma_semaphore, #tpu.memory_space<semaphore_mem>>
        %dma_start3A_1907 = arith.constant 0 : i32
        %dma_start3A_1908 = tpu.memref_slice %arg2[%add3A_942, %dma_start3A_1907] : memref<6400x128xi32, #tpu.memory_space<hbm>> -> memref<4x128xi32, #tpu.memory_space<hbm>>
        %dma_start3A_1909 = arith.constant 0 : i32
        %dma_start3A_1910 = tpu.memref_slice %arg2[%add3A_942, %dma_start3A_1909] : memref<6400x128xi32, #tpu.memory_space<hbm>> -> memref<4x128xi32, #tpu.memory_space<hbm>>
        tpu.enqueue_dma source(%dma_start3A_1910 : memref<4x128xi32, #tpu.memory_space<hbm>>) target(%arg10 : memref<4x128xi32, #tpu.memory_space<vmem>>) target_semaphore(%run_scoped3A : memref<!tpu.dma_semaphore, #tpu.memory_space<semaphore_mem>>)
        %dma_wait3A_1911 = arith.constant 0 : i32
        %dma_wait3A_1912 = tpu.memref_slice %arg2[%add3A_942, %dma_wait3A_1911] : memref<6400x128xi32, #tpu.memory_space<hbm>> -> memref<4x128xi32, #tpu.memory_space<hbm>>
        %dma_wait3A_1913 = arith.constant 0 : i32
        %dma_wait3A_1914 = tpu.memref_slice %arg2[%add3A_942, %dma_wait3A_1913] : memref<6400x128xi32, #tpu.memory_space<hbm>> -> memref<4x128xi32, #tpu.memory_space<hbm>>
        tpu.wait_dma2 semaphore(%run_scoped3A : memref<!tpu.dma_semaphore, #tpu.memory_space<semaphore_mem>>) src(%dma_wait3A_1914 : memref<4x128xi32, #tpu.memory_space<hbm>>) dst(%arg10 : memref<4x128xi32, #tpu.memory_space<vmem>>)
        tpu.yield
      }) : () -> ()
      "tpu.region"() ({
        %run_scoped3A = tpu.sem_alloc : memref<!tpu.dma_semaphore, #tpu.memory_space<semaphore_mem>>
        %dma_start3A_1907 = arith.constant 0 : i32
        %dma_start3A_1908 = tpu.memref_slice %arg3[%add3A_942, %dma_start3A_1907] : memref<6400x128xi32, #tpu.memory_space<hbm>> -> memref<4x128xi32, #tpu.memory_space<hbm>>
        %dma_start3A_1909 = arith.constant 0 : i32
        %dma_start3A_1910 = tpu.memref_slice %arg3[%add3A_942, %dma_start3A_1909] : memref<6400x128xi32, #tpu.memory_space<hbm>> -> memref<4x128xi32, #tpu.memory_space<hbm>>
        tpu.enqueue_dma source(%dma_start3A_1910 : memref<4x128xi32, #tpu.memory_space<hbm>>) target(%arg11 : memref<4x128xi32, #tpu.memory_space<vmem>>) target_semaphore(%run_scoped3A : memref<!tpu.dma_semaphore, #tpu.memory_space<semaphore_mem>>)
        %dma_wait3A_1911 = arith.constant 0 : i32
        %dma_wait3A_1912 = tpu.memref_slice %arg3[%add3A_942, %dma_wait3A_1911] : memref<6400x128xi32, #tpu.memory_space<hbm>> -> memref<4x128xi32, #tpu.memory_space<hbm>>
        %dma_wait3A_1913 = arith.constant 0 : i32
        %dma_wait3A_1914 = tpu.memref_slice %arg3[%add3A_942, %dma_wait3A_1913] : memref<6400x128xi32, #tpu.memory_space<hbm>> -> memref<4x128xi32, #tpu.memory_space<hbm>>
        tpu.wait_dma2 semaphore(%run_scoped3A : memref<!tpu.dma_semaphore, #tpu.memory_space<semaphore_mem>>) src(%dma_wait3A_1914 : memref<4x128xi32, #tpu.memory_space<hbm>>) dst(%arg11 : memref<4x128xi32, #tpu.memory_space<vmem>>)
        tpu.yield
      }) : () -> ()
      %mul3A_943 = arith.constant 512 : i32
      %mul3A_944 = arith.muli %add3A, %mul3A_943 : i32
      %add3A_945 = arith.constant 0 : i32
      %add3A_946 = arith.addi %mul3A_944, %add3A_945 : i32
      %add3A_947 = arith.constant 0 : i32
      %add3A_948 = arith.addi %add3A_946, %add3A_947 : i32
      %get3A_949 = arith.constant 0 : i32
      %get3A_950 = arith.index_cast %get3A_949 : i32 to index
      %get3A_951 = arith.constant 0 : index
      %get3A_952 = tpu.vector_load %arg11[%get3A_950, %get3A_951] {strides = array<i32>} : memref<4x128xi32, #tpu.memory_space<vmem>>, vector<1x16xi32>,
      %get3A_953 = vector.shape_cast %get3A_952 : vector<1x16xi32> to vector<16xi32>
      %add3A_954 = vector.broadcast %add3A_948 : i32 to vector<16xi32>
      %add3A_955 = arith.addi %iota3A, %add3A_954 : vector<16xi32>
      %and3A_956 = arith.constant 2047 : i32
      %and3A_957 = vector.broadcast %and3A_956 : i32 to vector<16xi32>
      %and3A_958 = arith.andi %add3A_955, %and3A_957 : vector<16xi32>
      %mul3A_959 = arith.constant 3 : i32
      %mul3A_960 = vector.broadcast %mul3A_959 : i32 to vector<16xi32>
      %mul3A_961 = arith.muli %and3A_958, %mul3A_960 : vector<16xi32>
      %add3A_962 = arith.addi %get3A_953, %mul3A_961 : vector<16xi32>
      %swap3A_963 = arith.constant 0 : i32
      %swap3A_964 = arith.index_cast %swap3A_963 : i32 to index
      %swap3A_965 = arith.constant 0 : index
      %swap3A_966 = tpu.vector_load %arg11[%swap3A_964, %swap3A_965] {strides = array<i32>} : memref<4x128xi32, #tpu.memory_space<vmem>>, vector<1x16xi32>,
      %swap3A_967 = vector.shape_cast %swap3A_966 : vector<1x16xi32> to vector<16xi32>
      %swap3A_968 = vector.shape_cast %add3A_962 : vector<16xi32> to vector<1x16xi32>
      tpu.vector_store %arg11[%swap3A_964, %swap3A_965], %swap3A_968 {strides = array<i32>} : memref<4x128xi32, #tpu.memory_space<vmem>>, vector<1x16xi32>,
      %mul3A_969 = arith.constant 512 : i32
      %mul3A_970 = arith.muli %add3A, %mul3A_969 : i32
      %add3A_971 = arith.constant 0 : i32
      %add3A_972 = arith.addi %mul3A_970, %add3A_971 : i32
      %add3A_973 = arith.constant 16 : i32
      %add3A_974 = arith.addi %add3A_972, %add3A_973 : i32
      %get3A_975 = arith.constant 0 : i32
      %get3A_976 = arith.index_cast %get3A_975 : i32 to index
      %get3A_977 = arith.constant 16 : index
      %get3A_978 = tpu.vector_load %arg11[%get3A_976, %get3A_977] {strides = array<i32>} : memref<4x128xi32, #tpu.memory_space<vmem>>, vector<1x16xi32>,
      %get3A_979 = vector.shape_cast %get3A_978 : vector<1x16xi32> to vector<16xi32>
      %add3A_980 = vector.broadcast %add3A_974 : i32 to vector<16xi32>
      %add3A_981 = arith.addi %iota3A, %add3A_980 : vector<16xi32>
      %and3A_982 = arith.constant 2047 : i32
      %and3A_983 = vector.broadcast %and3A_982 : i32 to vector<16xi32>
      %and3A_984 = arith.andi %add3A_981, %and3A_983 : vector<16xi32>
      %mul3A_985 = arith.constant 3 : i32
      %mul3A_986 = vector.broadcast %mul3A_985 : i32 to vector<16xi32>
      %mul3A_987 = arith.muli %and3A_984, %mul3A_986 : vector<16xi32>
      %add3A_988 = arith.addi %get3A_979, %mul3A_987 : vector<16xi32>
      %swap3A_989 = arith.constant 0 : i32
      %swap3A_990 = arith.index_cast %swap3A_989 : i32 to index
      %swap3A_991 = arith.constant 16 : index
      %swap3A_992 = tpu.vector_load %arg11[%swap3A_990, %swap3A_991] {strides = array<i32>} : memref<4x128xi32, #tpu.memory_space<vmem>>, vector<1x16xi32>,
      %swap3A_993 = vector.shape_cast %swap3A_992 : vector<1x16xi32> to vector<16xi32>
      %swap3A_994 = vector.shape_cast %add3A_988 : vector<16xi32> to vector<1x16xi32>
      tpu.vector_store %arg11[%swap3A_990, %swap3A_991], %swap3A_994 {strides = array<i32>} : memref<4x128xi32, #tpu.memory_space<vmem>>, vector<1x16xi32>,
      %mul3A_995 = arith.constant 512 : i32
      %mul3A_996 = arith.muli %add3A, %mul3A_995 : i32
      %add3A_997 = arith.constant 0 : i32
      %add3A_998 = arith.addi %mul3A_996, %add3A_997 : i32
      %add3A_999 = arith.constant 32 : i32
      %add3A_1000 = arith.addi %add3A_998, %add3A_999 : i32
      %get3A_1001 = arith.constant 0 : i32
      %get3A_1002 = arith.index_cast %get3A_1001 : i32 to index
      %get3A_1003 = arith.constant 32 : index
      %get3A_1004 = tpu.vector_load %arg11[%get3A_1002, %get3A_1003] {strides = array<i32>} : memref<4x128xi32, #tpu.memory_space<vmem>>, vector<1x16xi32>,
      %get3A_1005 = vector.shape_cast %get3A_1004 : vector<1x16xi32> to vector<16xi32>
      %add3A_1006 = vector.broadcast %add3A_1000 : i32 to vector<16xi32>
      %add3A_1007 = arith.addi %iota3A, %add3A_1006 : vector<16xi32>
      %and3A_1008 = arith.constant 2047 : i32
      %and3A_1009 = vector.broadcast %and3A_1008 : i32 to vector<16xi32>
      %and3A_1010 = arith.andi %add3A_1007, %and3A_1009 : vector<16xi32>
      %mul3A_1011 = arith.constant 3 : i32
      %mul3A_1012 = vector.broadcast %mul3A_1011 : i32 to vector<16xi32>
      %mul3A_1013 = arith.muli %and3A_1010, %mul3A_1012 : vector<16xi32>
      %add3A_1014 = arith.addi %get3A_1005, %mul3A_1013 : vector<16xi32>
      %swap3A_1015 = arith.constant 0 : i32
      %swap3A_1016 = arith.index_cast %swap3A_1015 : i32 to index
      %swap3A_1017 = arith.constant 32 : index
      %swap3A_1018 = tpu.vector_load %arg11[%swap3A_1016, %swap3A_1017] {strides = array<i32>} : memref<4x128xi32, #tpu.memory_space<vmem>>, vector<1x16xi32>,
      %swap3A_1019 = vector.shape_cast %swap3A_1018 : vector<1x16xi32> to vector<16xi32>
      %swap3A_1020 = vector.shape_cast %add3A_1014 : vector<16xi32> to vector<1x16xi32>
      tpu.vector_store %arg11[%swap3A_1016, %swap3A_1017], %swap3A_1020 {strides = array<i32>} : memref<4x128xi32, #tpu.memory_space<vmem>>, vector<1x16xi32>,
      %mul3A_1021 = arith.constant 512 : i32
      %mul3A_1022 = arith.muli %add3A, %mul3A_1021 : i32
      %add3A_1023 = arith.constant 0 : i32
      %add3A_1024 = arith.addi %mul3A_1022, %add3A_1023 : i32
      %add3A_1025 = arith.constant 48 : i32
      %add3A_1026 = arith.addi %add3A_1024, %add3A_1025 : i32
      %get3A_1027 = arith.constant 0 : i32
      %get3A_1028 = arith.index_cast %get3A_1027 : i32 to index
      %get3A_1029 = arith.constant 48 : index
      %get3A_1030 = tpu.vector_load %arg11[%get3A_1028, %get3A_1029] {strides = array<i32>} : memref<4x128xi32, #tpu.memory_space<vmem>>, vector<1x16xi32>,
      %get3A_1031 = vector.shape_cast %get3A_1030 : vector<1x16xi32> to vector<16xi32>
      %add3A_1032 = vector.broadcast %add3A_1026 : i32 to vector<16xi32>
      %add3A_1033 = arith.addi %iota3A, %add3A_1032 : vector<16xi32>
      %and3A_1034 = arith.constant 2047 : i32
      %and3A_1035 = vector.broadcast %and3A_1034 : i32 to vector<16xi32>
      %and3A_1036 = arith.andi %add3A_1033, %and3A_1035 : vector<16xi32>
      %mul3A_1037 = arith.constant 3 : i32
      %mul3A_1038 = vector.broadcast %mul3A_1037 : i32 to vector<16xi32>
      %mul3A_1039 = arith.muli %and3A_1036, %mul3A_1038 : vector<16xi32>
      %add3A_1040 = arith.addi %get3A_1031, %mul3A_1039 : vector<16xi32>
      %swap3A_1041 = arith.constant 0 : i32
      %swap3A_1042 = arith.index_cast %swap3A_1041 : i32 to index
      %swap3A_1043 = arith.constant 48 : index
      %swap3A_1044 = tpu.vector_load %arg11[%swap3A_1042, %swap3A_1043] {strides = array<i32>} : memref<4x128xi32, #tpu.memory_space<vmem>>, vector<1x16xi32>,
      %swap3A_1045 = vector.shape_cast %swap3A_1044 : vector<1x16xi32> to vector<16xi32>
      %swap3A_1046 = vector.shape_cast %add3A_1040 : vector<16xi32> to vector<1x16xi32>
      tpu.vector_store %arg11[%swap3A_1042, %swap3A_1043], %swap3A_1046 {strides = array<i32>} : memref<4x128xi32, #tpu.memory_space<vmem>>, vector<1x16xi32>,
      %mul3A_1047 = arith.constant 512 : i32
      %mul3A_1048 = arith.muli %add3A, %mul3A_1047 : i32
      %add3A_1049 = arith.constant 0 : i32
      %add3A_1050 = arith.addi %mul3A_1048, %add3A_1049 : i32
      %add3A_1051 = arith.constant 64 : i32
      %add3A_1052 = arith.addi %add3A_1050, %add3A_1051 : i32
      %get3A_1053 = arith.constant 0 : i32
      %get3A_1054 = arith.index_cast %get3A_1053 : i32 to index
      %get3A_1055 = arith.constant 64 : index
      %get3A_1056 = tpu.vector_load %arg11[%get3A_1054, %get3A_1055] {strides = array<i32>} : memref<4x128xi32, #tpu.memory_space<vmem>>, vector<1x16xi32>,
      %get3A_1057 = vector.shape_cast %get3A_1056 : vector<1x16xi32> to vector<16xi32>
      %add3A_1058 = vector.broadcast %add3A_1052 : i32 to vector<16xi32>
      %add3A_1059 = arith.addi %iota3A, %add3A_1058 : vector<16xi32>
      %and3A_1060 = arith.constant 2047 : i32
      %and3A_1061 = vector.broadcast %and3A_1060 : i32 to vector<16xi32>
      %and3A_1062 = arith.andi %add3A_1059, %and3A_1061 : vector<16xi32>
      %mul3A_1063 = arith.constant 3 : i32
      %mul3A_1064 = vector.broadcast %mul3A_1063 : i32 to vector<16xi32>
      %mul3A_1065 = arith.muli %and3A_1062, %mul3A_1064 : vector<16xi32>
      %add3A_1066 = arith.addi %get3A_1057, %mul3A_1065 : vector<16xi32>
      %swap3A_1067 = arith.constant 0 : i32
      %swap3A_1068 = arith.index_cast %swap3A_1067 : i32 to index
      %swap3A_1069 = arith.constant 64 : index
      %swap3A_1070 = tpu.vector_load %arg11[%swap3A_1068, %swap3A_1069] {strides = array<i32>} : memref<4x128xi32, #tpu.memory_space<vmem>>, vector<1x16xi32>,
      %swap3A_1071 = vector.shape_cast %swap3A_1070 : vector<1x16xi32> to vector<16xi32>
      %swap3A_1072 = vector.shape_cast %add3A_1066 : vector<16xi32> to vector<1x16xi32>
      tpu.vector_store %arg11[%swap3A_1068, %swap3A_1069], %swap3A_1072 {strides = array<i32>} : memref<4x128xi32, #tpu.memory_space<vmem>>, vector<1x16xi32>,
      %mul3A_1073 = arith.constant 512 : i32
      %mul3A_1074 = arith.muli %add3A, %mul3A_1073 : i32
      %add3A_1075 = arith.constant 0 : i32
      %add3A_1076 = arith.addi %mul3A_1074, %add3A_1075 : i32
      %add3A_1077 = arith.constant 80 : i32
      %add3A_1078 = arith.addi %add3A_1076, %add3A_1077 : i32
      %get3A_1079 = arith.constant 0 : i32
      %get3A_1080 = arith.index_cast %get3A_1079 : i32 to index
      %get3A_1081 = arith.constant 80 : index
      %get3A_1082 = tpu.vector_load %arg11[%get3A_1080, %get3A_1081] {strides = array<i32>} : memref<4x128xi32, #tpu.memory_space<vmem>>, vector<1x16xi32>,
      %get3A_1083 = vector.shape_cast %get3A_1082 : vector<1x16xi32> to vector<16xi32>
      %add3A_1084 = vector.broadcast %add3A_1078 : i32 to vector<16xi32>
      %add3A_1085 = arith.addi %iota3A, %add3A_1084 : vector<16xi32>
      %and3A_1086 = arith.constant 2047 : i32
      %and3A_1087 = vector.broadcast %and3A_1086 : i32 to vector<16xi32>
      %and3A_1088 = arith.andi %add3A_1085, %and3A_1087 : vector<16xi32>
      %mul3A_1089 = arith.constant 3 : i32
      %mul3A_1090 = vector.broadcast %mul3A_1089 : i32 to vector<16xi32>
      %mul3A_1091 = arith.muli %and3A_1088, %mul3A_1090 : vector<16xi32>
      %add3A_1092 = arith.addi %get3A_1083, %mul3A_1091 : vector<16xi32>
      %swap3A_1093 = arith.constant 0 : i32
      %swap3A_1094 = arith.index_cast %swap3A_1093 : i32 to index
      %swap3A_1095 = arith.constant 80 : index
      %swap3A_1096 = tpu.vector_load %arg11[%swap3A_1094, %swap3A_1095] {strides = array<i32>} : memref<4x128xi32, #tpu.memory_space<vmem>>, vector<1x16xi32>,
      %swap3A_1097 = vector.shape_cast %swap3A_1096 : vector<1x16xi32> to vector<16xi32>
      %swap3A_1098 = vector.shape_cast %add3A_1092 : vector<16xi32> to vector<1x16xi32>
      tpu.vector_store %arg11[%swap3A_1094, %swap3A_1095], %swap3A_1098 {strides = array<i32>} : memref<4x128xi32, #tpu.memory_space<vmem>>, vector<1x16xi32>,
      %mul3A_1099 = arith.constant 512 : i32
      %mul3A_1100 = arith.muli %add3A, %mul3A_1099 : i32
      %add3A_1101 = arith.constant 0 : i32
      %add3A_1102 = arith.addi %mul3A_1100, %add3A_1101 : i32
      %add3A_1103 = arith.constant 96 : i32
      %add3A_1104 = arith.addi %add3A_1102, %add3A_1103 : i32
      %get3A_1105 = arith.constant 0 : i32
      %get3A_1106 = arith.index_cast %get3A_1105 : i32 to index
      %get3A_1107 = arith.constant 96 : index
      %get3A_1108 = tpu.vector_load %arg11[%get3A_1106, %get3A_1107] {strides = array<i32>} : memref<4x128xi32, #tpu.memory_space<vmem>>, vector<1x16xi32>,
      %get3A_1109 = vector.shape_cast %get3A_1108 : vector<1x16xi32> to vector<16xi32>
      %add3A_1110 = vector.broadcast %add3A_1104 : i32 to vector<16xi32>
      %add3A_1111 = arith.addi %iota3A, %add3A_1110 : vector<16xi32>
      %and3A_1112 = arith.constant 2047 : i32
      %and3A_1113 = vector.broadcast %and3A_1112 : i32 to vector<16xi32>
      %and3A_1114 = arith.andi %add3A_1111, %and3A_1113 : vector<16xi32>
      %mul3A_1115 = arith.constant 3 : i32
      %mul3A_1116 = vector.broadcast %mul3A_1115 : i32 to vector<16xi32>
      %mul3A_1117 = arith.muli %and3A_1114, %mul3A_1116 : vector<16xi32>
      %add3A_1118 = arith.addi %get3A_1109, %mul3A_1117 : vector<16xi32>
      %swap3A_1119 = arith.constant 0 : i32
      %swap3A_1120 = arith.index_cast %swap3A_1119 : i32 to index
      %swap3A_1121 = arith.constant 96 : index
      %swap3A_1122 = tpu.vector_load %arg11[%swap3A_1120, %swap3A_1121] {strides = array<i32>} : memref<4x128xi32, #tpu.memory_space<vmem>>, vector<1x16xi32>,
      %swap3A_1123 = vector.shape_cast %swap3A_1122 : vector<1x16xi32> to vector<16xi32>
      %swap3A_1124 = vector.shape_cast %add3A_1118 : vector<16xi32> to vector<1x16xi32>
      tpu.vector_store %arg11[%swap3A_1120, %swap3A_1121], %swap3A_1124 {strides = array<i32>} : memref<4x128xi32, #tpu.memory_space<vmem>>, vector<1x16xi32>,
      %mul3A_1125 = arith.constant 512 : i32
      %mul3A_1126 = arith.muli %add3A, %mul3A_1125 : i32
      %add3A_1127 = arith.constant 0 : i32
      %add3A_1128 = arith.addi %mul3A_1126, %add3A_1127 : i32
      %add3A_1129 = arith.constant 112 : i32
      %add3A_1130 = arith.addi %add3A_1128, %add3A_1129 : i32
      %get3A_1131 = arith.constant 0 : i32
      %get3A_1132 = arith.index_cast %get3A_1131 : i32 to index
      %get3A_1133 = arith.constant 112 : index
      %get3A_1134 = tpu.vector_load %arg11[%get3A_1132, %get3A_1133] {strides = array<i32>} : memref<4x128xi32, #tpu.memory_space<vmem>>, vector<1x16xi32>,
      %get3A_1135 = vector.shape_cast %get3A_1134 : vector<1x16xi32> to vector<16xi32>
      %add3A_1136 = vector.broadcast %add3A_1130 : i32 to vector<16xi32>
      %add3A_1137 = arith.addi %iota3A, %add3A_1136 : vector<16xi32>
      %and3A_1138 = arith.constant 2047 : i32
      %and3A_1139 = vector.broadcast %and3A_1138 : i32 to vector<16xi32>
      %and3A_1140 = arith.andi %add3A_1137, %and3A_1139 : vector<16xi32>
      %mul3A_1141 = arith.constant 3 : i32
      %mul3A_1142 = vector.broadcast %mul3A_1141 : i32 to vector<16xi32>
      %mul3A_1143 = arith.muli %and3A_1140, %mul3A_1142 : vector<16xi32>
      %add3A_1144 = arith.addi %get3A_1135, %mul3A_1143 : vector<16xi32>
      %swap3A_1145 = arith.constant 0 : i32
      %swap3A_1146 = arith.index_cast %swap3A_1145 : i32 to index
      %swap3A_1147 = arith.constant 112 : index
      %swap3A_1148 = tpu.vector_load %arg11[%swap3A_1146, %swap3A_1147] {strides = array<i32>} : memref<4x128xi32, #tpu.memory_space<vmem>>, vector<1x16xi32>,
      %swap3A_1149 = vector.shape_cast %swap3A_1148 : vector<1x16xi32> to vector<16xi32>
      %swap3A_1150 = vector.shape_cast %add3A_1144 : vector<16xi32> to vector<1x16xi32>
      tpu.vector_store %arg11[%swap3A_1146, %swap3A_1147], %swap3A_1150 {strides = array<i32>} : memref<4x128xi32, #tpu.memory_space<vmem>>, vector<1x16xi32>,
      %mul3A_1151 = arith.constant 512 : i32
      %mul3A_1152 = arith.muli %add3A, %mul3A_1151 : i32
      %add3A_1153 = arith.constant 128 : i32
      %add3A_1154 = arith.addi %mul3A_1152, %add3A_1153 : i32
      %add3A_1155 = arith.constant 0 : i32
      %add3A_1156 = arith.addi %add3A_1154, %add3A_1155 : i32
      %get3A_1157 = arith.constant 1 : i32
      %get3A_1158 = arith.index_cast %get3A_1157 : i32 to index
      %get3A_1159 = arith.constant 0 : index
      %get3A_1160 = tpu.vector_load %arg11[%get3A_1158, %get3A_1159] {strides = array<i32>} : memref<4x128xi32, #tpu.memory_space<vmem>>, vector<1x16xi32>,
      %get3A_1161 = vector.shape_cast %get3A_1160 : vector<1x16xi32> to vector<16xi32>
      %add3A_1162 = vector.broadcast %add3A_1156 : i32 to vector<16xi32>
      %add3A_1163 = arith.addi %iota3A, %add3A_1162 : vector<16xi32>
      %and3A_1164 = arith.constant 2047 : i32
      %and3A_1165 = vector.broadcast %and3A_1164 : i32 to vector<16xi32>
      %and3A_1166 = arith.andi %add3A_1163, %and3A_1165 : vector<16xi32>
      %mul3A_1167 = arith.constant 3 : i32
      %mul3A_1168 = vector.broadcast %mul3A_1167 : i32 to vector<16xi32>
      %mul3A_1169 = arith.muli %and3A_1166, %mul3A_1168 : vector<16xi32>
      %add3A_1170 = arith.addi %get3A_1161, %mul3A_1169 : vector<16xi32>
      %swap3A_1171 = arith.constant 1 : i32
      %swap3A_1172 = arith.index_cast %swap3A_1171 : i32 to index
      %swap3A_1173 = arith.constant 0 : index
      %swap3A_1174 = tpu.vector_load %arg11[%swap3A_1172, %swap3A_1173] {strides = array<i32>} : memref<4x128xi32, #tpu.memory_space<vmem>>, vector<1x16xi32>,
      %swap3A_1175 = vector.shape_cast %swap3A_1174 : vector<1x16xi32> to vector<16xi32>
      %swap3A_1176 = vector.shape_cast %add3A_1170 : vector<16xi32> to vector<1x16xi32>
      tpu.vector_store %arg11[%swap3A_1172, %swap3A_1173], %swap3A_1176 {strides = array<i32>} : memref<4x128xi32, #tpu.memory_space<vmem>>, vector<1x16xi32>,
      %mul3A_1177 = arith.constant 512 : i32
      %mul3A_1178 = arith.muli %add3A, %mul3A_1177 : i32
      %add3A_1179 = arith.constant 128 : i32
      %add3A_1180 = arith.addi %mul3A_1178, %add3A_1179 : i32
      %add3A_1181 = arith.constant 16 : i32
      %add3A_1182 = arith.addi %add3A_1180, %add3A_1181 : i32
      %get3A_1183 = arith.constant 1 : i32
      %get3A_1184 = arith.index_cast %get3A_1183 : i32 to index
      %get3A_1185 = arith.constant 16 : index
      %get3A_1186 = tpu.vector_load %arg11[%get3A_1184, %get3A_1185] {strides = array<i32>} : memref<4x128xi32, #tpu.memory_space<vmem>>, vector<1x16xi32>,
      %get3A_1187 = vector.shape_cast %get3A_1186 : vector<1x16xi32> to vector<16xi32>
      %add3A_1188 = vector.broadcast %add3A_1182 : i32 to vector<16xi32>
      %add3A_1189 = arith.addi %iota3A, %add3A_1188 : vector<16xi32>
      %and3A_1190 = arith.constant 2047 : i32
      %and3A_1191 = vector.broadcast %and3A_1190 : i32 to vector<16xi32>
      %and3A_1192 = arith.andi %add3A_1189, %and3A_1191 : vector<16xi32>
      %mul3A_1193 = arith.constant 3 : i32
      %mul3A_1194 = vector.broadcast %mul3A_1193 : i32 to vector<16xi32>
      %mul3A_1195 = arith.muli %and3A_1192, %mul3A_1194 : vector<16xi32>
      %add3A_1196 = arith.addi %get3A_1187, %mul3A_1195 : vector<16xi32>
      %swap3A_1197 = arith.constant 1 : i32
      %swap3A_1198 = arith.index_cast %swap3A_1197 : i32 to index
      %swap3A_1199 = arith.constant 16 : index
      %swap3A_1200 = tpu.vector_load %arg11[%swap3A_1198, %swap3A_1199] {strides = array<i32>} : memref<4x128xi32, #tpu.memory_space<vmem>>, vector<1x16xi32>,
      %swap3A_1201 = vector.shape_cast %swap3A_1200 : vector<1x16xi32> to vector<16xi32>
      %swap3A_1202 = vector.shape_cast %add3A_1196 : vector<16xi32> to vector<1x16xi32>
      tpu.vector_store %arg11[%swap3A_1198, %swap3A_1199], %swap3A_1202 {strides = array<i32>} : memref<4x128xi32, #tpu.memory_space<vmem>>, vector<1x16xi32>,
      %mul3A_1203 = arith.constant 512 : i32
      %mul3A_1204 = arith.muli %add3A, %mul3A_1203 : i32
      %add3A_1205 = arith.constant 128 : i32
      %add3A_1206 = arith.addi %mul3A_1204, %add3A_1205 : i32
      %add3A_1207 = arith.constant 32 : i32
      %add3A_1208 = arith.addi %add3A_1206, %add3A_1207 : i32
      %get3A_1209 = arith.constant 1 : i32
      %get3A_1210 = arith.index_cast %get3A_1209 : i32 to index
      %get3A_1211 = arith.constant 32 : index
      %get3A_1212 = tpu.vector_load %arg11[%get3A_1210, %get3A_1211] {strides = array<i32>} : memref<4x128xi32, #tpu.memory_space<vmem>>, vector<1x16xi32>,
      %get3A_1213 = vector.shape_cast %get3A_1212 : vector<1x16xi32> to vector<16xi32>
      %add3A_1214 = vector.broadcast %add3A_1208 : i32 to vector<16xi32>
      %add3A_1215 = arith.addi %iota3A, %add3A_1214 : vector<16xi32>
      %and3A_1216 = arith.constant 2047 : i32
      %and3A_1217 = vector.broadcast %and3A_1216 : i32 to vector<16xi32>
      %and3A_1218 = arith.andi %add3A_1215, %and3A_1217 : vector<16xi32>
      %mul3A_1219 = arith.constant 3 : i32
      %mul3A_1220 = vector.broadcast %mul3A_1219 : i32 to vector<16xi32>
      %mul3A_1221 = arith.muli %and3A_1218, %mul3A_1220 : vector<16xi32>
      %add3A_1222 = arith.addi %get3A_1213, %mul3A_1221 : vector<16xi32>
      %swap3A_1223 = arith.constant 1 : i32
      %swap3A_1224 = arith.index_cast %swap3A_1223 : i32 to index
      %swap3A_1225 = arith.constant 32 : index
      %swap3A_1226 = tpu.vector_load %arg11[%swap3A_1224, %swap3A_1225] {strides = array<i32>} : memref<4x128xi32, #tpu.memory_space<vmem>>, vector<1x16xi32>,
      %swap3A_1227 = vector.shape_cast %swap3A_1226 : vector<1x16xi32> to vector<16xi32>
      %swap3A_1228 = vector.shape_cast %add3A_1222 : vector<16xi32> to vector<1x16xi32>
      tpu.vector_store %arg11[%swap3A_1224, %swap3A_1225], %swap3A_1228 {strides = array<i32>} : memref<4x128xi32, #tpu.memory_space<vmem>>, vector<1x16xi32>,
      %mul3A_1229 = arith.constant 512 : i32
      %mul3A_1230 = arith.muli %add3A, %mul3A_1229 : i32
      %add3A_1231 = arith.constant 128 : i32
      %add3A_1232 = arith.addi %mul3A_1230, %add3A_1231 : i32
      %add3A_1233 = arith.constant 48 : i32
      %add3A_1234 = arith.addi %add3A_1232, %add3A_1233 : i32
      %get3A_1235 = arith.constant 1 : i32
      %get3A_1236 = arith.index_cast %get3A_1235 : i32 to index
      %get3A_1237 = arith.constant 48 : index
      %get3A_1238 = tpu.vector_load %arg11[%get3A_1236, %get3A_1237] {strides = array<i32>} : memref<4x128xi32, #tpu.memory_space<vmem>>, vector<1x16xi32>,
      %get3A_1239 = vector.shape_cast %get3A_1238 : vector<1x16xi32> to vector<16xi32>
      %add3A_1240 = vector.broadcast %add3A_1234 : i32 to vector<16xi32>
      %add3A_1241 = arith.addi %iota3A, %add3A_1240 : vector<16xi32>
      %and3A_1242 = arith.constant 2047 : i32
      %and3A_1243 = vector.broadcast %and3A_1242 : i32 to vector<16xi32>
      %and3A_1244 = arith.andi %add3A_1241, %and3A_1243 : vector<16xi32>
      %mul3A_1245 = arith.constant 3 : i32
      %mul3A_1246 = vector.broadcast %mul3A_1245 : i32 to vector<16xi32>
      %mul3A_1247 = arith.muli %and3A_1244, %mul3A_1246 : vector<16xi32>
      %add3A_1248 = arith.addi %get3A_1239, %mul3A_1247 : vector<16xi32>
      %swap3A_1249 = arith.constant 1 : i32
      %swap3A_1250 = arith.index_cast %swap3A_1249 : i32 to index
      %swap3A_1251 = arith.constant 48 : index
      %swap3A_1252 = tpu.vector_load %arg11[%swap3A_1250, %swap3A_1251] {strides = array<i32>} : memref<4x128xi32, #tpu.memory_space<vmem>>, vector<1x16xi32>,
      %swap3A_1253 = vector.shape_cast %swap3A_1252 : vector<1x16xi32> to vector<16xi32>
      %swap3A_1254 = vector.shape_cast %add3A_1248 : vector<16xi32> to vector<1x16xi32>
      tpu.vector_store %arg11[%swap3A_1250, %swap3A_1251], %swap3A_1254 {strides = array<i32>} : memref<4x128xi32, #tpu.memory_space<vmem>>, vector<1x16xi32>,
      %mul3A_1255 = arith.constant 512 : i32
      %mul3A_1256 = arith.muli %add3A, %mul3A_1255 : i32
      %add3A_1257 = arith.constant 128 : i32
      %add3A_1258 = arith.addi %mul3A_1256, %add3A_1257 : i32
      %add3A_1259 = arith.constant 64 : i32
      %add3A_1260 = arith.addi %add3A_1258, %add3A_1259 : i32
      %get3A_1261 = arith.constant 1 : i32
      %get3A_1262 = arith.index_cast %get3A_1261 : i32 to index
      %get3A_1263 = arith.constant 64 : index
      %get3A_1264 = tpu.vector_load %arg11[%get3A_1262, %get3A_1263] {strides = array<i32>} : memref<4x128xi32, #tpu.memory_space<vmem>>, vector<1x16xi32>,
      %get3A_1265 = vector.shape_cast %get3A_1264 : vector<1x16xi32> to vector<16xi32>
      %add3A_1266 = vector.broadcast %add3A_1260 : i32 to vector<16xi32>
      %add3A_1267 = arith.addi %iota3A, %add3A_1266 : vector<16xi32>
      %and3A_1268 = arith.constant 2047 : i32
      %and3A_1269 = vector.broadcast %and3A_1268 : i32 to vector<16xi32>
      %and3A_1270 = arith.andi %add3A_1267, %and3A_1269 : vector<16xi32>
      %mul3A_1271 = arith.constant 3 : i32
      %mul3A_1272 = vector.broadcast %mul3A_1271 : i32 to vector<16xi32>
      %mul3A_1273 = arith.muli %and3A_1270, %mul3A_1272 : vector<16xi32>
      %add3A_1274 = arith.addi %get3A_1265, %mul3A_1273 : vector<16xi32>
      %swap3A_1275 = arith.constant 1 : i32
      %swap3A_1276 = arith.index_cast %swap3A_1275 : i32 to index
      %swap3A_1277 = arith.constant 64 : index
      %swap3A_1278 = tpu.vector_load %arg11[%swap3A_1276, %swap3A_1277] {strides = array<i32>} : memref<4x128xi32, #tpu.memory_space<vmem>>, vector<1x16xi32>,
      %swap3A_1279 = vector.shape_cast %swap3A_1278 : vector<1x16xi32> to vector<16xi32>
      %swap3A_1280 = vector.shape_cast %add3A_1274 : vector<16xi32> to vector<1x16xi32>
      tpu.vector_store %arg11[%swap3A_1276, %swap3A_1277], %swap3A_1280 {strides = array<i32>} : memref<4x128xi32, #tpu.memory_space<vmem>>, vector<1x16xi32>,
      %mul3A_1281 = arith.constant 512 : i32
      %mul3A_1282 = arith.muli %add3A, %mul3A_1281 : i32
      %add3A_1283 = arith.constant 128 : i32
      %add3A_1284 = arith.addi %mul3A_1282, %add3A_1283 : i32
      %add3A_1285 = arith.constant 80 : i32
      %add3A_1286 = arith.addi %add3A_1284, %add3A_1285 : i32
      %get3A_1287 = arith.constant 1 : i32
      %get3A_1288 = arith.index_cast %get3A_1287 : i32 to index
      %get3A_1289 = arith.constant 80 : index
      %get3A_1290 = tpu.vector_load %arg11[%get3A_1288, %get3A_1289] {strides = array<i32>} : memref<4x128xi32, #tpu.memory_space<vmem>>, vector<1x16xi32>,
      %get3A_1291 = vector.shape_cast %get3A_1290 : vector<1x16xi32> to vector<16xi32>
      %add3A_1292 = vector.broadcast %add3A_1286 : i32 to vector<16xi32>
      %add3A_1293 = arith.addi %iota3A, %add3A_1292 : vector<16xi32>
      %and3A_1294 = arith.constant 2047 : i32
      %and3A_1295 = vector.broadcast %and3A_1294 : i32 to vector<16xi32>
      %and3A_1296 = arith.andi %add3A_1293, %and3A_1295 : vector<16xi32>
      %mul3A_1297 = arith.constant 3 : i32
      %mul3A_1298 = vector.broadcast %mul3A_1297 : i32 to vector<16xi32>
      %mul3A_1299 = arith.muli %and3A_1296, %mul3A_1298 : vector<16xi32>
      %add3A_1300 = arith.addi %get3A_1291, %mul3A_1299 : vector<16xi32>
      %swap3A_1301 = arith.constant 1 : i32
      %swap3A_1302 = arith.index_cast %swap3A_1301 : i32 to index
      %swap3A_1303 = arith.constant 80 : index
      %swap3A_1304 = tpu.vector_load %arg11[%swap3A_1302, %swap3A_1303] {strides = array<i32>} : memref<4x128xi32, #tpu.memory_space<vmem>>, vector<1x16xi32>,
      %swap3A_1305 = vector.shape_cast %swap3A_1304 : vector<1x16xi32> to vector<16xi32>
      %swap3A_1306 = vector.shape_cast %add3A_1300 : vector<16xi32> to vector<1x16xi32>
      tpu.vector_store %arg11[%swap3A_1302, %swap3A_1303], %swap3A_1306 {strides = array<i32>} : memref<4x128xi32, #tpu.memory_space<vmem>>, vector<1x16xi32>,
      %mul3A_1307 = arith.constant 512 : i32
      %mul3A_1308 = arith.muli %add3A, %mul3A_1307 : i32
      %add3A_1309 = arith.constant 128 : i32
      %add3A_1310 = arith.addi %mul3A_1308, %add3A_1309 : i32
      %add3A_1311 = arith.constant 96 : i32
      %add3A_1312 = arith.addi %add3A_1310, %add3A_1311 : i32
      %get3A_1313 = arith.constant 1 : i32
      %get3A_1314 = arith.index_cast %get3A_1313 : i32 to index
      %get3A_1315 = arith.constant 96 : index
      %get3A_1316 = tpu.vector_load %arg11[%get3A_1314, %get3A_1315] {strides = array<i32>} : memref<4x128xi32, #tpu.memory_space<vmem>>, vector<1x16xi32>,
      %get3A_1317 = vector.shape_cast %get3A_1316 : vector<1x16xi32> to vector<16xi32>
      %add3A_1318 = vector.broadcast %add3A_1312 : i32 to vector<16xi32>
      %add3A_1319 = arith.addi %iota3A, %add3A_1318 : vector<16xi32>
      %and3A_1320 = arith.constant 2047 : i32
      %and3A_1321 = vector.broadcast %and3A_1320 : i32 to vector<16xi32>
      %and3A_1322 = arith.andi %add3A_1319, %and3A_1321 : vector<16xi32>
      %mul3A_1323 = arith.constant 3 : i32
      %mul3A_1324 = vector.broadcast %mul3A_1323 : i32 to vector<16xi32>
      %mul3A_1325 = arith.muli %and3A_1322, %mul3A_1324 : vector<16xi32>
      %add3A_1326 = arith.addi %get3A_1317, %mul3A_1325 : vector<16xi32>
      %swap3A_1327 = arith.constant 1 : i32
      %swap3A_1328 = arith.index_cast %swap3A_1327 : i32 to index
      %swap3A_1329 = arith.constant 96 : index
      %swap3A_1330 = tpu.vector_load %arg11[%swap3A_1328, %swap3A_1329] {strides = array<i32>} : memref<4x128xi32, #tpu.memory_space<vmem>>, vector<1x16xi32>,
      %swap3A_1331 = vector.shape_cast %swap3A_1330 : vector<1x16xi32> to vector<16xi32>
      %swap3A_1332 = vector.shape_cast %add3A_1326 : vector<16xi32> to vector<1x16xi32>
      tpu.vector_store %arg11[%swap3A_1328, %swap3A_1329], %swap3A_1332 {strides = array<i32>} : memref<4x128xi32, #tpu.memory_space<vmem>>, vector<1x16xi32>,
      %mul3A_1333 = arith.constant 512 : i32
      %mul3A_1334 = arith.muli %add3A, %mul3A_1333 : i32
      %add3A_1335 = arith.constant 128 : i32
      %add3A_1336 = arith.addi %mul3A_1334, %add3A_1335 : i32
      %add3A_1337 = arith.constant 112 : i32
      %add3A_1338 = arith.addi %add3A_1336, %add3A_1337 : i32
      %get3A_1339 = arith.constant 1 : i32
      %get3A_1340 = arith.index_cast %get3A_1339 : i32 to index
      %get3A_1341 = arith.constant 112 : index
      %get3A_1342 = tpu.vector_load %arg11[%get3A_1340, %get3A_1341] {strides = array<i32>} : memref<4x128xi32, #tpu.memory_space<vmem>>, vector<1x16xi32>,
      %get3A_1343 = vector.shape_cast %get3A_1342 : vector<1x16xi32> to vector<16xi32>
      %add3A_1344 = vector.broadcast %add3A_1338 : i32 to vector<16xi32>
      %add3A_1345 = arith.addi %iota3A, %add3A_1344 : vector<16xi32>
      %and3A_1346 = arith.constant 2047 : i32
      %and3A_1347 = vector.broadcast %and3A_1346 : i32 to vector<16xi32>
      %and3A_1348 = arith.andi %add3A_1345, %and3A_1347 : vector<16xi32>
      %mul3A_1349 = arith.constant 3 : i32
      %mul3A_1350 = vector.broadcast %mul3A_1349 : i32 to vector<16xi32>
      %mul3A_1351 = arith.muli %and3A_1348, %mul3A_1350 : vector<16xi32>
      %add3A_1352 = arith.addi %get3A_1343, %mul3A_1351 : vector<16xi32>
      %swap3A_1353 = arith.constant 1 : i32
      %swap3A_1354 = arith.index_cast %swap3A_1353 : i32 to index
      %swap3A_1355 = arith.constant 112 : index
      %swap3A_1356 = tpu.vector_load %arg11[%swap3A_1354, %swap3A_1355] {strides = array<i32>} : memref<4x128xi32, #tpu.memory_space<vmem>>, vector<1x16xi32>,
      %swap3A_1357 = vector.shape_cast %swap3A_1356 : vector<1x16xi32> to vector<16xi32>
      %swap3A_1358 = vector.shape_cast %add3A_1352 : vector<16xi32> to vector<1x16xi32>
      tpu.vector_store %arg11[%swap3A_1354, %swap3A_1355], %swap3A_1358 {strides = array<i32>} : memref<4x128xi32, #tpu.memory_space<vmem>>, vector<1x16xi32>,
      %mul3A_1359 = arith.constant 512 : i32
      %mul3A_1360 = arith.muli %add3A, %mul3A_1359 : i32
      %add3A_1361 = arith.constant 256 : i32
      %add3A_1362 = arith.addi %mul3A_1360, %add3A_1361 : i32
      %add3A_1363 = arith.constant 0 : i32
      %add3A_1364 = arith.addi %add3A_1362, %add3A_1363 : i32
      %get3A_1365 = arith.constant 2 : i32
      %get3A_1366 = arith.index_cast %get3A_1365 : i32 to index
      %get3A_1367 = arith.constant 0 : index
      %get3A_1368 = tpu.vector_load %arg11[%get3A_1366, %get3A_1367] {strides = array<i32>} : memref<4x128xi32, #tpu.memory_space<vmem>>, vector<1x16xi32>,
      %get3A_1369 = vector.shape_cast %get3A_1368 : vector<1x16xi32> to vector<16xi32>
      %add3A_1370 = vector.broadcast %add3A_1364 : i32 to vector<16xi32>
      %add3A_1371 = arith.addi %iota3A, %add3A_1370 : vector<16xi32>
      %and3A_1372 = arith.constant 2047 : i32
      %and3A_1373 = vector.broadcast %and3A_1372 : i32 to vector<16xi32>
      %and3A_1374 = arith.andi %add3A_1371, %and3A_1373 : vector<16xi32>
      %mul3A_1375 = arith.constant 3 : i32
      %mul3A_1376 = vector.broadcast %mul3A_1375 : i32 to vector<16xi32>
      %mul3A_1377 = arith.muli %and3A_1374, %mul3A_1376 : vector<16xi32>
      %add3A_1378 = arith.addi %get3A_1369, %mul3A_1377 : vector<16xi32>
      %swap3A_1379 = arith.constant 2 : i32
      %swap3A_1380 = arith.index_cast %swap3A_1379 : i32 to index
      %swap3A_1381 = arith.constant 0 : index
      %swap3A_1382 = tpu.vector_load %arg11[%swap3A_1380, %swap3A_1381] {strides = array<i32>} : memref<4x128xi32, #tpu.memory_space<vmem>>, vector<1x16xi32>,
      %swap3A_1383 = vector.shape_cast %swap3A_1382 : vector<1x16xi32> to vector<16xi32>
      %swap3A_1384 = vector.shape_cast %add3A_1378 : vector<16xi32> to vector<1x16xi32>
      tpu.vector_store %arg11[%swap3A_1380, %swap3A_1381], %swap3A_1384 {strides = array<i32>} : memref<4x128xi32, #tpu.memory_space<vmem>>, vector<1x16xi32>,
      %mul3A_1385 = arith.constant 512 : i32
      %mul3A_1386 = arith.muli %add3A, %mul3A_1385 : i32
      %add3A_1387 = arith.constant 256 : i32
      %add3A_1388 = arith.addi %mul3A_1386, %add3A_1387 : i32
      %add3A_1389 = arith.constant 16 : i32
      %add3A_1390 = arith.addi %add3A_1388, %add3A_1389 : i32
      %get3A_1391 = arith.constant 2 : i32
      %get3A_1392 = arith.index_cast %get3A_1391 : i32 to index
      %get3A_1393 = arith.constant 16 : index
      %get3A_1394 = tpu.vector_load %arg11[%get3A_1392, %get3A_1393] {strides = array<i32>} : memref<4x128xi32, #tpu.memory_space<vmem>>, vector<1x16xi32>,
      %get3A_1395 = vector.shape_cast %get3A_1394 : vector<1x16xi32> to vector<16xi32>
      %add3A_1396 = vector.broadcast %add3A_1390 : i32 to vector<16xi32>
      %add3A_1397 = arith.addi %iota3A, %add3A_1396 : vector<16xi32>
      %and3A_1398 = arith.constant 2047 : i32
      %and3A_1399 = vector.broadcast %and3A_1398 : i32 to vector<16xi32>
      %and3A_1400 = arith.andi %add3A_1397, %and3A_1399 : vector<16xi32>
      %mul3A_1401 = arith.constant 3 : i32
      %mul3A_1402 = vector.broadcast %mul3A_1401 : i32 to vector<16xi32>
      %mul3A_1403 = arith.muli %and3A_1400, %mul3A_1402 : vector<16xi32>
      %add3A_1404 = arith.addi %get3A_1395, %mul3A_1403 : vector<16xi32>
      %swap3A_1405 = arith.constant 2 : i32
      %swap3A_1406 = arith.index_cast %swap3A_1405 : i32 to index
      %swap3A_1407 = arith.constant 16 : index
      %swap3A_1408 = tpu.vector_load %arg11[%swap3A_1406, %swap3A_1407] {strides = array<i32>} : memref<4x128xi32, #tpu.memory_space<vmem>>, vector<1x16xi32>,
      %swap3A_1409 = vector.shape_cast %swap3A_1408 : vector<1x16xi32> to vector<16xi32>
      %swap3A_1410 = vector.shape_cast %add3A_1404 : vector<16xi32> to vector<1x16xi32>
      tpu.vector_store %arg11[%swap3A_1406, %swap3A_1407], %swap3A_1410 {strides = array<i32>} : memref<4x128xi32, #tpu.memory_space<vmem>>, vector<1x16xi32>,
      %mul3A_1411 = arith.constant 512 : i32
      %mul3A_1412 = arith.muli %add3A, %mul3A_1411 : i32
      %add3A_1413 = arith.constant 256 : i32
      %add3A_1414 = arith.addi %mul3A_1412, %add3A_1413 : i32
      %add3A_1415 = arith.constant 32 : i32
      %add3A_1416 = arith.addi %add3A_1414, %add3A_1415 : i32
      %get3A_1417 = arith.constant 2 : i32
      %get3A_1418 = arith.index_cast %get3A_1417 : i32 to index
      %get3A_1419 = arith.constant 32 : index
      %get3A_1420 = tpu.vector_load %arg11[%get3A_1418, %get3A_1419] {strides = array<i32>} : memref<4x128xi32, #tpu.memory_space<vmem>>, vector<1x16xi32>,
      %get3A_1421 = vector.shape_cast %get3A_1420 : vector<1x16xi32> to vector<16xi32>
      %add3A_1422 = vector.broadcast %add3A_1416 : i32 to vector<16xi32>
      %add3A_1423 = arith.addi %iota3A, %add3A_1422 : vector<16xi32>
      %and3A_1424 = arith.constant 2047 : i32
      %and3A_1425 = vector.broadcast %and3A_1424 : i32 to vector<16xi32>
      %and3A_1426 = arith.andi %add3A_1423, %and3A_1425 : vector<16xi32>
      %mul3A_1427 = arith.constant 3 : i32
      %mul3A_1428 = vector.broadcast %mul3A_1427 : i32 to vector<16xi32>
      %mul3A_1429 = arith.muli %and3A_1426, %mul3A_1428 : vector<16xi32>
      %add3A_1430 = arith.addi %get3A_1421, %mul3A_1429 : vector<16xi32>
      %swap3A_1431 = arith.constant 2 : i32
      %swap3A_1432 = arith.index_cast %swap3A_1431 : i32 to index
      %swap3A_1433 = arith.constant 32 : index
      %swap3A_1434 = tpu.vector_load %arg11[%swap3A_1432, %swap3A_1433] {strides = array<i32>} : memref<4x128xi32, #tpu.memory_space<vmem>>, vector<1x16xi32>,
      %swap3A_1435 = vector.shape_cast %swap3A_1434 : vector<1x16xi32> to vector<16xi32>
      %swap3A_1436 = vector.shape_cast %add3A_1430 : vector<16xi32> to vector<1x16xi32>
      tpu.vector_store %arg11[%swap3A_1432, %swap3A_1433], %swap3A_1436 {strides = array<i32>} : memref<4x128xi32, #tpu.memory_space<vmem>>, vector<1x16xi32>,
      %mul3A_1437 = arith.constant 512 : i32
      %mul3A_1438 = arith.muli %add3A, %mul3A_1437 : i32
      %add3A_1439 = arith.constant 256 : i32
      %add3A_1440 = arith.addi %mul3A_1438, %add3A_1439 : i32
      %add3A_1441 = arith.constant 48 : i32
      %add3A_1442 = arith.addi %add3A_1440, %add3A_1441 : i32
      %get3A_1443 = arith.constant 2 : i32
      %get3A_1444 = arith.index_cast %get3A_1443 : i32 to index
      %get3A_1445 = arith.constant 48 : index
      %get3A_1446 = tpu.vector_load %arg11[%get3A_1444, %get3A_1445] {strides = array<i32>} : memref<4x128xi32, #tpu.memory_space<vmem>>, vector<1x16xi32>,
      %get3A_1447 = vector.shape_cast %get3A_1446 : vector<1x16xi32> to vector<16xi32>
      %add3A_1448 = vector.broadcast %add3A_1442 : i32 to vector<16xi32>
      %add3A_1449 = arith.addi %iota3A, %add3A_1448 : vector<16xi32>
      %and3A_1450 = arith.constant 2047 : i32
      %and3A_1451 = vector.broadcast %and3A_1450 : i32 to vector<16xi32>
      %and3A_1452 = arith.andi %add3A_1449, %and3A_1451 : vector<16xi32>
      %mul3A_1453 = arith.constant 3 : i32
      %mul3A_1454 = vector.broadcast %mul3A_1453 : i32 to vector<16xi32>
      %mul3A_1455 = arith.muli %and3A_1452, %mul3A_1454 : vector<16xi32>
      %add3A_1456 = arith.addi %get3A_1447, %mul3A_1455 : vector<16xi32>
      %swap3A_1457 = arith.constant 2 : i32
      %swap3A_1458 = arith.index_cast %swap3A_1457 : i32 to index
      %swap3A_1459 = arith.constant 48 : index
      %swap3A_1460 = tpu.vector_load %arg11[%swap3A_1458, %swap3A_1459] {strides = array<i32>} : memref<4x128xi32, #tpu.memory_space<vmem>>, vector<1x16xi32>,
      %swap3A_1461 = vector.shape_cast %swap3A_1460 : vector<1x16xi32> to vector<16xi32>
      %swap3A_1462 = vector.shape_cast %add3A_1456 : vector<16xi32> to vector<1x16xi32>
      tpu.vector_store %arg11[%swap3A_1458, %swap3A_1459], %swap3A_1462 {strides = array<i32>} : memref<4x128xi32, #tpu.memory_space<vmem>>, vector<1x16xi32>,
      %mul3A_1463 = arith.constant 512 : i32
      %mul3A_1464 = arith.muli %add3A, %mul3A_1463 : i32
      %add3A_1465 = arith.constant 256 : i32
      %add3A_1466 = arith.addi %mul3A_1464, %add3A_1465 : i32
      %add3A_1467 = arith.constant 64 : i32
      %add3A_1468 = arith.addi %add3A_1466, %add3A_1467 : i32
      %get3A_1469 = arith.constant 2 : i32
      %get3A_1470 = arith.index_cast %get3A_1469 : i32 to index
      %get3A_1471 = arith.constant 64 : index
      %get3A_1472 = tpu.vector_load %arg11[%get3A_1470, %get3A_1471] {strides = array<i32>} : memref<4x128xi32, #tpu.memory_space<vmem>>, vector<1x16xi32>,
      %get3A_1473 = vector.shape_cast %get3A_1472 : vector<1x16xi32> to vector<16xi32>
      %add3A_1474 = vector.broadcast %add3A_1468 : i32 to vector<16xi32>
      %add3A_1475 = arith.addi %iota3A, %add3A_1474 : vector<16xi32>
      %and3A_1476 = arith.constant 2047 : i32
      %and3A_1477 = vector.broadcast %and3A_1476 : i32 to vector<16xi32>
      %and3A_1478 = arith.andi %add3A_1475, %and3A_1477 : vector<16xi32>
      %mul3A_1479 = arith.constant 3 : i32
      %mul3A_1480 = vector.broadcast %mul3A_1479 : i32 to vector<16xi32>
      %mul3A_1481 = arith.muli %and3A_1478, %mul3A_1480 : vector<16xi32>
      %add3A_1482 = arith.addi %get3A_1473, %mul3A_1481 : vector<16xi32>
      %swap3A_1483 = arith.constant 2 : i32
      %swap3A_1484 = arith.index_cast %swap3A_1483 : i32 to index
      %swap3A_1485 = arith.constant 64 : index
      %swap3A_1486 = tpu.vector_load %arg11[%swap3A_1484, %swap3A_1485] {strides = array<i32>} : memref<4x128xi32, #tpu.memory_space<vmem>>, vector<1x16xi32>,
      %swap3A_1487 = vector.shape_cast %swap3A_1486 : vector<1x16xi32> to vector<16xi32>
      %swap3A_1488 = vector.shape_cast %add3A_1482 : vector<16xi32> to vector<1x16xi32>
      tpu.vector_store %arg11[%swap3A_1484, %swap3A_1485], %swap3A_1488 {strides = array<i32>} : memref<4x128xi32, #tpu.memory_space<vmem>>, vector<1x16xi32>,
      %mul3A_1489 = arith.constant 512 : i32
      %mul3A_1490 = arith.muli %add3A, %mul3A_1489 : i32
      %add3A_1491 = arith.constant 256 : i32
      %add3A_1492 = arith.addi %mul3A_1490, %add3A_1491 : i32
      %add3A_1493 = arith.constant 80 : i32
      %add3A_1494 = arith.addi %add3A_1492, %add3A_1493 : i32
      %get3A_1495 = arith.constant 2 : i32
      %get3A_1496 = arith.index_cast %get3A_1495 : i32 to index
      %get3A_1497 = arith.constant 80 : index
      %get3A_1498 = tpu.vector_load %arg11[%get3A_1496, %get3A_1497] {strides = array<i32>} : memref<4x128xi32, #tpu.memory_space<vmem>>, vector<1x16xi32>,
      %get3A_1499 = vector.shape_cast %get3A_1498 : vector<1x16xi32> to vector<16xi32>
      %add3A_1500 = vector.broadcast %add3A_1494 : i32 to vector<16xi32>
      %add3A_1501 = arith.addi %iota3A, %add3A_1500 : vector<16xi32>
      %and3A_1502 = arith.constant 2047 : i32
      %and3A_1503 = vector.broadcast %and3A_1502 : i32 to vector<16xi32>
      %and3A_1504 = arith.andi %add3A_1501, %and3A_1503 : vector<16xi32>
      %mul3A_1505 = arith.constant 3 : i32
      %mul3A_1506 = vector.broadcast %mul3A_1505 : i32 to vector<16xi32>
      %mul3A_1507 = arith.muli %and3A_1504, %mul3A_1506 : vector<16xi32>
      %add3A_1508 = arith.addi %get3A_1499, %mul3A_1507 : vector<16xi32>
      %swap3A_1509 = arith.constant 2 : i32
      %swap3A_1510 = arith.index_cast %swap3A_1509 : i32 to index
      %swap3A_1511 = arith.constant 80 : index
      %swap3A_1512 = tpu.vector_load %arg11[%swap3A_1510, %swap3A_1511] {strides = array<i32>} : memref<4x128xi32, #tpu.memory_space<vmem>>, vector<1x16xi32>,
      %swap3A_1513 = vector.shape_cast %swap3A_1512 : vector<1x16xi32> to vector<16xi32>
      %swap3A_1514 = vector.shape_cast %add3A_1508 : vector<16xi32> to vector<1x16xi32>
      tpu.vector_store %arg11[%swap3A_1510, %swap3A_1511], %swap3A_1514 {strides = array<i32>} : memref<4x128xi32, #tpu.memory_space<vmem>>, vector<1x16xi32>,
      %mul3A_1515 = arith.constant 512 : i32
      %mul3A_1516 = arith.muli %add3A, %mul3A_1515 : i32
      %add3A_1517 = arith.constant 256 : i32
      %add3A_1518 = arith.addi %mul3A_1516, %add3A_1517 : i32
      %add3A_1519 = arith.constant 96 : i32
      %add3A_1520 = arith.addi %add3A_1518, %add3A_1519 : i32
      %get3A_1521 = arith.constant 2 : i32
      %get3A_1522 = arith.index_cast %get3A_1521 : i32 to index
      %get3A_1523 = arith.constant 96 : index
      %get3A_1524 = tpu.vector_load %arg11[%get3A_1522, %get3A_1523] {strides = array<i32>} : memref<4x128xi32, #tpu.memory_space<vmem>>, vector<1x16xi32>,
      %get3A_1525 = vector.shape_cast %get3A_1524 : vector<1x16xi32> to vector<16xi32>
      %add3A_1526 = vector.broadcast %add3A_1520 : i32 to vector<16xi32>
      %add3A_1527 = arith.addi %iota3A, %add3A_1526 : vector<16xi32>
      %and3A_1528 = arith.constant 2047 : i32
      %and3A_1529 = vector.broadcast %and3A_1528 : i32 to vector<16xi32>
      %and3A_1530 = arith.andi %add3A_1527, %and3A_1529 : vector<16xi32>
      %mul3A_1531 = arith.constant 3 : i32
      %mul3A_1532 = vector.broadcast %mul3A_1531 : i32 to vector<16xi32>
      %mul3A_1533 = arith.muli %and3A_1530, %mul3A_1532 : vector<16xi32>
      %add3A_1534 = arith.addi %get3A_1525, %mul3A_1533 : vector<16xi32>
      %swap3A_1535 = arith.constant 2 : i32
      %swap3A_1536 = arith.index_cast %swap3A_1535 : i32 to index
      %swap3A_1537 = arith.constant 96 : index
      %swap3A_1538 = tpu.vector_load %arg11[%swap3A_1536, %swap3A_1537] {strides = array<i32>} : memref<4x128xi32, #tpu.memory_space<vmem>>, vector<1x16xi32>,
      %swap3A_1539 = vector.shape_cast %swap3A_1538 : vector<1x16xi32> to vector<16xi32>
      %swap3A_1540 = vector.shape_cast %add3A_1534 : vector<16xi32> to vector<1x16xi32>
      tpu.vector_store %arg11[%swap3A_1536, %swap3A_1537], %swap3A_1540 {strides = array<i32>} : memref<4x128xi32, #tpu.memory_space<vmem>>, vector<1x16xi32>,
      %mul3A_1541 = arith.constant 512 : i32
      %mul3A_1542 = arith.muli %add3A, %mul3A_1541 : i32
      %add3A_1543 = arith.constant 256 : i32
      %add3A_1544 = arith.addi %mul3A_1542, %add3A_1543 : i32
      %add3A_1545 = arith.constant 112 : i32
      %add3A_1546 = arith.addi %add3A_1544, %add3A_1545 : i32
      %get3A_1547 = arith.constant 2 : i32
      %get3A_1548 = arith.index_cast %get3A_1547 : i32 to index
      %get3A_1549 = arith.constant 112 : index
      %get3A_1550 = tpu.vector_load %arg11[%get3A_1548, %get3A_1549] {strides = array<i32>} : memref<4x128xi32, #tpu.memory_space<vmem>>, vector<1x16xi32>,
      %get3A_1551 = vector.shape_cast %get3A_1550 : vector<1x16xi32> to vector<16xi32>
      %add3A_1552 = vector.broadcast %add3A_1546 : i32 to vector<16xi32>
      %add3A_1553 = arith.addi %iota3A, %add3A_1552 : vector<16xi32>
      %and3A_1554 = arith.constant 2047 : i32
      %and3A_1555 = vector.broadcast %and3A_1554 : i32 to vector<16xi32>
      %and3A_1556 = arith.andi %add3A_1553, %and3A_1555 : vector<16xi32>
      %mul3A_1557 = arith.constant 3 : i32
      %mul3A_1558 = vector.broadcast %mul3A_1557 : i32 to vector<16xi32>
      %mul3A_1559 = arith.muli %and3A_1556, %mul3A_1558 : vector<16xi32>
      %add3A_1560 = arith.addi %get3A_1551, %mul3A_1559 : vector<16xi32>
      %swap3A_1561 = arith.constant 2 : i32
      %swap3A_1562 = arith.index_cast %swap3A_1561 : i32 to index
      %swap3A_1563 = arith.constant 112 : index
      %swap3A_1564 = tpu.vector_load %arg11[%swap3A_1562, %swap3A_1563] {strides = array<i32>} : memref<4x128xi32, #tpu.memory_space<vmem>>, vector<1x16xi32>,
      %swap3A_1565 = vector.shape_cast %swap3A_1564 : vector<1x16xi32> to vector<16xi32>
      %swap3A_1566 = vector.shape_cast %add3A_1560 : vector<16xi32> to vector<1x16xi32>
      tpu.vector_store %arg11[%swap3A_1562, %swap3A_1563], %swap3A_1566 {strides = array<i32>} : memref<4x128xi32, #tpu.memory_space<vmem>>, vector<1x16xi32>,
      %mul3A_1567 = arith.constant 512 : i32
      %mul3A_1568 = arith.muli %add3A, %mul3A_1567 : i32
      %add3A_1569 = arith.constant 384 : i32
      %add3A_1570 = arith.addi %mul3A_1568, %add3A_1569 : i32
      %add3A_1571 = arith.constant 0 : i32
      %add3A_1572 = arith.addi %add3A_1570, %add3A_1571 : i32
      %get3A_1573 = arith.constant 3 : i32
      %get3A_1574 = arith.index_cast %get3A_1573 : i32 to index
      %get3A_1575 = arith.constant 0 : index
      %get3A_1576 = tpu.vector_load %arg11[%get3A_1574, %get3A_1575] {strides = array<i32>} : memref<4x128xi32, #tpu.memory_space<vmem>>, vector<1x16xi32>,
      %get3A_1577 = vector.shape_cast %get3A_1576 : vector<1x16xi32> to vector<16xi32>
      %add3A_1578 = vector.broadcast %add3A_1572 : i32 to vector<16xi32>
      %add3A_1579 = arith.addi %iota3A, %add3A_1578 : vector<16xi32>
      %and3A_1580 = arith.constant 2047 : i32
      %and3A_1581 = vector.broadcast %and3A_1580 : i32 to vector<16xi32>
      %and3A_1582 = arith.andi %add3A_1579, %and3A_1581 : vector<16xi32>
      %mul3A_1583 = arith.constant 3 : i32
      %mul3A_1584 = vector.broadcast %mul3A_1583 : i32 to vector<16xi32>
      %mul3A_1585 = arith.muli %and3A_1582, %mul3A_1584 : vector<16xi32>
      %add3A_1586 = arith.addi %get3A_1577, %mul3A_1585 : vector<16xi32>
      %swap3A_1587 = arith.constant 3 : i32
      %swap3A_1588 = arith.index_cast %swap3A_1587 : i32 to index
      %swap3A_1589 = arith.constant 0 : index
      %swap3A_1590 = tpu.vector_load %arg11[%swap3A_1588, %swap3A_1589] {strides = array<i32>} : memref<4x128xi32, #tpu.memory_space<vmem>>, vector<1x16xi32>,
      %swap3A_1591 = vector.shape_cast %swap3A_1590 : vector<1x16xi32> to vector<16xi32>
      %swap3A_1592 = vector.shape_cast %add3A_1586 : vector<16xi32> to vector<1x16xi32>
      tpu.vector_store %arg11[%swap3A_1588, %swap3A_1589], %swap3A_1592 {strides = array<i32>} : memref<4x128xi32, #tpu.memory_space<vmem>>, vector<1x16xi32>,
      %mul3A_1593 = arith.constant 512 : i32
      %mul3A_1594 = arith.muli %add3A, %mul3A_1593 : i32
      %add3A_1595 = arith.constant 384 : i32
      %add3A_1596 = arith.addi %mul3A_1594, %add3A_1595 : i32
      %add3A_1597 = arith.constant 16 : i32
      %add3A_1598 = arith.addi %add3A_1596, %add3A_1597 : i32
      %get3A_1599 = arith.constant 3 : i32
      %get3A_1600 = arith.index_cast %get3A_1599 : i32 to index
      %get3A_1601 = arith.constant 16 : index
      %get3A_1602 = tpu.vector_load %arg11[%get3A_1600, %get3A_1601] {strides = array<i32>} : memref<4x128xi32, #tpu.memory_space<vmem>>, vector<1x16xi32>,
      %get3A_1603 = vector.shape_cast %get3A_1602 : vector<1x16xi32> to vector<16xi32>
      %add3A_1604 = vector.broadcast %add3A_1598 : i32 to vector<16xi32>
      %add3A_1605 = arith.addi %iota3A, %add3A_1604 : vector<16xi32>
      %and3A_1606 = arith.constant 2047 : i32
      %and3A_1607 = vector.broadcast %and3A_1606 : i32 to vector<16xi32>
      %and3A_1608 = arith.andi %add3A_1605, %and3A_1607 : vector<16xi32>
      %mul3A_1609 = arith.constant 3 : i32
      %mul3A_1610 = vector.broadcast %mul3A_1609 : i32 to vector<16xi32>
      %mul3A_1611 = arith.muli %and3A_1608, %mul3A_1610 : vector<16xi32>
      %add3A_1612 = arith.addi %get3A_1603, %mul3A_1611 : vector<16xi32>
      %swap3A_1613 = arith.constant 3 : i32
      %swap3A_1614 = arith.index_cast %swap3A_1613 : i32 to index
      %swap3A_1615 = arith.constant 16 : index
      %swap3A_1616 = tpu.vector_load %arg11[%swap3A_1614, %swap3A_1615] {strides = array<i32>} : memref<4x128xi32, #tpu.memory_space<vmem>>, vector<1x16xi32>,
      %swap3A_1617 = vector.shape_cast %swap3A_1616 : vector<1x16xi32> to vector<16xi32>
      %swap3A_1618 = vector.shape_cast %add3A_1612 : vector<16xi32> to vector<1x16xi32>
      tpu.vector_store %arg11[%swap3A_1614, %swap3A_1615], %swap3A_1618 {strides = array<i32>} : memref<4x128xi32, #tpu.memory_space<vmem>>, vector<1x16xi32>,
      %mul3A_1619 = arith.constant 512 : i32
      %mul3A_1620 = arith.muli %add3A, %mul3A_1619 : i32
      %add3A_1621 = arith.constant 384 : i32
      %add3A_1622 = arith.addi %mul3A_1620, %add3A_1621 : i32
      %add3A_1623 = arith.constant 32 : i32
      %add3A_1624 = arith.addi %add3A_1622, %add3A_1623 : i32
      %get3A_1625 = arith.constant 3 : i32
      %get3A_1626 = arith.index_cast %get3A_1625 : i32 to index
      %get3A_1627 = arith.constant 32 : index
      %get3A_1628 = tpu.vector_load %arg11[%get3A_1626, %get3A_1627] {strides = array<i32>} : memref<4x128xi32, #tpu.memory_space<vmem>>, vector<1x16xi32>,
      %get3A_1629 = vector.shape_cast %get3A_1628 : vector<1x16xi32> to vector<16xi32>
      %add3A_1630 = vector.broadcast %add3A_1624 : i32 to vector<16xi32>
      %add3A_1631 = arith.addi %iota3A, %add3A_1630 : vector<16xi32>
      %and3A_1632 = arith.constant 2047 : i32
      %and3A_1633 = vector.broadcast %and3A_1632 : i32 to vector<16xi32>
      %and3A_1634 = arith.andi %add3A_1631, %and3A_1633 : vector<16xi32>
      %mul3A_1635 = arith.constant 3 : i32
      %mul3A_1636 = vector.broadcast %mul3A_1635 : i32 to vector<16xi32>
      %mul3A_1637 = arith.muli %and3A_1634, %mul3A_1636 : vector<16xi32>
      %add3A_1638 = arith.addi %get3A_1629, %mul3A_1637 : vector<16xi32>
      %swap3A_1639 = arith.constant 3 : i32
      %swap3A_1640 = arith.index_cast %swap3A_1639 : i32 to index
      %swap3A_1641 = arith.constant 32 : index
      %swap3A_1642 = tpu.vector_load %arg11[%swap3A_1640, %swap3A_1641] {strides = array<i32>} : memref<4x128xi32, #tpu.memory_space<vmem>>, vector<1x16xi32>,
      %swap3A_1643 = vector.shape_cast %swap3A_1642 : vector<1x16xi32> to vector<16xi32>
      %swap3A_1644 = vector.shape_cast %add3A_1638 : vector<16xi32> to vector<1x16xi32>
      tpu.vector_store %arg11[%swap3A_1640, %swap3A_1641], %swap3A_1644 {strides = array<i32>} : memref<4x128xi32, #tpu.memory_space<vmem>>, vector<1x16xi32>,
      %mul3A_1645 = arith.constant 512 : i32
      %mul3A_1646 = arith.muli %add3A, %mul3A_1645 : i32
      %add3A_1647 = arith.constant 384 : i32
      %add3A_1648 = arith.addi %mul3A_1646, %add3A_1647 : i32
      %add3A_1649 = arith.constant 48 : i32
      %add3A_1650 = arith.addi %add3A_1648, %add3A_1649 : i32
      %get3A_1651 = arith.constant 3 : i32
      %get3A_1652 = arith.index_cast %get3A_1651 : i32 to index
      %get3A_1653 = arith.constant 48 : index
      %get3A_1654 = tpu.vector_load %arg11[%get3A_1652, %get3A_1653] {strides = array<i32>} : memref<4x128xi32, #tpu.memory_space<vmem>>, vector<1x16xi32>,
      %get3A_1655 = vector.shape_cast %get3A_1654 : vector<1x16xi32> to vector<16xi32>
      %add3A_1656 = vector.broadcast %add3A_1650 : i32 to vector<16xi32>
      %add3A_1657 = arith.addi %iota3A, %add3A_1656 : vector<16xi32>
      %and3A_1658 = arith.constant 2047 : i32
      %and3A_1659 = vector.broadcast %and3A_1658 : i32 to vector<16xi32>
      %and3A_1660 = arith.andi %add3A_1657, %and3A_1659 : vector<16xi32>
      %mul3A_1661 = arith.constant 3 : i32
      %mul3A_1662 = vector.broadcast %mul3A_1661 : i32 to vector<16xi32>
      %mul3A_1663 = arith.muli %and3A_1660, %mul3A_1662 : vector<16xi32>
      %add3A_1664 = arith.addi %get3A_1655, %mul3A_1663 : vector<16xi32>
      %swap3A_1665 = arith.constant 3 : i32
      %swap3A_1666 = arith.index_cast %swap3A_1665 : i32 to index
      %swap3A_1667 = arith.constant 48 : index
      %swap3A_1668 = tpu.vector_load %arg11[%swap3A_1666, %swap3A_1667] {strides = array<i32>} : memref<4x128xi32, #tpu.memory_space<vmem>>, vector<1x16xi32>,
      %swap3A_1669 = vector.shape_cast %swap3A_1668 : vector<1x16xi32> to vector<16xi32>
      %swap3A_1670 = vector.shape_cast %add3A_1664 : vector<16xi32> to vector<1x16xi32>
      tpu.vector_store %arg11[%swap3A_1666, %swap3A_1667], %swap3A_1670 {strides = array<i32>} : memref<4x128xi32, #tpu.memory_space<vmem>>, vector<1x16xi32>,
      %mul3A_1671 = arith.constant 512 : i32
      %mul3A_1672 = arith.muli %add3A, %mul3A_1671 : i32
      %add3A_1673 = arith.constant 384 : i32
      %add3A_1674 = arith.addi %mul3A_1672, %add3A_1673 : i32
      %add3A_1675 = arith.constant 64 : i32
      %add3A_1676 = arith.addi %add3A_1674, %add3A_1675 : i32
      %get3A_1677 = arith.constant 3 : i32
      %get3A_1678 = arith.index_cast %get3A_1677 : i32 to index
      %get3A_1679 = arith.constant 64 : index
      %get3A_1680 = tpu.vector_load %arg11[%get3A_1678, %get3A_1679] {strides = array<i32>} : memref<4x128xi32, #tpu.memory_space<vmem>>, vector<1x16xi32>,
      %get3A_1681 = vector.shape_cast %get3A_1680 : vector<1x16xi32> to vector<16xi32>
      %add3A_1682 = vector.broadcast %add3A_1676 : i32 to vector<16xi32>
      %add3A_1683 = arith.addi %iota3A, %add3A_1682 : vector<16xi32>
      %and3A_1684 = arith.constant 2047 : i32
      %and3A_1685 = vector.broadcast %and3A_1684 : i32 to vector<16xi32>
      %and3A_1686 = arith.andi %add3A_1683, %and3A_1685 : vector<16xi32>
      %mul3A_1687 = arith.constant 3 : i32
      %mul3A_1688 = vector.broadcast %mul3A_1687 : i32 to vector<16xi32>
      %mul3A_1689 = arith.muli %and3A_1686, %mul3A_1688 : vector<16xi32>
      %add3A_1690 = arith.addi %get3A_1681, %mul3A_1689 : vector<16xi32>
      %swap3A_1691 = arith.constant 3 : i32
      %swap3A_1692 = arith.index_cast %swap3A_1691 : i32 to index
      %swap3A_1693 = arith.constant 64 : index
      %swap3A_1694 = tpu.vector_load %arg11[%swap3A_1692, %swap3A_1693] {strides = array<i32>} : memref<4x128xi32, #tpu.memory_space<vmem>>, vector<1x16xi32>,
      %swap3A_1695 = vector.shape_cast %swap3A_1694 : vector<1x16xi32> to vector<16xi32>
      %swap3A_1696 = vector.shape_cast %add3A_1690 : vector<16xi32> to vector<1x16xi32>
      tpu.vector_store %arg11[%swap3A_1692, %swap3A_1693], %swap3A_1696 {strides = array<i32>} : memref<4x128xi32, #tpu.memory_space<vmem>>, vector<1x16xi32>,
      %mul3A_1697 = arith.constant 512 : i32
      %mul3A_1698 = arith.muli %add3A, %mul3A_1697 : i32
      %add3A_1699 = arith.constant 384 : i32
      %add3A_1700 = arith.addi %mul3A_1698, %add3A_1699 : i32
      %add3A_1701 = arith.constant 80 : i32
      %add3A_1702 = arith.addi %add3A_1700, %add3A_1701 : i32
      %get3A_1703 = arith.constant 3 : i32
      %get3A_1704 = arith.index_cast %get3A_1703 : i32 to index
      %get3A_1705 = arith.constant 80 : index
      %get3A_1706 = tpu.vector_load %arg11[%get3A_1704, %get3A_1705] {strides = array<i32>} : memref<4x128xi32, #tpu.memory_space<vmem>>, vector<1x16xi32>,
      %get3A_1707 = vector.shape_cast %get3A_1706 : vector<1x16xi32> to vector<16xi32>
      %add3A_1708 = vector.broadcast %add3A_1702 : i32 to vector<16xi32>
      %add3A_1709 = arith.addi %iota3A, %add3A_1708 : vector<16xi32>
      %and3A_1710 = arith.constant 2047 : i32
      %and3A_1711 = vector.broadcast %and3A_1710 : i32 to vector<16xi32>
      %and3A_1712 = arith.andi %add3A_1709, %and3A_1711 : vector<16xi32>
      %mul3A_1713 = arith.constant 3 : i32
      %mul3A_1714 = vector.broadcast %mul3A_1713 : i32 to vector<16xi32>
      %mul3A_1715 = arith.muli %and3A_1712, %mul3A_1714 : vector<16xi32>
      %add3A_1716 = arith.addi %get3A_1707, %mul3A_1715 : vector<16xi32>
      %swap3A_1717 = arith.constant 3 : i32
      %swap3A_1718 = arith.index_cast %swap3A_1717 : i32 to index
      %swap3A_1719 = arith.constant 80 : index
      %swap3A_1720 = tpu.vector_load %arg11[%swap3A_1718, %swap3A_1719] {strides = array<i32>} : memref<4x128xi32, #tpu.memory_space<vmem>>, vector<1x16xi32>,
      %swap3A_1721 = vector.shape_cast %swap3A_1720 : vector<1x16xi32> to vector<16xi32>
      %swap3A_1722 = vector.shape_cast %add3A_1716 : vector<16xi32> to vector<1x16xi32>
      tpu.vector_store %arg11[%swap3A_1718, %swap3A_1719], %swap3A_1722 {strides = array<i32>} : memref<4x128xi32, #tpu.memory_space<vmem>>, vector<1x16xi32>,
      %mul3A_1723 = arith.constant 512 : i32
      %mul3A_1724 = arith.muli %add3A, %mul3A_1723 : i32
      %add3A_1725 = arith.constant 384 : i32
      %add3A_1726 = arith.addi %mul3A_1724, %add3A_1725 : i32
      %add3A_1727 = arith.constant 96 : i32
      %add3A_1728 = arith.addi %add3A_1726, %add3A_1727 : i32
      %get3A_1729 = arith.constant 3 : i32
      %get3A_1730 = arith.index_cast %get3A_1729 : i32 to index
      %get3A_1731 = arith.constant 96 : index
      %get3A_1732 = tpu.vector_load %arg11[%get3A_1730, %get3A_1731] {strides = array<i32>} : memref<4x128xi32, #tpu.memory_space<vmem>>, vector<1x16xi32>,
      %get3A_1733 = vector.shape_cast %get3A_1732 : vector<1x16xi32> to vector<16xi32>
      %add3A_1734 = vector.broadcast %add3A_1728 : i32 to vector<16xi32>
      %add3A_1735 = arith.addi %iota3A, %add3A_1734 : vector<16xi32>
      %and3A_1736 = arith.constant 2047 : i32
      %and3A_1737 = vector.broadcast %and3A_1736 : i32 to vector<16xi32>
      %and3A_1738 = arith.andi %add3A_1735, %and3A_1737 : vector<16xi32>
      %mul3A_1739 = arith.constant 3 : i32
      %mul3A_1740 = vector.broadcast %mul3A_1739 : i32 to vector<16xi32>
      %mul3A_1741 = arith.muli %and3A_1738, %mul3A_1740 : vector<16xi32>
      %add3A_1742 = arith.addi %get3A_1733, %mul3A_1741 : vector<16xi32>
      %swap3A_1743 = arith.constant 3 : i32
      %swap3A_1744 = arith.index_cast %swap3A_1743 : i32 to index
      %swap3A_1745 = arith.constant 96 : index
      %swap3A_1746 = tpu.vector_load %arg11[%swap3A_1744, %swap3A_1745] {strides = array<i32>} : memref<4x128xi32, #tpu.memory_space<vmem>>, vector<1x16xi32>,
      %swap3A_1747 = vector.shape_cast %swap3A_1746 : vector<1x16xi32> to vector<16xi32>
      %swap3A_1748 = vector.shape_cast %add3A_1742 : vector<16xi32> to vector<1x16xi32>
      tpu.vector_store %arg11[%swap3A_1744, %swap3A_1745], %swap3A_1748 {strides = array<i32>} : memref<4x128xi32, #tpu.memory_space<vmem>>, vector<1x16xi32>,
      %mul3A_1749 = arith.constant 512 : i32
      %mul3A_1750 = arith.muli %add3A, %mul3A_1749 : i32
      %add3A_1751 = arith.constant 384 : i32
      %add3A_1752 = arith.addi %mul3A_1750, %add3A_1751 : i32
      %add3A_1753 = arith.constant 112 : i32
      %add3A_1754 = arith.addi %add3A_1752, %add3A_1753 : i32
      %get3A_1755 = arith.constant 3 : i32
      %get3A_1756 = arith.index_cast %get3A_1755 : i32 to index
      %get3A_1757 = arith.constant 112 : index
      %get3A_1758 = tpu.vector_load %arg11[%get3A_1756, %get3A_1757] {strides = array<i32>} : memref<4x128xi32, #tpu.memory_space<vmem>>, vector<1x16xi32>,
      %get3A_1759 = vector.shape_cast %get3A_1758 : vector<1x16xi32> to vector<16xi32>
      %add3A_1760 = vector.broadcast %add3A_1754 : i32 to vector<16xi32>
      %add3A_1761 = arith.addi %iota3A, %add3A_1760 : vector<16xi32>
      %and3A_1762 = arith.constant 2047 : i32
      %and3A_1763 = vector.broadcast %and3A_1762 : i32 to vector<16xi32>
      %and3A_1764 = arith.andi %add3A_1761, %and3A_1763 : vector<16xi32>
      %mul3A_1765 = arith.constant 3 : i32
      %mul3A_1766 = vector.broadcast %mul3A_1765 : i32 to vector<16xi32>
      %mul3A_1767 = arith.muli %and3A_1764, %mul3A_1766 : vector<16xi32>
      %add3A_1768 = arith.addi %get3A_1759, %mul3A_1767 : vector<16xi32>
      %swap3A_1769 = arith.constant 3 : i32
      %swap3A_1770 = arith.index_cast %swap3A_1769 : i32 to index
      %swap3A_1771 = arith.constant 112 : index
      %swap3A_1772 = tpu.vector_load %arg11[%swap3A_1770, %swap3A_1771] {strides = array<i32>} : memref<4x128xi32, #tpu.memory_space<vmem>>, vector<1x16xi32>,
      %swap3A_1773 = vector.shape_cast %swap3A_1772 : vector<1x16xi32> to vector<16xi32>
      %swap3A_1774 = vector.shape_cast %add3A_1768 : vector<16xi32> to vector<1x16xi32>
      tpu.vector_store %arg11[%swap3A_1770, %swap3A_1771], %swap3A_1774 {strides = array<i32>} : memref<4x128xi32, #tpu.memory_space<vmem>>, vector<1x16xi32>,
      %dma_start3A_1775 = arith.constant 0 : i32
      %dma_start3A_1776 = arith.constant 0 : i32
      %dma_start3A_1777 = arith.constant 0 : i32
      %dma_start3A_1778 = tpu.memref_slice %arg12[%dma_start3A_1776, %dma_start3A_1777] : memref<512x64xf32, #tpu.memory_space<vmem>> -> memref<128x64xf32, #tpu.memory_space<vmem>>
      %dma_start3A_1779 = arith.constant 0 : i32
      %dma_start3A_1780 = tpu.memref_slice %arg11[%dma_start3A_1775, %dma_start3A_1779] : memref<4x128xi32, #tpu.memory_space<vmem>> -> memref<1x128xi32, #tpu.memory_space<vmem>>
      %dma_start3A_1781 = tpu.memref_squeeze %dma_start3A_1780 : memref<1x128xi32, #tpu.memory_space<vmem>> -> memref<128xi32, #tpu.memory_space<vmem>>
      %dma_start3A_1782 = arith.constant 0 : i32
      %dma_start3A_1783 = arith.constant 0 : i32
      %dma_start3A_1784 = tpu.memref_slice %arg5[%dma_start3A_1782, %dma_start3A_1783] : memref<6144x64xf32, #tpu.memory_space<hbm>> -> memref<6144x64xf32, #tpu.memory_space<hbm>>
      tpu.enqueue_indirect_dma source(%dma_start3A_1784 : memref<6144x64xf32, #tpu.memory_space<hbm>>) target(%dma_start3A_1778 : memref<128x64xf32, #tpu.memory_space<vmem>>) offsets(%dma_start3A_1781 : memref<128xi32, #tpu.memory_space<vmem>>) semaphore(%arg14 : memref<!tpu.dma_semaphore, #tpu.memory_space<semaphore_mem>>)
      %dma_start3A_1785 = arith.constant 1 : i32
      %dma_start3A_1786 = arith.constant 128 : i32
      %dma_start3A_1787 = arith.constant 0 : i32
      %dma_start3A_1788 = tpu.memref_slice %arg12[%dma_start3A_1786, %dma_start3A_1787] : memref<512x64xf32, #tpu.memory_space<vmem>> -> memref<128x64xf32, #tpu.memory_space<vmem>>
      %dma_start3A_1789 = arith.constant 0 : i32
      %dma_start3A_1790 = tpu.memref_slice %arg11[%dma_start3A_1785, %dma_start3A_1789] : memref<4x128xi32, #tpu.memory_space<vmem>> -> memref<1x128xi32, #tpu.memory_space<vmem>>
      %dma_start3A_1791 = tpu.memref_squeeze %dma_start3A_1790 : memref<1x128xi32, #tpu.memory_space<vmem>> -> memref<128xi32, #tpu.memory_space<vmem>>
      %dma_start3A_1792 = arith.constant 0 : i32
      %dma_start3A_1793 = arith.constant 0 : i32
      %dma_start3A_1794 = tpu.memref_slice %arg5[%dma_start3A_1792, %dma_start3A_1793] : memref<6144x64xf32, #tpu.memory_space<hbm>> -> memref<6144x64xf32, #tpu.memory_space<hbm>>
      tpu.enqueue_indirect_dma source(%dma_start3A_1794 : memref<6144x64xf32, #tpu.memory_space<hbm>>) target(%dma_start3A_1788 : memref<128x64xf32, #tpu.memory_space<vmem>>) offsets(%dma_start3A_1791 : memref<128xi32, #tpu.memory_space<vmem>>) semaphore(%arg14 : memref<!tpu.dma_semaphore, #tpu.memory_space<semaphore_mem>>)
      %dma_start3A_1795 = arith.constant 2 : i32
      %dma_start3A_1796 = arith.constant 256 : i32
      %dma_start3A_1797 = arith.constant 0 : i32
      %dma_start3A_1798 = tpu.memref_slice %arg12[%dma_start3A_1796, %dma_start3A_1797] : memref<512x64xf32, #tpu.memory_space<vmem>> -> memref<128x64xf32, #tpu.memory_space<vmem>>
      %dma_start3A_1799 = arith.constant 0 : i32
      %dma_start3A_1800 = tpu.memref_slice %arg11[%dma_start3A_1795, %dma_start3A_1799] : memref<4x128xi32, #tpu.memory_space<vmem>> -> memref<1x128xi32, #tpu.memory_space<vmem>>
      %dma_start3A_1801 = tpu.memref_squeeze %dma_start3A_1800 : memref<1x128xi32, #tpu.memory_space<vmem>> -> memref<128xi32, #tpu.memory_space<vmem>>
      %dma_start3A_1802 = arith.constant 0 : i32
      %dma_start3A_1803 = arith.constant 0 : i32
      %dma_start3A_1804 = tpu.memref_slice %arg5[%dma_start3A_1802, %dma_start3A_1803] : memref<6144x64xf32, #tpu.memory_space<hbm>> -> memref<6144x64xf32, #tpu.memory_space<hbm>>
      tpu.enqueue_indirect_dma source(%dma_start3A_1804 : memref<6144x64xf32, #tpu.memory_space<hbm>>) target(%dma_start3A_1798 : memref<128x64xf32, #tpu.memory_space<vmem>>) offsets(%dma_start3A_1801 : memref<128xi32, #tpu.memory_space<vmem>>) semaphore(%arg14 : memref<!tpu.dma_semaphore, #tpu.memory_space<semaphore_mem>>)
      %dma_start3A_1805 = arith.constant 3 : i32
      %dma_start3A_1806 = arith.constant 384 : i32
      %dma_start3A_1807 = arith.constant 0 : i32
      %dma_start3A_1808 = tpu.memref_slice %arg12[%dma_start3A_1806, %dma_start3A_1807] : memref<512x64xf32, #tpu.memory_space<vmem>> -> memref<128x64xf32, #tpu.memory_space<vmem>>
      %dma_start3A_1809 = arith.constant 0 : i32
      %dma_start3A_1810 = tpu.memref_slice %arg11[%dma_start3A_1805, %dma_start3A_1809] : memref<4x128xi32, #tpu.memory_space<vmem>> -> memref<1x128xi32, #tpu.memory_space<vmem>>
      %dma_start3A_1811 = tpu.memref_squeeze %dma_start3A_1810 : memref<1x128xi32, #tpu.memory_space<vmem>> -> memref<128xi32, #tpu.memory_space<vmem>>
      %dma_start3A_1812 = arith.constant 0 : i32
      %dma_start3A_1813 = arith.constant 0 : i32
      %dma_start3A_1814 = tpu.memref_slice %arg5[%dma_start3A_1812, %dma_start3A_1813] : memref<6144x64xf32, #tpu.memory_space<hbm>> -> memref<6144x64xf32, #tpu.memory_space<hbm>>
      tpu.enqueue_indirect_dma source(%dma_start3A_1814 : memref<6144x64xf32, #tpu.memory_space<hbm>>) target(%dma_start3A_1808 : memref<128x64xf32, #tpu.memory_space<vmem>>) offsets(%dma_start3A_1811 : memref<128xi32, #tpu.memory_space<vmem>>) semaphore(%arg14 : memref<!tpu.dma_semaphore, #tpu.memory_space<semaphore_mem>>)
      %dma_wait3A_1815 = arith.constant 0 : i32
      %dma_wait3A_1816 = arith.constant 0 : i32
      %dma_wait3A_1817 = tpu.memref_slice %arg6[%dma_wait3A_1815, %dma_wait3A_1816] : memref<819200x64xf32, #tpu.memory_space<hbm>> -> memref<512x64xf32, #tpu.memory_space<hbm>>
      %dma_wait3A_1818 = arith.constant 0 : i32
      %dma_wait3A_1819 = arith.constant 0 : i32
      %dma_wait3A_1820 = tpu.memref_slice %arg6[%dma_wait3A_1818, %dma_wait3A_1819] : memref<819200x64xf32, #tpu.memory_space<hbm>> -> memref<512x64xf32, #tpu.memory_space<hbm>>
      tpu.wait_dma2 semaphore(%arg13 : memref<!tpu.dma_semaphore, #tpu.memory_space<semaphore_mem>>) src(%dma_wait3A_1820 : memref<512x64xf32, #tpu.memory_space<hbm>>) dst(%arg9 : memref<512x64xf32, #tpu.memory_space<vmem>>)
      %mul3A_1821 = arith.constant 4 : i32
      %mul3A_1822 = arith.muli %mul3A_933, %mul3A_1821 : i32
      %add3A_1823 = arith.addi %mul3A_2, %mul3A_1822 : i32
      %mul3A_1824 = arith.constant 128 : i32
      %mul3A_1825 = arith.muli %add3A_1823, %mul3A_1824 : i32
      %dma_start3A_1826 = arith.constant 0 : i32
      %dma_start3A_1827 = tpu.memref_slice %arg6[%mul3A_1825, %dma_start3A_1826] : memref<819200x64xf32, #tpu.memory_space<hbm>> -> memref<512x64xf32, #tpu.memory_space<hbm>>
      %dma_start3A_1828 = arith.constant 0 : i32
      %dma_start3A_1829 = tpu.memref_slice %arg6[%mul3A_1825, %dma_start3A_1828] : memref<819200x64xf32, #tpu.memory_space<hbm>> -> memref<512x64xf32, #tpu.memory_space<hbm>>
      tpu.enqueue_dma source(%arg9 : memref<512x64xf32, #tpu.memory_space<vmem>>) target(%dma_start3A_1829 : memref<512x64xf32, #tpu.memory_space<hbm>>) target_semaphore(%arg15 : memref<!tpu.dma_semaphore, #tpu.memory_space<semaphore_mem>>)
      %dma_wait3A_1830 = arith.constant 0 : i32
      %dma_wait3A_1831 = arith.constant 0 : i32
      %dma_wait3A_1832 = tpu.memref_slice %arg6[%dma_wait3A_1830, %dma_wait3A_1831] : memref<819200x64xf32, #tpu.memory_space<hbm>> -> memref<512x64xf32, #tpu.memory_space<hbm>>
      %dma_wait3A_1833 = arith.constant 0 : i32
      %dma_wait3A_1834 = arith.constant 0 : i32
      %dma_wait3A_1835 = tpu.memref_slice %arg6[%dma_wait3A_1833, %dma_wait3A_1834] : memref<819200x64xf32, #tpu.memory_space<hbm>> -> memref<512x64xf32, #tpu.memory_space<hbm>>
      tpu.wait_dma2 semaphore(%arg14 : memref<!tpu.dma_semaphore, #tpu.memory_space<semaphore_mem>>) src(%dma_wait3A_1835 : memref<512x64xf32, #tpu.memory_space<hbm>>) dst(%arg12 : memref<512x64xf32, #tpu.memory_space<vmem>>)
      %dma_start3A_1836 = arith.constant 0 : i32
      %dma_start3A_1837 = arith.constant 0 : i32
      %dma_start3A_1838 = arith.constant 0 : i32
      %dma_start3A_1839 = tpu.memref_slice %arg12[%dma_start3A_1837, %dma_start3A_1838] : memref<512x64xf32, #tpu.memory_space<vmem>> -> memref<128x64xf32, #tpu.memory_space<vmem>>
      %dma_start3A_1840 = arith.constant 0 : i32
      %dma_start3A_1841 = tpu.memref_slice %arg10[%dma_start3A_1836, %dma_start3A_1840] : memref<4x128xi32, #tpu.memory_space<vmem>> -> memref<1x128xi32, #tpu.memory_space<vmem>>
      %dma_start3A_1842 = tpu.memref_squeeze %dma_start3A_1841 : memref<1x128xi32, #tpu.memory_space<vmem>> -> memref<128xi32, #tpu.memory_space<vmem>>
      %dma_start3A_1843 = arith.constant 0 : i32
      %dma_start3A_1844 = arith.constant 0 : i32
      %dma_start3A_1845 = tpu.memref_slice %arg4[%dma_start3A_1843, %dma_start3A_1844] : memref<1000000x64xf32, #tpu.memory_space<hbm>> -> memref<1000000x64xf32, #tpu.memory_space<hbm>>
      tpu.enqueue_indirect_dma source(%dma_start3A_1845 : memref<1000000x64xf32, #tpu.memory_space<hbm>>) target(%dma_start3A_1839 : memref<128x64xf32, #tpu.memory_space<vmem>>) offsets(%dma_start3A_1842 : memref<128xi32, #tpu.memory_space<vmem>>) semaphore(%arg14 : memref<!tpu.dma_semaphore, #tpu.memory_space<semaphore_mem>>) {add = true}
      %dma_start3A_1846 = arith.constant 1 : i32
      %dma_start3A_1847 = arith.constant 128 : i32
      %dma_start3A_1848 = arith.constant 0 : i32
      %dma_start3A_1849 = tpu.memref_slice %arg12[%dma_start3A_1847, %dma_start3A_1848] : memref<512x64xf32, #tpu.memory_space<vmem>> -> memref<128x64xf32, #tpu.memory_space<vmem>>
      %dma_start3A_1850 = arith.constant 0 : i32
      %dma_start3A_1851 = tpu.memref_slice %arg10[%dma_start3A_1846, %dma_start3A_1850] : memref<4x128xi32, #tpu.memory_space<vmem>> -> memref<1x128xi32, #tpu.memory_space<vmem>>
      %dma_start3A_1852 = tpu.memref_squeeze %dma_start3A_1851 : memref<1x128xi32, #tpu.memory_space<vmem>> -> memref<128xi32, #tpu.memory_space<vmem>>
      %dma_start3A_1853 = arith.constant 0 : i32
      %dma_start3A_1854 = arith.constant 0 : i32
      %dma_start3A_1855 = tpu.memref_slice %arg4[%dma_start3A_1853, %dma_start3A_1854] : memref<1000000x64xf32, #tpu.memory_space<hbm>> -> memref<1000000x64xf32, #tpu.memory_space<hbm>>
      tpu.enqueue_indirect_dma source(%dma_start3A_1855 : memref<1000000x64xf32, #tpu.memory_space<hbm>>) target(%dma_start3A_1849 : memref<128x64xf32, #tpu.memory_space<vmem>>) offsets(%dma_start3A_1852 : memref<128xi32, #tpu.memory_space<vmem>>) semaphore(%arg14 : memref<!tpu.dma_semaphore, #tpu.memory_space<semaphore_mem>>) {add = true}
      %dma_start3A_1856 = arith.constant 2 : i32
      %dma_start3A_1857 = arith.constant 256 : i32
      %dma_start3A_1858 = arith.constant 0 : i32
      %dma_start3A_1859 = tpu.memref_slice %arg12[%dma_start3A_1857, %dma_start3A_1858] : memref<512x64xf32, #tpu.memory_space<vmem>> -> memref<128x64xf32, #tpu.memory_space<vmem>>
      %dma_start3A_1860 = arith.constant 0 : i32
      %dma_start3A_1861 = tpu.memref_slice %arg10[%dma_start3A_1856, %dma_start3A_1860] : memref<4x128xi32, #tpu.memory_space<vmem>> -> memref<1x128xi32, #tpu.memory_space<vmem>>
      %dma_start3A_1862 = tpu.memref_squeeze %dma_start3A_1861 : memref<1x128xi32, #tpu.memory_space<vmem>> -> memref<128xi32, #tpu.memory_space<vmem>>
      %dma_start3A_1863 = arith.constant 0 : i32
      %dma_start3A_1864 = arith.constant 0 : i32
      %dma_start3A_1865 = tpu.memref_slice %arg4[%dma_start3A_1863, %dma_start3A_1864] : memref<1000000x64xf32, #tpu.memory_space<hbm>> -> memref<1000000x64xf32, #tpu.memory_space<hbm>>
      tpu.enqueue_indirect_dma source(%dma_start3A_1865 : memref<1000000x64xf32, #tpu.memory_space<hbm>>) target(%dma_start3A_1859 : memref<128x64xf32, #tpu.memory_space<vmem>>) offsets(%dma_start3A_1862 : memref<128xi32, #tpu.memory_space<vmem>>) semaphore(%arg14 : memref<!tpu.dma_semaphore, #tpu.memory_space<semaphore_mem>>) {add = true}
      %dma_start3A_1866 = arith.constant 3 : i32
      %dma_start3A_1867 = arith.constant 384 : i32
      %dma_start3A_1868 = arith.constant 0 : i32
      %dma_start3A_1869 = tpu.memref_slice %arg12[%dma_start3A_1867, %dma_start3A_1868] : memref<512x64xf32, #tpu.memory_space<vmem>> -> memref<128x64xf32, #tpu.memory_space<vmem>>
      %dma_start3A_1870 = arith.constant 0 : i32
      %dma_start3A_1871 = tpu.memref_slice %arg10[%dma_start3A_1866, %dma_start3A_1870] : memref<4x128xi32, #tpu.memory_space<vmem>> -> memref<1x128xi32, #tpu.memory_space<vmem>>
      %dma_start3A_1872 = tpu.memref_squeeze %dma_start3A_1871 : memref<1x128xi32, #tpu.memory_space<vmem>> -> memref<128xi32, #tpu.memory_space<vmem>>
      %dma_start3A_1873 = arith.constant 0 : i32
      %dma_start3A_1874 = arith.constant 0 : i32
      %dma_start3A_1875 = tpu.memref_slice %arg4[%dma_start3A_1873, %dma_start3A_1874] : memref<1000000x64xf32, #tpu.memory_space<hbm>> -> memref<1000000x64xf32, #tpu.memory_space<hbm>>
      tpu.enqueue_indirect_dma source(%dma_start3A_1875 : memref<1000000x64xf32, #tpu.memory_space<hbm>>) target(%dma_start3A_1869 : memref<128x64xf32, #tpu.memory_space<vmem>>) offsets(%dma_start3A_1872 : memref<128xi32, #tpu.memory_space<vmem>>) semaphore(%arg14 : memref<!tpu.dma_semaphore, #tpu.memory_space<semaphore_mem>>) {add = true}
      %dma_wait3A_1876 = arith.constant 0 : i32
      %dma_wait3A_1877 = arith.constant 0 : i32
      %dma_wait3A_1878 = tpu.memref_slice %arg6[%dma_wait3A_1876, %dma_wait3A_1877] : memref<819200x64xf32, #tpu.memory_space<hbm>> -> memref<512x64xf32, #tpu.memory_space<hbm>>
      %dma_wait3A_1879 = arith.constant 0 : i32
      %dma_wait3A_1880 = arith.constant 0 : i32
      %dma_wait3A_1881 = tpu.memref_slice %arg6[%dma_wait3A_1879, %dma_wait3A_1880] : memref<819200x64xf32, #tpu.memory_space<hbm>> -> memref<512x64xf32, #tpu.memory_space<hbm>>
      tpu.wait_dma2 semaphore(%arg15 : memref<!tpu.dma_semaphore, #tpu.memory_space<semaphore_mem>>) src(%arg9 : memref<512x64xf32, #tpu.memory_space<vmem>>) dst(%dma_wait3A_1881 : memref<512x64xf32, #tpu.memory_space<hbm>>)
      %lt3A = arith.constant 50 : i32
      %lt3A_1882 = arith.cmpi slt, %add3A_937, %lt3A : i32
      %convert_element_type3A_1883 = arith.extui %lt3A_1882 : i1 to i32
      %cond3A_1884 = arith.constant 0 : i32
      %cond3A_1885 = arith.cmpi ne, %convert_element_type3A_1883, %cond3A_1884 : i32
      scf.if %cond3A_1885 {
        %mul3A_1907 = arith.constant 4 : i32
        %mul3A_1908 = arith.muli %add3A_937, %mul3A_1907 : i32
        %add3A_1909 = arith.addi %mul3A_2, %mul3A_1908 : i32
        "tpu.region"() ({
          %run_scoped3A = tpu.sem_alloc : memref<!tpu.dma_semaphore, #tpu.memory_space<semaphore_mem>>
          %dma_start3A_2782 = arith.constant 0 : i32
          %dma_start3A_2783 = tpu.memref_slice %arg2[%add3A_1909, %dma_start3A_2782] : memref<6400x128xi32, #tpu.memory_space<hbm>> -> memref<4x128xi32, #tpu.memory_space<hbm>>
          %dma_start3A_2784 = arith.constant 0 : i32
          %dma_start3A_2785 = tpu.memref_slice %arg2[%add3A_1909, %dma_start3A_2784] : memref<6400x128xi32, #tpu.memory_space<hbm>> -> memref<4x128xi32, #tpu.memory_space<hbm>>
          tpu.enqueue_dma source(%dma_start3A_2785 : memref<4x128xi32, #tpu.memory_space<hbm>>) target(%arg7 : memref<4x128xi32, #tpu.memory_space<vmem>>) target_semaphore(%run_scoped3A : memref<!tpu.dma_semaphore, #tpu.memory_space<semaphore_mem>>)
          %dma_wait3A_2786 = arith.constant 0 : i32
          %dma_wait3A_2787 = tpu.memref_slice %arg2[%add3A_1909, %dma_wait3A_2786] : memref<6400x128xi32, #tpu.memory_space<hbm>> -> memref<4x128xi32, #tpu.memory_space<hbm>>
          %dma_wait3A_2788 = arith.constant 0 : i32
          %dma_wait3A_2789 = tpu.memref_slice %arg2[%add3A_1909, %dma_wait3A_2788] : memref<6400x128xi32, #tpu.memory_space<hbm>> -> memref<4x128xi32, #tpu.memory_space<hbm>>
          tpu.wait_dma2 semaphore(%run_scoped3A : memref<!tpu.dma_semaphore, #tpu.memory_space<semaphore_mem>>) src(%dma_wait3A_2789 : memref<4x128xi32, #tpu.memory_space<hbm>>) dst(%arg7 : memref<4x128xi32, #tpu.memory_space<vmem>>)
          tpu.yield
        }) : () -> ()
        "tpu.region"() ({
          %run_scoped3A = tpu.sem_alloc : memref<!tpu.dma_semaphore, #tpu.memory_space<semaphore_mem>>
          %dma_start3A_2782 = arith.constant 0 : i32
          %dma_start3A_2783 = tpu.memref_slice %arg3[%add3A_1909, %dma_start3A_2782] : memref<6400x128xi32, #tpu.memory_space<hbm>> -> memref<4x128xi32, #tpu.memory_space<hbm>>
          %dma_start3A_2784 = arith.constant 0 : i32
          %dma_start3A_2785 = tpu.memref_slice %arg3[%add3A_1909, %dma_start3A_2784] : memref<6400x128xi32, #tpu.memory_space<hbm>> -> memref<4x128xi32, #tpu.memory_space<hbm>>
          tpu.enqueue_dma source(%dma_start3A_2785 : memref<4x128xi32, #tpu.memory_space<hbm>>) target(%arg8 : memref<4x128xi32, #tpu.memory_space<vmem>>) target_semaphore(%run_scoped3A : memref<!tpu.dma_semaphore, #tpu.memory_space<semaphore_mem>>)
          %dma_wait3A_2786 = arith.constant 0 : i32
          %dma_wait3A_2787 = tpu.memref_slice %arg3[%add3A_1909, %dma_wait3A_2786] : memref<6400x128xi32, #tpu.memory_space<hbm>> -> memref<4x128xi32, #tpu.memory_space<hbm>>
          %dma_wait3A_2788 = arith.constant 0 : i32
          %dma_wait3A_2789 = tpu.memref_slice %arg3[%add3A_1909, %dma_wait3A_2788] : memref<6400x128xi32, #tpu.memory_space<hbm>> -> memref<4x128xi32, #tpu.memory_space<hbm>>
          tpu.wait_dma2 semaphore(%run_scoped3A : memref<!tpu.dma_semaphore, #tpu.memory_space<semaphore_mem>>) src(%dma_wait3A_2789 : memref<4x128xi32, #tpu.memory_space<hbm>>) dst(%arg8 : memref<4x128xi32, #tpu.memory_space<vmem>>)
          tpu.yield
        }) : () -> ()
        %mul3A_1910 = arith.constant 512 : i32
        %mul3A_1911 = arith.muli %add3A, %mul3A_1910 : i32
        %add3A_1912 = arith.constant 0 : i32
        %add3A_1913 = arith.addi %mul3A_1911, %add3A_1912 : i32
        %add3A_1914 = arith.constant 0 : i32
        %add3A_1915 = arith.addi %add3A_1913, %add3A_1914 : i32
        %get3A_1916 = arith.constant 0 : i32
        %get3A_1917 = arith.index_cast %get3A_1916 : i32 to index
        %get3A_1918 = arith.constant 0 : index
        %get3A_1919 = tpu.vector_load %arg8[%get3A_1917, %get3A_1918] {strides = array<i32>} : memref<4x128xi32, #tpu.memory_space<vmem>>, vector<1x16xi32>,
        %get3A_1920 = vector.shape_cast %get3A_1919 : vector<1x16xi32> to vector<16xi32>
        %add3A_1921 = vector.broadcast %add3A_1915 : i32 to vector<16xi32>
        %add3A_1922 = arith.addi %iota3A, %add3A_1921 : vector<16xi32>
        %and3A_1923 = arith.constant 2047 : i32
        %and3A_1924 = vector.broadcast %and3A_1923 : i32 to vector<16xi32>
        %and3A_1925 = arith.andi %add3A_1922, %and3A_1924 : vector<16xi32>
        %mul3A_1926 = arith.constant 3 : i32
        %mul3A_1927 = vector.broadcast %mul3A_1926 : i32 to vector<16xi32>
        %mul3A_1928 = arith.muli %and3A_1925, %mul3A_1927 : vector<16xi32>
        %add3A_1929 = arith.addi %get3A_1920, %mul3A_1928 : vector<16xi32>
        %swap3A_1930 = arith.constant 0 : i32
        %swap3A_1931 = arith.index_cast %swap3A_1930 : i32 to index
        %swap3A_1932 = arith.constant 0 : index
        %swap3A_1933 = tpu.vector_load %arg8[%swap3A_1931, %swap3A_1932] {strides = array<i32>} : memref<4x128xi32, #tpu.memory_space<vmem>>, vector<1x16xi32>,
        %swap3A_1934 = vector.shape_cast %swap3A_1933 : vector<1x16xi32> to vector<16xi32>
        %swap3A_1935 = vector.shape_cast %add3A_1929 : vector<16xi32> to vector<1x16xi32>
        tpu.vector_store %arg8[%swap3A_1931, %swap3A_1932], %swap3A_1935 {strides = array<i32>} : memref<4x128xi32, #tpu.memory_space<vmem>>, vector<1x16xi32>,
        %mul3A_1936 = arith.constant 512 : i32
        %mul3A_1937 = arith.muli %add3A, %mul3A_1936 : i32
        %add3A_1938 = arith.constant 0 : i32
        %add3A_1939 = arith.addi %mul3A_1937, %add3A_1938 : i32
        %add3A_1940 = arith.constant 16 : i32
        %add3A_1941 = arith.addi %add3A_1939, %add3A_1940 : i32
        %get3A_1942 = arith.constant 0 : i32
        %get3A_1943 = arith.index_cast %get3A_1942 : i32 to index
        %get3A_1944 = arith.constant 16 : index
        %get3A_1945 = tpu.vector_load %arg8[%get3A_1943, %get3A_1944] {strides = array<i32>} : memref<4x128xi32, #tpu.memory_space<vmem>>, vector<1x16xi32>,
        %get3A_1946 = vector.shape_cast %get3A_1945 : vector<1x16xi32> to vector<16xi32>
        %add3A_1947 = vector.broadcast %add3A_1941 : i32 to vector<16xi32>
        %add3A_1948 = arith.addi %iota3A, %add3A_1947 : vector<16xi32>
        %and3A_1949 = arith.constant 2047 : i32
        %and3A_1950 = vector.broadcast %and3A_1949 : i32 to vector<16xi32>
        %and3A_1951 = arith.andi %add3A_1948, %and3A_1950 : vector<16xi32>
        %mul3A_1952 = arith.constant 3 : i32
        %mul3A_1953 = vector.broadcast %mul3A_1952 : i32 to vector<16xi32>
        %mul3A_1954 = arith.muli %and3A_1951, %mul3A_1953 : vector<16xi32>
        %add3A_1955 = arith.addi %get3A_1946, %mul3A_1954 : vector<16xi32>
        %swap3A_1956 = arith.constant 0 : i32
        %swap3A_1957 = arith.index_cast %swap3A_1956 : i32 to index
        %swap3A_1958 = arith.constant 16 : index
        %swap3A_1959 = tpu.vector_load %arg8[%swap3A_1957, %swap3A_1958] {strides = array<i32>} : memref<4x128xi32, #tpu.memory_space<vmem>>, vector<1x16xi32>,
        %swap3A_1960 = vector.shape_cast %swap3A_1959 : vector<1x16xi32> to vector<16xi32>
        %swap3A_1961 = vector.shape_cast %add3A_1955 : vector<16xi32> to vector<1x16xi32>
        tpu.vector_store %arg8[%swap3A_1957, %swap3A_1958], %swap3A_1961 {strides = array<i32>} : memref<4x128xi32, #tpu.memory_space<vmem>>, vector<1x16xi32>,
        %mul3A_1962 = arith.constant 512 : i32
        %mul3A_1963 = arith.muli %add3A, %mul3A_1962 : i32
        %add3A_1964 = arith.constant 0 : i32
        %add3A_1965 = arith.addi %mul3A_1963, %add3A_1964 : i32
        %add3A_1966 = arith.constant 32 : i32
        %add3A_1967 = arith.addi %add3A_1965, %add3A_1966 : i32
        %get3A_1968 = arith.constant 0 : i32
        %get3A_1969 = arith.index_cast %get3A_1968 : i32 to index
        %get3A_1970 = arith.constant 32 : index
        %get3A_1971 = tpu.vector_load %arg8[%get3A_1969, %get3A_1970] {strides = array<i32>} : memref<4x128xi32, #tpu.memory_space<vmem>>, vector<1x16xi32>,
        %get3A_1972 = vector.shape_cast %get3A_1971 : vector<1x16xi32> to vector<16xi32>
        %add3A_1973 = vector.broadcast %add3A_1967 : i32 to vector<16xi32>
        %add3A_1974 = arith.addi %iota3A, %add3A_1973 : vector<16xi32>
        %and3A_1975 = arith.constant 2047 : i32
        %and3A_1976 = vector.broadcast %and3A_1975 : i32 to vector<16xi32>
        %and3A_1977 = arith.andi %add3A_1974, %and3A_1976 : vector<16xi32>
        %mul3A_1978 = arith.constant 3 : i32
        %mul3A_1979 = vector.broadcast %mul3A_1978 : i32 to vector<16xi32>
        %mul3A_1980 = arith.muli %and3A_1977, %mul3A_1979 : vector<16xi32>
        %add3A_1981 = arith.addi %get3A_1972, %mul3A_1980 : vector<16xi32>
        %swap3A_1982 = arith.constant 0 : i32
        %swap3A_1983 = arith.index_cast %swap3A_1982 : i32 to index
        %swap3A_1984 = arith.constant 32 : index
        %swap3A_1985 = tpu.vector_load %arg8[%swap3A_1983, %swap3A_1984] {strides = array<i32>} : memref<4x128xi32, #tpu.memory_space<vmem>>, vector<1x16xi32>,
        %swap3A_1986 = vector.shape_cast %swap3A_1985 : vector<1x16xi32> to vector<16xi32>
        %swap3A_1987 = vector.shape_cast %add3A_1981 : vector<16xi32> to vector<1x16xi32>
        tpu.vector_store %arg8[%swap3A_1983, %swap3A_1984], %swap3A_1987 {strides = array<i32>} : memref<4x128xi32, #tpu.memory_space<vmem>>, vector<1x16xi32>,
        %mul3A_1988 = arith.constant 512 : i32
        %mul3A_1989 = arith.muli %add3A, %mul3A_1988 : i32
        %add3A_1990 = arith.constant 0 : i32
        %add3A_1991 = arith.addi %mul3A_1989, %add3A_1990 : i32
        %add3A_1992 = arith.constant 48 : i32
        %add3A_1993 = arith.addi %add3A_1991, %add3A_1992 : i32
        %get3A_1994 = arith.constant 0 : i32
        %get3A_1995 = arith.index_cast %get3A_1994 : i32 to index
        %get3A_1996 = arith.constant 48 : index
        %get3A_1997 = tpu.vector_load %arg8[%get3A_1995, %get3A_1996] {strides = array<i32>} : memref<4x128xi32, #tpu.memory_space<vmem>>, vector<1x16xi32>,
        %get3A_1998 = vector.shape_cast %get3A_1997 : vector<1x16xi32> to vector<16xi32>
        %add3A_1999 = vector.broadcast %add3A_1993 : i32 to vector<16xi32>
        %add3A_2000 = arith.addi %iota3A, %add3A_1999 : vector<16xi32>
        %and3A_2001 = arith.constant 2047 : i32
        %and3A_2002 = vector.broadcast %and3A_2001 : i32 to vector<16xi32>
        %and3A_2003 = arith.andi %add3A_2000, %and3A_2002 : vector<16xi32>
        %mul3A_2004 = arith.constant 3 : i32
        %mul3A_2005 = vector.broadcast %mul3A_2004 : i32 to vector<16xi32>
        %mul3A_2006 = arith.muli %and3A_2003, %mul3A_2005 : vector<16xi32>
        %add3A_2007 = arith.addi %get3A_1998, %mul3A_2006 : vector<16xi32>
        %swap3A_2008 = arith.constant 0 : i32
        %swap3A_2009 = arith.index_cast %swap3A_2008 : i32 to index
        %swap3A_2010 = arith.constant 48 : index
        %swap3A_2011 = tpu.vector_load %arg8[%swap3A_2009, %swap3A_2010] {strides = array<i32>} : memref<4x128xi32, #tpu.memory_space<vmem>>, vector<1x16xi32>,
        %swap3A_2012 = vector.shape_cast %swap3A_2011 : vector<1x16xi32> to vector<16xi32>
        %swap3A_2013 = vector.shape_cast %add3A_2007 : vector<16xi32> to vector<1x16xi32>
        tpu.vector_store %arg8[%swap3A_2009, %swap3A_2010], %swap3A_2013 {strides = array<i32>} : memref<4x128xi32, #tpu.memory_space<vmem>>, vector<1x16xi32>,
        %mul3A_2014 = arith.constant 512 : i32
        %mul3A_2015 = arith.muli %add3A, %mul3A_2014 : i32
        %add3A_2016 = arith.constant 0 : i32
        %add3A_2017 = arith.addi %mul3A_2015, %add3A_2016 : i32
        %add3A_2018 = arith.constant 64 : i32
        %add3A_2019 = arith.addi %add3A_2017, %add3A_2018 : i32
        %get3A_2020 = arith.constant 0 : i32
        %get3A_2021 = arith.index_cast %get3A_2020 : i32 to index
        %get3A_2022 = arith.constant 64 : index
        %get3A_2023 = tpu.vector_load %arg8[%get3A_2021, %get3A_2022] {strides = array<i32>} : memref<4x128xi32, #tpu.memory_space<vmem>>, vector<1x16xi32>,
        %get3A_2024 = vector.shape_cast %get3A_2023 : vector<1x16xi32> to vector<16xi32>
        %add3A_2025 = vector.broadcast %add3A_2019 : i32 to vector<16xi32>
        %add3A_2026 = arith.addi %iota3A, %add3A_2025 : vector<16xi32>
        %and3A_2027 = arith.constant 2047 : i32
        %and3A_2028 = vector.broadcast %and3A_2027 : i32 to vector<16xi32>
        %and3A_2029 = arith.andi %add3A_2026, %and3A_2028 : vector<16xi32>
        %mul3A_2030 = arith.constant 3 : i32
        %mul3A_2031 = vector.broadcast %mul3A_2030 : i32 to vector<16xi32>
        %mul3A_2032 = arith.muli %and3A_2029, %mul3A_2031 : vector<16xi32>
        %add3A_2033 = arith.addi %get3A_2024, %mul3A_2032 : vector<16xi32>
        %swap3A_2034 = arith.constant 0 : i32
        %swap3A_2035 = arith.index_cast %swap3A_2034 : i32 to index
        %swap3A_2036 = arith.constant 64 : index
        %swap3A_2037 = tpu.vector_load %arg8[%swap3A_2035, %swap3A_2036] {strides = array<i32>} : memref<4x128xi32, #tpu.memory_space<vmem>>, vector<1x16xi32>,
        %swap3A_2038 = vector.shape_cast %swap3A_2037 : vector<1x16xi32> to vector<16xi32>
        %swap3A_2039 = vector.shape_cast %add3A_2033 : vector<16xi32> to vector<1x16xi32>
        tpu.vector_store %arg8[%swap3A_2035, %swap3A_2036], %swap3A_2039 {strides = array<i32>} : memref<4x128xi32, #tpu.memory_space<vmem>>, vector<1x16xi32>,
        %mul3A_2040 = arith.constant 512 : i32
        %mul3A_2041 = arith.muli %add3A, %mul3A_2040 : i32
        %add3A_2042 = arith.constant 0 : i32
        %add3A_2043 = arith.addi %mul3A_2041, %add3A_2042 : i32
        %add3A_2044 = arith.constant 80 : i32
        %add3A_2045 = arith.addi %add3A_2043, %add3A_2044 : i32
        %get3A_2046 = arith.constant 0 : i32
        %get3A_2047 = arith.index_cast %get3A_2046 : i32 to index
        %get3A_2048 = arith.constant 80 : index
        %get3A_2049 = tpu.vector_load %arg8[%get3A_2047, %get3A_2048] {strides = array<i32>} : memref<4x128xi32, #tpu.memory_space<vmem>>, vector<1x16xi32>,
        %get3A_2050 = vector.shape_cast %get3A_2049 : vector<1x16xi32> to vector<16xi32>
        %add3A_2051 = vector.broadcast %add3A_2045 : i32 to vector<16xi32>
        %add3A_2052 = arith.addi %iota3A, %add3A_2051 : vector<16xi32>
        %and3A_2053 = arith.constant 2047 : i32
        %and3A_2054 = vector.broadcast %and3A_2053 : i32 to vector<16xi32>
        %and3A_2055 = arith.andi %add3A_2052, %and3A_2054 : vector<16xi32>
        %mul3A_2056 = arith.constant 3 : i32
        %mul3A_2057 = vector.broadcast %mul3A_2056 : i32 to vector<16xi32>
        %mul3A_2058 = arith.muli %and3A_2055, %mul3A_2057 : vector<16xi32>
        %add3A_2059 = arith.addi %get3A_2050, %mul3A_2058 : vector<16xi32>
        %swap3A_2060 = arith.constant 0 : i32
        %swap3A_2061 = arith.index_cast %swap3A_2060 : i32 to index
        %swap3A_2062 = arith.constant 80 : index
        %swap3A_2063 = tpu.vector_load %arg8[%swap3A_2061, %swap3A_2062] {strides = array<i32>} : memref<4x128xi32, #tpu.memory_space<vmem>>, vector<1x16xi32>,
        %swap3A_2064 = vector.shape_cast %swap3A_2063 : vector<1x16xi32> to vector<16xi32>
        %swap3A_2065 = vector.shape_cast %add3A_2059 : vector<16xi32> to vector<1x16xi32>
        tpu.vector_store %arg8[%swap3A_2061, %swap3A_2062], %swap3A_2065 {strides = array<i32>} : memref<4x128xi32, #tpu.memory_space<vmem>>, vector<1x16xi32>,
        %mul3A_2066 = arith.constant 512 : i32
        %mul3A_2067 = arith.muli %add3A, %mul3A_2066 : i32
        %add3A_2068 = arith.constant 0 : i32
        %add3A_2069 = arith.addi %mul3A_2067, %add3A_2068 : i32
        %add3A_2070 = arith.constant 96 : i32
        %add3A_2071 = arith.addi %add3A_2069, %add3A_2070 : i32
        %get3A_2072 = arith.constant 0 : i32
        %get3A_2073 = arith.index_cast %get3A_2072 : i32 to index
        %get3A_2074 = arith.constant 96 : index
        %get3A_2075 = tpu.vector_load %arg8[%get3A_2073, %get3A_2074] {strides = array<i32>} : memref<4x128xi32, #tpu.memory_space<vmem>>, vector<1x16xi32>,
        %get3A_2076 = vector.shape_cast %get3A_2075 : vector<1x16xi32> to vector<16xi32>
        %add3A_2077 = vector.broadcast %add3A_2071 : i32 to vector<16xi32>
        %add3A_2078 = arith.addi %iota3A, %add3A_2077 : vector<16xi32>
        %and3A_2079 = arith.constant 2047 : i32
        %and3A_2080 = vector.broadcast %and3A_2079 : i32 to vector<16xi32>
        %and3A_2081 = arith.andi %add3A_2078, %and3A_2080 : vector<16xi32>
        %mul3A_2082 = arith.constant 3 : i32
        %mul3A_2083 = vector.broadcast %mul3A_2082 : i32 to vector<16xi32>
        %mul3A_2084 = arith.muli %and3A_2081, %mul3A_2083 : vector<16xi32>
        %add3A_2085 = arith.addi %get3A_2076, %mul3A_2084 : vector<16xi32>
        %swap3A_2086 = arith.constant 0 : i32
        %swap3A_2087 = arith.index_cast %swap3A_2086 : i32 to index
        %swap3A_2088 = arith.constant 96 : index
        %swap3A_2089 = tpu.vector_load %arg8[%swap3A_2087, %swap3A_2088] {strides = array<i32>} : memref<4x128xi32, #tpu.memory_space<vmem>>, vector<1x16xi32>,
        %swap3A_2090 = vector.shape_cast %swap3A_2089 : vector<1x16xi32> to vector<16xi32>
        %swap3A_2091 = vector.shape_cast %add3A_2085 : vector<16xi32> to vector<1x16xi32>
        tpu.vector_store %arg8[%swap3A_2087, %swap3A_2088], %swap3A_2091 {strides = array<i32>} : memref<4x128xi32, #tpu.memory_space<vmem>>, vector<1x16xi32>,
        %mul3A_2092 = arith.constant 512 : i32
        %mul3A_2093 = arith.muli %add3A, %mul3A_2092 : i32
        %add3A_2094 = arith.constant 0 : i32
        %add3A_2095 = arith.addi %mul3A_2093, %add3A_2094 : i32
        %add3A_2096 = arith.constant 112 : i32
        %add3A_2097 = arith.addi %add3A_2095, %add3A_2096 : i32
        %get3A_2098 = arith.constant 0 : i32
        %get3A_2099 = arith.index_cast %get3A_2098 : i32 to index
        %get3A_2100 = arith.constant 112 : index
        %get3A_2101 = tpu.vector_load %arg8[%get3A_2099, %get3A_2100] {strides = array<i32>} : memref<4x128xi32, #tpu.memory_space<vmem>>, vector<1x16xi32>,
        %get3A_2102 = vector.shape_cast %get3A_2101 : vector<1x16xi32> to vector<16xi32>
        %add3A_2103 = vector.broadcast %add3A_2097 : i32 to vector<16xi32>
        %add3A_2104 = arith.addi %iota3A, %add3A_2103 : vector<16xi32>
        %and3A_2105 = arith.constant 2047 : i32
        %and3A_2106 = vector.broadcast %and3A_2105 : i32 to vector<16xi32>
        %and3A_2107 = arith.andi %add3A_2104, %and3A_2106 : vector<16xi32>
        %mul3A_2108 = arith.constant 3 : i32
        %mul3A_2109 = vector.broadcast %mul3A_2108 : i32 to vector<16xi32>
        %mul3A_2110 = arith.muli %and3A_2107, %mul3A_2109 : vector<16xi32>
        %add3A_2111 = arith.addi %get3A_2102, %mul3A_2110 : vector<16xi32>
        %swap3A_2112 = arith.constant 0 : i32
        %swap3A_2113 = arith.index_cast %swap3A_2112 : i32 to index
        %swap3A_2114 = arith.constant 112 : index
        %swap3A_2115 = tpu.vector_load %arg8[%swap3A_2113, %swap3A_2114] {strides = array<i32>} : memref<4x128xi32, #tpu.memory_space<vmem>>, vector<1x16xi32>,
        %swap3A_2116 = vector.shape_cast %swap3A_2115 : vector<1x16xi32> to vector<16xi32>
        %swap3A_2117 = vector.shape_cast %add3A_2111 : vector<16xi32> to vector<1x16xi32>
        tpu.vector_store %arg8[%swap3A_2113, %swap3A_2114], %swap3A_2117 {strides = array<i32>} : memref<4x128xi32, #tpu.memory_space<vmem>>, vector<1x16xi32>,
        %mul3A_2118 = arith.constant 512 : i32
        %mul3A_2119 = arith.muli %add3A, %mul3A_2118 : i32
        %add3A_2120 = arith.constant 128 : i32
        %add3A_2121 = arith.addi %mul3A_2119, %add3A_2120 : i32
        %add3A_2122 = arith.constant 0 : i32
        %add3A_2123 = arith.addi %add3A_2121, %add3A_2122 : i32
        %get3A_2124 = arith.constant 1 : i32
        %get3A_2125 = arith.index_cast %get3A_2124 : i32 to index
        %get3A_2126 = arith.constant 0 : index
        %get3A_2127 = tpu.vector_load %arg8[%get3A_2125, %get3A_2126] {strides = array<i32>} : memref<4x128xi32, #tpu.memory_space<vmem>>, vector<1x16xi32>,
        %get3A_2128 = vector.shape_cast %get3A_2127 : vector<1x16xi32> to vector<16xi32>
        %add3A_2129 = vector.broadcast %add3A_2123 : i32 to vector<16xi32>
        %add3A_2130 = arith.addi %iota3A, %add3A_2129 : vector<16xi32>
        %and3A_2131 = arith.constant 2047 : i32
        %and3A_2132 = vector.broadcast %and3A_2131 : i32 to vector<16xi32>
        %and3A_2133 = arith.andi %add3A_2130, %and3A_2132 : vector<16xi32>
        %mul3A_2134 = arith.constant 3 : i32
        %mul3A_2135 = vector.broadcast %mul3A_2134 : i32 to vector<16xi32>
        %mul3A_2136 = arith.muli %and3A_2133, %mul3A_2135 : vector<16xi32>
        %add3A_2137 = arith.addi %get3A_2128, %mul3A_2136 : vector<16xi32>
        %swap3A_2138 = arith.constant 1 : i32
        %swap3A_2139 = arith.index_cast %swap3A_2138 : i32 to index
        %swap3A_2140 = arith.constant 0 : index
        %swap3A_2141 = tpu.vector_load %arg8[%swap3A_2139, %swap3A_2140] {strides = array<i32>} : memref<4x128xi32, #tpu.memory_space<vmem>>, vector<1x16xi32>,
        %swap3A_2142 = vector.shape_cast %swap3A_2141 : vector<1x16xi32> to vector<16xi32>
        %swap3A_2143 = vector.shape_cast %add3A_2137 : vector<16xi32> to vector<1x16xi32>
        tpu.vector_store %arg8[%swap3A_2139, %swap3A_2140], %swap3A_2143 {strides = array<i32>} : memref<4x128xi32, #tpu.memory_space<vmem>>, vector<1x16xi32>,
        %mul3A_2144 = arith.constant 512 : i32
        %mul3A_2145 = arith.muli %add3A, %mul3A_2144 : i32
        %add3A_2146 = arith.constant 128 : i32
        %add3A_2147 = arith.addi %mul3A_2145, %add3A_2146 : i32
        %add3A_2148 = arith.constant 16 : i32
        %add3A_2149 = arith.addi %add3A_2147, %add3A_2148 : i32
        %get3A_2150 = arith.constant 1 : i32
        %get3A_2151 = arith.index_cast %get3A_2150 : i32 to index
        %get3A_2152 = arith.constant 16 : index
        %get3A_2153 = tpu.vector_load %arg8[%get3A_2151, %get3A_2152] {strides = array<i32>} : memref<4x128xi32, #tpu.memory_space<vmem>>, vector<1x16xi32>,
        %get3A_2154 = vector.shape_cast %get3A_2153 : vector<1x16xi32> to vector<16xi32>
        %add3A_2155 = vector.broadcast %add3A_2149 : i32 to vector<16xi32>
        %add3A_2156 = arith.addi %iota3A, %add3A_2155 : vector<16xi32>
        %and3A_2157 = arith.constant 2047 : i32
        %and3A_2158 = vector.broadcast %and3A_2157 : i32 to vector<16xi32>
        %and3A_2159 = arith.andi %add3A_2156, %and3A_2158 : vector<16xi32>
        %mul3A_2160 = arith.constant 3 : i32
        %mul3A_2161 = vector.broadcast %mul3A_2160 : i32 to vector<16xi32>
        %mul3A_2162 = arith.muli %and3A_2159, %mul3A_2161 : vector<16xi32>
        %add3A_2163 = arith.addi %get3A_2154, %mul3A_2162 : vector<16xi32>
        %swap3A_2164 = arith.constant 1 : i32
        %swap3A_2165 = arith.index_cast %swap3A_2164 : i32 to index
        %swap3A_2166 = arith.constant 16 : index
        %swap3A_2167 = tpu.vector_load %arg8[%swap3A_2165, %swap3A_2166] {strides = array<i32>} : memref<4x128xi32, #tpu.memory_space<vmem>>, vector<1x16xi32>,
        %swap3A_2168 = vector.shape_cast %swap3A_2167 : vector<1x16xi32> to vector<16xi32>
        %swap3A_2169 = vector.shape_cast %add3A_2163 : vector<16xi32> to vector<1x16xi32>
        tpu.vector_store %arg8[%swap3A_2165, %swap3A_2166], %swap3A_2169 {strides = array<i32>} : memref<4x128xi32, #tpu.memory_space<vmem>>, vector<1x16xi32>,
        %mul3A_2170 = arith.constant 512 : i32
        %mul3A_2171 = arith.muli %add3A, %mul3A_2170 : i32
        %add3A_2172 = arith.constant 128 : i32
        %add3A_2173 = arith.addi %mul3A_2171, %add3A_2172 : i32
        %add3A_2174 = arith.constant 32 : i32
        %add3A_2175 = arith.addi %add3A_2173, %add3A_2174 : i32
        %get3A_2176 = arith.constant 1 : i32
        %get3A_2177 = arith.index_cast %get3A_2176 : i32 to index
        %get3A_2178 = arith.constant 32 : index
        %get3A_2179 = tpu.vector_load %arg8[%get3A_2177, %get3A_2178] {strides = array<i32>} : memref<4x128xi32, #tpu.memory_space<vmem>>, vector<1x16xi32>,
        %get3A_2180 = vector.shape_cast %get3A_2179 : vector<1x16xi32> to vector<16xi32>
        %add3A_2181 = vector.broadcast %add3A_2175 : i32 to vector<16xi32>
        %add3A_2182 = arith.addi %iota3A, %add3A_2181 : vector<16xi32>
        %and3A_2183 = arith.constant 2047 : i32
        %and3A_2184 = vector.broadcast %and3A_2183 : i32 to vector<16xi32>
        %and3A_2185 = arith.andi %add3A_2182, %and3A_2184 : vector<16xi32>
        %mul3A_2186 = arith.constant 3 : i32
        %mul3A_2187 = vector.broadcast %mul3A_2186 : i32 to vector<16xi32>
        %mul3A_2188 = arith.muli %and3A_2185, %mul3A_2187 : vector<16xi32>
        %add3A_2189 = arith.addi %get3A_2180, %mul3A_2188 : vector<16xi32>
        %swap3A_2190 = arith.constant 1 : i32
        %swap3A_2191 = arith.index_cast %swap3A_2190 : i32 to index
        %swap3A_2192 = arith.constant 32 : index
        %swap3A_2193 = tpu.vector_load %arg8[%swap3A_2191, %swap3A_2192] {strides = array<i32>} : memref<4x128xi32, #tpu.memory_space<vmem>>, vector<1x16xi32>,
        %swap3A_2194 = vector.shape_cast %swap3A_2193 : vector<1x16xi32> to vector<16xi32>
        %swap3A_2195 = vector.shape_cast %add3A_2189 : vector<16xi32> to vector<1x16xi32>
        tpu.vector_store %arg8[%swap3A_2191, %swap3A_2192], %swap3A_2195 {strides = array<i32>} : memref<4x128xi32, #tpu.memory_space<vmem>>, vector<1x16xi32>,
        %mul3A_2196 = arith.constant 512 : i32
        %mul3A_2197 = arith.muli %add3A, %mul3A_2196 : i32
        %add3A_2198 = arith.constant 128 : i32
        %add3A_2199 = arith.addi %mul3A_2197, %add3A_2198 : i32
        %add3A_2200 = arith.constant 48 : i32
        %add3A_2201 = arith.addi %add3A_2199, %add3A_2200 : i32
        %get3A_2202 = arith.constant 1 : i32
        %get3A_2203 = arith.index_cast %get3A_2202 : i32 to index
        %get3A_2204 = arith.constant 48 : index
        %get3A_2205 = tpu.vector_load %arg8[%get3A_2203, %get3A_2204] {strides = array<i32>} : memref<4x128xi32, #tpu.memory_space<vmem>>, vector<1x16xi32>,
        %get3A_2206 = vector.shape_cast %get3A_2205 : vector<1x16xi32> to vector<16xi32>
        %add3A_2207 = vector.broadcast %add3A_2201 : i32 to vector<16xi32>
        %add3A_2208 = arith.addi %iota3A, %add3A_2207 : vector<16xi32>
        %and3A_2209 = arith.constant 2047 : i32
        %and3A_2210 = vector.broadcast %and3A_2209 : i32 to vector<16xi32>
        %and3A_2211 = arith.andi %add3A_2208, %and3A_2210 : vector<16xi32>
        %mul3A_2212 = arith.constant 3 : i32
        %mul3A_2213 = vector.broadcast %mul3A_2212 : i32 to vector<16xi32>
        %mul3A_2214 = arith.muli %and3A_2211, %mul3A_2213 : vector<16xi32>
        %add3A_2215 = arith.addi %get3A_2206, %mul3A_2214 : vector<16xi32>
        %swap3A_2216 = arith.constant 1 : i32
        %swap3A_2217 = arith.index_cast %swap3A_2216 : i32 to index
        %swap3A_2218 = arith.constant 48 : index
        %swap3A_2219 = tpu.vector_load %arg8[%swap3A_2217, %swap3A_2218] {strides = array<i32>} : memref<4x128xi32, #tpu.memory_space<vmem>>, vector<1x16xi32>,
        %swap3A_2220 = vector.shape_cast %swap3A_2219 : vector<1x16xi32> to vector<16xi32>
        %swap3A_2221 = vector.shape_cast %add3A_2215 : vector<16xi32> to vector<1x16xi32>
        tpu.vector_store %arg8[%swap3A_2217, %swap3A_2218], %swap3A_2221 {strides = array<i32>} : memref<4x128xi32, #tpu.memory_space<vmem>>, vector<1x16xi32>,
        %mul3A_2222 = arith.constant 512 : i32
        %mul3A_2223 = arith.muli %add3A, %mul3A_2222 : i32
        %add3A_2224 = arith.constant 128 : i32
        %add3A_2225 = arith.addi %mul3A_2223, %add3A_2224 : i32
        %add3A_2226 = arith.constant 64 : i32
        %add3A_2227 = arith.addi %add3A_2225, %add3A_2226 : i32
        %get3A_2228 = arith.constant 1 : i32
        %get3A_2229 = arith.index_cast %get3A_2228 : i32 to index
        %get3A_2230 = arith.constant 64 : index
        %get3A_2231 = tpu.vector_load %arg8[%get3A_2229, %get3A_2230] {strides = array<i32>} : memref<4x128xi32, #tpu.memory_space<vmem>>, vector<1x16xi32>,
        %get3A_2232 = vector.shape_cast %get3A_2231 : vector<1x16xi32> to vector<16xi32>
        %add3A_2233 = vector.broadcast %add3A_2227 : i32 to vector<16xi32>
        %add3A_2234 = arith.addi %iota3A, %add3A_2233 : vector<16xi32>
        %and3A_2235 = arith.constant 2047 : i32
        %and3A_2236 = vector.broadcast %and3A_2235 : i32 to vector<16xi32>
        %and3A_2237 = arith.andi %add3A_2234, %and3A_2236 : vector<16xi32>
        %mul3A_2238 = arith.constant 3 : i32
        %mul3A_2239 = vector.broadcast %mul3A_2238 : i32 to vector<16xi32>
        %mul3A_2240 = arith.muli %and3A_2237, %mul3A_2239 : vector<16xi32>
        %add3A_2241 = arith.addi %get3A_2232, %mul3A_2240 : vector<16xi32>
        %swap3A_2242 = arith.constant 1 : i32
        %swap3A_2243 = arith.index_cast %swap3A_2242 : i32 to index
        %swap3A_2244 = arith.constant 64 : index
        %swap3A_2245 = tpu.vector_load %arg8[%swap3A_2243, %swap3A_2244] {strides = array<i32>} : memref<4x128xi32, #tpu.memory_space<vmem>>, vector<1x16xi32>,
        %swap3A_2246 = vector.shape_cast %swap3A_2245 : vector<1x16xi32> to vector<16xi32>
        %swap3A_2247 = vector.shape_cast %add3A_2241 : vector<16xi32> to vector<1x16xi32>
        tpu.vector_store %arg8[%swap3A_2243, %swap3A_2244], %swap3A_2247 {strides = array<i32>} : memref<4x128xi32, #tpu.memory_space<vmem>>, vector<1x16xi32>,
        %mul3A_2248 = arith.constant 512 : i32
        %mul3A_2249 = arith.muli %add3A, %mul3A_2248 : i32
        %add3A_2250 = arith.constant 128 : i32
        %add3A_2251 = arith.addi %mul3A_2249, %add3A_2250 : i32
        %add3A_2252 = arith.constant 80 : i32
        %add3A_2253 = arith.addi %add3A_2251, %add3A_2252 : i32
        %get3A_2254 = arith.constant 1 : i32
        %get3A_2255 = arith.index_cast %get3A_2254 : i32 to index
        %get3A_2256 = arith.constant 80 : index
        %get3A_2257 = tpu.vector_load %arg8[%get3A_2255, %get3A_2256] {strides = array<i32>} : memref<4x128xi32, #tpu.memory_space<vmem>>, vector<1x16xi32>,
        %get3A_2258 = vector.shape_cast %get3A_2257 : vector<1x16xi32> to vector<16xi32>
        %add3A_2259 = vector.broadcast %add3A_2253 : i32 to vector<16xi32>
        %add3A_2260 = arith.addi %iota3A, %add3A_2259 : vector<16xi32>
        %and3A_2261 = arith.constant 2047 : i32
        %and3A_2262 = vector.broadcast %and3A_2261 : i32 to vector<16xi32>
        %and3A_2263 = arith.andi %add3A_2260, %and3A_2262 : vector<16xi32>
        %mul3A_2264 = arith.constant 3 : i32
        %mul3A_2265 = vector.broadcast %mul3A_2264 : i32 to vector<16xi32>
        %mul3A_2266 = arith.muli %and3A_2263, %mul3A_2265 : vector<16xi32>
        %add3A_2267 = arith.addi %get3A_2258, %mul3A_2266 : vector<16xi32>
        %swap3A_2268 = arith.constant 1 : i32
        %swap3A_2269 = arith.index_cast %swap3A_2268 : i32 to index
        %swap3A_2270 = arith.constant 80 : index
        %swap3A_2271 = tpu.vector_load %arg8[%swap3A_2269, %swap3A_2270] {strides = array<i32>} : memref<4x128xi32, #tpu.memory_space<vmem>>, vector<1x16xi32>,
        %swap3A_2272 = vector.shape_cast %swap3A_2271 : vector<1x16xi32> to vector<16xi32>
        %swap3A_2273 = vector.shape_cast %add3A_2267 : vector<16xi32> to vector<1x16xi32>
        tpu.vector_store %arg8[%swap3A_2269, %swap3A_2270], %swap3A_2273 {strides = array<i32>} : memref<4x128xi32, #tpu.memory_space<vmem>>, vector<1x16xi32>,
        %mul3A_2274 = arith.constant 512 : i32
        %mul3A_2275 = arith.muli %add3A, %mul3A_2274 : i32
        %add3A_2276 = arith.constant 128 : i32
        %add3A_2277 = arith.addi %mul3A_2275, %add3A_2276 : i32
        %add3A_2278 = arith.constant 96 : i32
        %add3A_2279 = arith.addi %add3A_2277, %add3A_2278 : i32
        %get3A_2280 = arith.constant 1 : i32
        %get3A_2281 = arith.index_cast %get3A_2280 : i32 to index
        %get3A_2282 = arith.constant 96 : index
        %get3A_2283 = tpu.vector_load %arg8[%get3A_2281, %get3A_2282] {strides = array<i32>} : memref<4x128xi32, #tpu.memory_space<vmem>>, vector<1x16xi32>,
        %get3A_2284 = vector.shape_cast %get3A_2283 : vector<1x16xi32> to vector<16xi32>
        %add3A_2285 = vector.broadcast %add3A_2279 : i32 to vector<16xi32>
        %add3A_2286 = arith.addi %iota3A, %add3A_2285 : vector<16xi32>
        %and3A_2287 = arith.constant 2047 : i32
        %and3A_2288 = vector.broadcast %and3A_2287 : i32 to vector<16xi32>
        %and3A_2289 = arith.andi %add3A_2286, %and3A_2288 : vector<16xi32>
        %mul3A_2290 = arith.constant 3 : i32
        %mul3A_2291 = vector.broadcast %mul3A_2290 : i32 to vector<16xi32>
        %mul3A_2292 = arith.muli %and3A_2289, %mul3A_2291 : vector<16xi32>
        %add3A_2293 = arith.addi %get3A_2284, %mul3A_2292 : vector<16xi32>
        %swap3A_2294 = arith.constant 1 : i32
        %swap3A_2295 = arith.index_cast %swap3A_2294 : i32 to index
        %swap3A_2296 = arith.constant 96 : index
        %swap3A_2297 = tpu.vector_load %arg8[%swap3A_2295, %swap3A_2296] {strides = array<i32>} : memref<4x128xi32, #tpu.memory_space<vmem>>, vector<1x16xi32>,
        %swap3A_2298 = vector.shape_cast %swap3A_2297 : vector<1x16xi32> to vector<16xi32>
        %swap3A_2299 = vector.shape_cast %add3A_2293 : vector<16xi32> to vector<1x16xi32>
        tpu.vector_store %arg8[%swap3A_2295, %swap3A_2296], %swap3A_2299 {strides = array<i32>} : memref<4x128xi32, #tpu.memory_space<vmem>>, vector<1x16xi32>,
        %mul3A_2300 = arith.constant 512 : i32
        %mul3A_2301 = arith.muli %add3A, %mul3A_2300 : i32
        %add3A_2302 = arith.constant 128 : i32
        %add3A_2303 = arith.addi %mul3A_2301, %add3A_2302 : i32
        %add3A_2304 = arith.constant 112 : i32
        %add3A_2305 = arith.addi %add3A_2303, %add3A_2304 : i32
        %get3A_2306 = arith.constant 1 : i32
        %get3A_2307 = arith.index_cast %get3A_2306 : i32 to index
        %get3A_2308 = arith.constant 112 : index
        %get3A_2309 = tpu.vector_load %arg8[%get3A_2307, %get3A_2308] {strides = array<i32>} : memref<4x128xi32, #tpu.memory_space<vmem>>, vector<1x16xi32>,
        %get3A_2310 = vector.shape_cast %get3A_2309 : vector<1x16xi32> to vector<16xi32>
        %add3A_2311 = vector.broadcast %add3A_2305 : i32 to vector<16xi32>
        %add3A_2312 = arith.addi %iota3A, %add3A_2311 : vector<16xi32>
        %and3A_2313 = arith.constant 2047 : i32
        %and3A_2314 = vector.broadcast %and3A_2313 : i32 to vector<16xi32>
        %and3A_2315 = arith.andi %add3A_2312, %and3A_2314 : vector<16xi32>
        %mul3A_2316 = arith.constant 3 : i32
        %mul3A_2317 = vector.broadcast %mul3A_2316 : i32 to vector<16xi32>
        %mul3A_2318 = arith.muli %and3A_2315, %mul3A_2317 : vector<16xi32>
        %add3A_2319 = arith.addi %get3A_2310, %mul3A_2318 : vector<16xi32>
        %swap3A_2320 = arith.constant 1 : i32
        %swap3A_2321 = arith.index_cast %swap3A_2320 : i32 to index
        %swap3A_2322 = arith.constant 112 : index
        %swap3A_2323 = tpu.vector_load %arg8[%swap3A_2321, %swap3A_2322] {strides = array<i32>} : memref<4x128xi32, #tpu.memory_space<vmem>>, vector<1x16xi32>,
        %swap3A_2324 = vector.shape_cast %swap3A_2323 : vector<1x16xi32> to vector<16xi32>
        %swap3A_2325 = vector.shape_cast %add3A_2319 : vector<16xi32> to vector<1x16xi32>
        tpu.vector_store %arg8[%swap3A_2321, %swap3A_2322], %swap3A_2325 {strides = array<i32>} : memref<4x128xi32, #tpu.memory_space<vmem>>, vector<1x16xi32>,
        %mul3A_2326 = arith.constant 512 : i32
        %mul3A_2327 = arith.muli %add3A, %mul3A_2326 : i32
        %add3A_2328 = arith.constant 256 : i32
        %add3A_2329 = arith.addi %mul3A_2327, %add3A_2328 : i32
        %add3A_2330 = arith.constant 0 : i32
        %add3A_2331 = arith.addi %add3A_2329, %add3A_2330 : i32
        %get3A_2332 = arith.constant 2 : i32
        %get3A_2333 = arith.index_cast %get3A_2332 : i32 to index
        %get3A_2334 = arith.constant 0 : index
        %get3A_2335 = tpu.vector_load %arg8[%get3A_2333, %get3A_2334] {strides = array<i32>} : memref<4x128xi32, #tpu.memory_space<vmem>>, vector<1x16xi32>,
        %get3A_2336 = vector.shape_cast %get3A_2335 : vector<1x16xi32> to vector<16xi32>
        %add3A_2337 = vector.broadcast %add3A_2331 : i32 to vector<16xi32>
        %add3A_2338 = arith.addi %iota3A, %add3A_2337 : vector<16xi32>
        %and3A_2339 = arith.constant 2047 : i32
        %and3A_2340 = vector.broadcast %and3A_2339 : i32 to vector<16xi32>
        %and3A_2341 = arith.andi %add3A_2338, %and3A_2340 : vector<16xi32>
        %mul3A_2342 = arith.constant 3 : i32
        %mul3A_2343 = vector.broadcast %mul3A_2342 : i32 to vector<16xi32>
        %mul3A_2344 = arith.muli %and3A_2341, %mul3A_2343 : vector<16xi32>
        %add3A_2345 = arith.addi %get3A_2336, %mul3A_2344 : vector<16xi32>
        %swap3A_2346 = arith.constant 2 : i32
        %swap3A_2347 = arith.index_cast %swap3A_2346 : i32 to index
        %swap3A_2348 = arith.constant 0 : index
        %swap3A_2349 = tpu.vector_load %arg8[%swap3A_2347, %swap3A_2348] {strides = array<i32>} : memref<4x128xi32, #tpu.memory_space<vmem>>, vector<1x16xi32>,
        %swap3A_2350 = vector.shape_cast %swap3A_2349 : vector<1x16xi32> to vector<16xi32>
        %swap3A_2351 = vector.shape_cast %add3A_2345 : vector<16xi32> to vector<1x16xi32>
        tpu.vector_store %arg8[%swap3A_2347, %swap3A_2348], %swap3A_2351 {strides = array<i32>} : memref<4x128xi32, #tpu.memory_space<vmem>>, vector<1x16xi32>,
        %mul3A_2352 = arith.constant 512 : i32
        %mul3A_2353 = arith.muli %add3A, %mul3A_2352 : i32
        %add3A_2354 = arith.constant 256 : i32
        %add3A_2355 = arith.addi %mul3A_2353, %add3A_2354 : i32
        %add3A_2356 = arith.constant 16 : i32
        %add3A_2357 = arith.addi %add3A_2355, %add3A_2356 : i32
        %get3A_2358 = arith.constant 2 : i32
        %get3A_2359 = arith.index_cast %get3A_2358 : i32 to index
        %get3A_2360 = arith.constant 16 : index
        %get3A_2361 = tpu.vector_load %arg8[%get3A_2359, %get3A_2360] {strides = array<i32>} : memref<4x128xi32, #tpu.memory_space<vmem>>, vector<1x16xi32>,
        %get3A_2362 = vector.shape_cast %get3A_2361 : vector<1x16xi32> to vector<16xi32>
        %add3A_2363 = vector.broadcast %add3A_2357 : i32 to vector<16xi32>
        %add3A_2364 = arith.addi %iota3A, %add3A_2363 : vector<16xi32>
        %and3A_2365 = arith.constant 2047 : i32
        %and3A_2366 = vector.broadcast %and3A_2365 : i32 to vector<16xi32>
        %and3A_2367 = arith.andi %add3A_2364, %and3A_2366 : vector<16xi32>
        %mul3A_2368 = arith.constant 3 : i32
        %mul3A_2369 = vector.broadcast %mul3A_2368 : i32 to vector<16xi32>
        %mul3A_2370 = arith.muli %and3A_2367, %mul3A_2369 : vector<16xi32>
        %add3A_2371 = arith.addi %get3A_2362, %mul3A_2370 : vector<16xi32>
        %swap3A_2372 = arith.constant 2 : i32
        %swap3A_2373 = arith.index_cast %swap3A_2372 : i32 to index
        %swap3A_2374 = arith.constant 16 : index
        %swap3A_2375 = tpu.vector_load %arg8[%swap3A_2373, %swap3A_2374] {strides = array<i32>} : memref<4x128xi32, #tpu.memory_space<vmem>>, vector<1x16xi32>,
        %swap3A_2376 = vector.shape_cast %swap3A_2375 : vector<1x16xi32> to vector<16xi32>
        %swap3A_2377 = vector.shape_cast %add3A_2371 : vector<16xi32> to vector<1x16xi32>
        tpu.vector_store %arg8[%swap3A_2373, %swap3A_2374], %swap3A_2377 {strides = array<i32>} : memref<4x128xi32, #tpu.memory_space<vmem>>, vector<1x16xi32>,
        %mul3A_2378 = arith.constant 512 : i32
        %mul3A_2379 = arith.muli %add3A, %mul3A_2378 : i32
        %add3A_2380 = arith.constant 256 : i32
        %add3A_2381 = arith.addi %mul3A_2379, %add3A_2380 : i32
        %add3A_2382 = arith.constant 32 : i32
        %add3A_2383 = arith.addi %add3A_2381, %add3A_2382 : i32
        %get3A_2384 = arith.constant 2 : i32
        %get3A_2385 = arith.index_cast %get3A_2384 : i32 to index
        %get3A_2386 = arith.constant 32 : index
        %get3A_2387 = tpu.vector_load %arg8[%get3A_2385, %get3A_2386] {strides = array<i32>} : memref<4x128xi32, #tpu.memory_space<vmem>>, vector<1x16xi32>,
        %get3A_2388 = vector.shape_cast %get3A_2387 : vector<1x16xi32> to vector<16xi32>
        %add3A_2389 = vector.broadcast %add3A_2383 : i32 to vector<16xi32>
        %add3A_2390 = arith.addi %iota3A, %add3A_2389 : vector<16xi32>
        %and3A_2391 = arith.constant 2047 : i32
        %and3A_2392 = vector.broadcast %and3A_2391 : i32 to vector<16xi32>
        %and3A_2393 = arith.andi %add3A_2390, %and3A_2392 : vector<16xi32>
        %mul3A_2394 = arith.constant 3 : i32
        %mul3A_2395 = vector.broadcast %mul3A_2394 : i32 to vector<16xi32>
        %mul3A_2396 = arith.muli %and3A_2393, %mul3A_2395 : vector<16xi32>
        %add3A_2397 = arith.addi %get3A_2388, %mul3A_2396 : vector<16xi32>
        %swap3A_2398 = arith.constant 2 : i32
        %swap3A_2399 = arith.index_cast %swap3A_2398 : i32 to index
        %swap3A_2400 = arith.constant 32 : index
        %swap3A_2401 = tpu.vector_load %arg8[%swap3A_2399, %swap3A_2400] {strides = array<i32>} : memref<4x128xi32, #tpu.memory_space<vmem>>, vector<1x16xi32>,
        %swap3A_2402 = vector.shape_cast %swap3A_2401 : vector<1x16xi32> to vector<16xi32>
        %swap3A_2403 = vector.shape_cast %add3A_2397 : vector<16xi32> to vector<1x16xi32>
        tpu.vector_store %arg8[%swap3A_2399, %swap3A_2400], %swap3A_2403 {strides = array<i32>} : memref<4x128xi32, #tpu.memory_space<vmem>>, vector<1x16xi32>,
        %mul3A_2404 = arith.constant 512 : i32
        %mul3A_2405 = arith.muli %add3A, %mul3A_2404 : i32
        %add3A_2406 = arith.constant 256 : i32
        %add3A_2407 = arith.addi %mul3A_2405, %add3A_2406 : i32
        %add3A_2408 = arith.constant 48 : i32
        %add3A_2409 = arith.addi %add3A_2407, %add3A_2408 : i32
        %get3A_2410 = arith.constant 2 : i32
        %get3A_2411 = arith.index_cast %get3A_2410 : i32 to index
        %get3A_2412 = arith.constant 48 : index
        %get3A_2413 = tpu.vector_load %arg8[%get3A_2411, %get3A_2412] {strides = array<i32>} : memref<4x128xi32, #tpu.memory_space<vmem>>, vector<1x16xi32>,
        %get3A_2414 = vector.shape_cast %get3A_2413 : vector<1x16xi32> to vector<16xi32>
        %add3A_2415 = vector.broadcast %add3A_2409 : i32 to vector<16xi32>
        %add3A_2416 = arith.addi %iota3A, %add3A_2415 : vector<16xi32>
        %and3A_2417 = arith.constant 2047 : i32
        %and3A_2418 = vector.broadcast %and3A_2417 : i32 to vector<16xi32>
        %and3A_2419 = arith.andi %add3A_2416, %and3A_2418 : vector<16xi32>
        %mul3A_2420 = arith.constant 3 : i32
        %mul3A_2421 = vector.broadcast %mul3A_2420 : i32 to vector<16xi32>
        %mul3A_2422 = arith.muli %and3A_2419, %mul3A_2421 : vector<16xi32>
        %add3A_2423 = arith.addi %get3A_2414, %mul3A_2422 : vector<16xi32>
        %swap3A_2424 = arith.constant 2 : i32
        %swap3A_2425 = arith.index_cast %swap3A_2424 : i32 to index
        %swap3A_2426 = arith.constant 48 : index
        %swap3A_2427 = tpu.vector_load %arg8[%swap3A_2425, %swap3A_2426] {strides = array<i32>} : memref<4x128xi32, #tpu.memory_space<vmem>>, vector<1x16xi32>,
        %swap3A_2428 = vector.shape_cast %swap3A_2427 : vector<1x16xi32> to vector<16xi32>
        %swap3A_2429 = vector.shape_cast %add3A_2423 : vector<16xi32> to vector<1x16xi32>
        tpu.vector_store %arg8[%swap3A_2425, %swap3A_2426], %swap3A_2429 {strides = array<i32>} : memref<4x128xi32, #tpu.memory_space<vmem>>, vector<1x16xi32>,
        %mul3A_2430 = arith.constant 512 : i32
        %mul3A_2431 = arith.muli %add3A, %mul3A_2430 : i32
        %add3A_2432 = arith.constant 256 : i32
        %add3A_2433 = arith.addi %mul3A_2431, %add3A_2432 : i32
        %add3A_2434 = arith.constant 64 : i32
        %add3A_2435 = arith.addi %add3A_2433, %add3A_2434 : i32
        %get3A_2436 = arith.constant 2 : i32
        %get3A_2437 = arith.index_cast %get3A_2436 : i32 to index
        %get3A_2438 = arith.constant 64 : index
        %get3A_2439 = tpu.vector_load %arg8[%get3A_2437, %get3A_2438] {strides = array<i32>} : memref<4x128xi32, #tpu.memory_space<vmem>>, vector<1x16xi32>,
        %get3A_2440 = vector.shape_cast %get3A_2439 : vector<1x16xi32> to vector<16xi32>
        %add3A_2441 = vector.broadcast %add3A_2435 : i32 to vector<16xi32>
        %add3A_2442 = arith.addi %iota3A, %add3A_2441 : vector<16xi32>
        %and3A_2443 = arith.constant 2047 : i32
        %and3A_2444 = vector.broadcast %and3A_2443 : i32 to vector<16xi32>
        %and3A_2445 = arith.andi %add3A_2442, %and3A_2444 : vector<16xi32>
        %mul3A_2446 = arith.constant 3 : i32
        %mul3A_2447 = vector.broadcast %mul3A_2446 : i32 to vector<16xi32>
        %mul3A_2448 = arith.muli %and3A_2445, %mul3A_2447 : vector<16xi32>
        %add3A_2449 = arith.addi %get3A_2440, %mul3A_2448 : vector<16xi32>
        %swap3A_2450 = arith.constant 2 : i32
        %swap3A_2451 = arith.index_cast %swap3A_2450 : i32 to index
        %swap3A_2452 = arith.constant 64 : index
        %swap3A_2453 = tpu.vector_load %arg8[%swap3A_2451, %swap3A_2452] {strides = array<i32>} : memref<4x128xi32, #tpu.memory_space<vmem>>, vector<1x16xi32>,
        %swap3A_2454 = vector.shape_cast %swap3A_2453 : vector<1x16xi32> to vector<16xi32>
        %swap3A_2455 = vector.shape_cast %add3A_2449 : vector<16xi32> to vector<1x16xi32>
        tpu.vector_store %arg8[%swap3A_2451, %swap3A_2452], %swap3A_2455 {strides = array<i32>} : memref<4x128xi32, #tpu.memory_space<vmem>>, vector<1x16xi32>,
        %mul3A_2456 = arith.constant 512 : i32
        %mul3A_2457 = arith.muli %add3A, %mul3A_2456 : i32
        %add3A_2458 = arith.constant 256 : i32
        %add3A_2459 = arith.addi %mul3A_2457, %add3A_2458 : i32
        %add3A_2460 = arith.constant 80 : i32
        %add3A_2461 = arith.addi %add3A_2459, %add3A_2460 : i32
        %get3A_2462 = arith.constant 2 : i32
        %get3A_2463 = arith.index_cast %get3A_2462 : i32 to index
        %get3A_2464 = arith.constant 80 : index
        %get3A_2465 = tpu.vector_load %arg8[%get3A_2463, %get3A_2464] {strides = array<i32>} : memref<4x128xi32, #tpu.memory_space<vmem>>, vector<1x16xi32>,
        %get3A_2466 = vector.shape_cast %get3A_2465 : vector<1x16xi32> to vector<16xi32>
        %add3A_2467 = vector.broadcast %add3A_2461 : i32 to vector<16xi32>
        %add3A_2468 = arith.addi %iota3A, %add3A_2467 : vector<16xi32>
        %and3A_2469 = arith.constant 2047 : i32
        %and3A_2470 = vector.broadcast %and3A_2469 : i32 to vector<16xi32>
        %and3A_2471 = arith.andi %add3A_2468, %and3A_2470 : vector<16xi32>
        %mul3A_2472 = arith.constant 3 : i32
        %mul3A_2473 = vector.broadcast %mul3A_2472 : i32 to vector<16xi32>
        %mul3A_2474 = arith.muli %and3A_2471, %mul3A_2473 : vector<16xi32>
        %add3A_2475 = arith.addi %get3A_2466, %mul3A_2474 : vector<16xi32>
        %swap3A_2476 = arith.constant 2 : i32
        %swap3A_2477 = arith.index_cast %swap3A_2476 : i32 to index
        %swap3A_2478 = arith.constant 80 : index
        %swap3A_2479 = tpu.vector_load %arg8[%swap3A_2477, %swap3A_2478] {strides = array<i32>} : memref<4x128xi32, #tpu.memory_space<vmem>>, vector<1x16xi32>,
        %swap3A_2480 = vector.shape_cast %swap3A_2479 : vector<1x16xi32> to vector<16xi32>
        %swap3A_2481 = vector.shape_cast %add3A_2475 : vector<16xi32> to vector<1x16xi32>
        tpu.vector_store %arg8[%swap3A_2477, %swap3A_2478], %swap3A_2481 {strides = array<i32>} : memref<4x128xi32, #tpu.memory_space<vmem>>, vector<1x16xi32>,
        %mul3A_2482 = arith.constant 512 : i32
        %mul3A_2483 = arith.muli %add3A, %mul3A_2482 : i32
        %add3A_2484 = arith.constant 256 : i32
        %add3A_2485 = arith.addi %mul3A_2483, %add3A_2484 : i32
        %add3A_2486 = arith.constant 96 : i32
        %add3A_2487 = arith.addi %add3A_2485, %add3A_2486 : i32
        %get3A_2488 = arith.constant 2 : i32
        %get3A_2489 = arith.index_cast %get3A_2488 : i32 to index
        %get3A_2490 = arith.constant 96 : index
        %get3A_2491 = tpu.vector_load %arg8[%get3A_2489, %get3A_2490] {strides = array<i32>} : memref<4x128xi32, #tpu.memory_space<vmem>>, vector<1x16xi32>,
        %get3A_2492 = vector.shape_cast %get3A_2491 : vector<1x16xi32> to vector<16xi32>
        %add3A_2493 = vector.broadcast %add3A_2487 : i32 to vector<16xi32>
        %add3A_2494 = arith.addi %iota3A, %add3A_2493 : vector<16xi32>
        %and3A_2495 = arith.constant 2047 : i32
        %and3A_2496 = vector.broadcast %and3A_2495 : i32 to vector<16xi32>
        %and3A_2497 = arith.andi %add3A_2494, %and3A_2496 : vector<16xi32>
        %mul3A_2498 = arith.constant 3 : i32
        %mul3A_2499 = vector.broadcast %mul3A_2498 : i32 to vector<16xi32>
        %mul3A_2500 = arith.muli %and3A_2497, %mul3A_2499 : vector<16xi32>
        %add3A_2501 = arith.addi %get3A_2492, %mul3A_2500 : vector<16xi32>
        %swap3A_2502 = arith.constant 2 : i32
        %swap3A_2503 = arith.index_cast %swap3A_2502 : i32 to index
        %swap3A_2504 = arith.constant 96 : index
        %swap3A_2505 = tpu.vector_load %arg8[%swap3A_2503, %swap3A_2504] {strides = array<i32>} : memref<4x128xi32, #tpu.memory_space<vmem>>, vector<1x16xi32>,
        %swap3A_2506 = vector.shape_cast %swap3A_2505 : vector<1x16xi32> to vector<16xi32>
        %swap3A_2507 = vector.shape_cast %add3A_2501 : vector<16xi32> to vector<1x16xi32>
        tpu.vector_store %arg8[%swap3A_2503, %swap3A_2504], %swap3A_2507 {strides = array<i32>} : memref<4x128xi32, #tpu.memory_space<vmem>>, vector<1x16xi32>,
        %mul3A_2508 = arith.constant 512 : i32
        %mul3A_2509 = arith.muli %add3A, %mul3A_2508 : i32
        %add3A_2510 = arith.constant 256 : i32
        %add3A_2511 = arith.addi %mul3A_2509, %add3A_2510 : i32
        %add3A_2512 = arith.constant 112 : i32
        %add3A_2513 = arith.addi %add3A_2511, %add3A_2512 : i32
        %get3A_2514 = arith.constant 2 : i32
        %get3A_2515 = arith.index_cast %get3A_2514 : i32 to index
        %get3A_2516 = arith.constant 112 : index
        %get3A_2517 = tpu.vector_load %arg8[%get3A_2515, %get3A_2516] {strides = array<i32>} : memref<4x128xi32, #tpu.memory_space<vmem>>, vector<1x16xi32>,
        %get3A_2518 = vector.shape_cast %get3A_2517 : vector<1x16xi32> to vector<16xi32>
        %add3A_2519 = vector.broadcast %add3A_2513 : i32 to vector<16xi32>
        %add3A_2520 = arith.addi %iota3A, %add3A_2519 : vector<16xi32>
        %and3A_2521 = arith.constant 2047 : i32
        %and3A_2522 = vector.broadcast %and3A_2521 : i32 to vector<16xi32>
        %and3A_2523 = arith.andi %add3A_2520, %and3A_2522 : vector<16xi32>
        %mul3A_2524 = arith.constant 3 : i32
        %mul3A_2525 = vector.broadcast %mul3A_2524 : i32 to vector<16xi32>
        %mul3A_2526 = arith.muli %and3A_2523, %mul3A_2525 : vector<16xi32>
        %add3A_2527 = arith.addi %get3A_2518, %mul3A_2526 : vector<16xi32>
        %swap3A_2528 = arith.constant 2 : i32
        %swap3A_2529 = arith.index_cast %swap3A_2528 : i32 to index
        %swap3A_2530 = arith.constant 112 : index
        %swap3A_2531 = tpu.vector_load %arg8[%swap3A_2529, %swap3A_2530] {strides = array<i32>} : memref<4x128xi32, #tpu.memory_space<vmem>>, vector<1x16xi32>,
        %swap3A_2532 = vector.shape_cast %swap3A_2531 : vector<1x16xi32> to vector<16xi32>
        %swap3A_2533 = vector.shape_cast %add3A_2527 : vector<16xi32> to vector<1x16xi32>
        tpu.vector_store %arg8[%swap3A_2529, %swap3A_2530], %swap3A_2533 {strides = array<i32>} : memref<4x128xi32, #tpu.memory_space<vmem>>, vector<1x16xi32>,
        %mul3A_2534 = arith.constant 512 : i32
        %mul3A_2535 = arith.muli %add3A, %mul3A_2534 : i32
        %add3A_2536 = arith.constant 384 : i32
        %add3A_2537 = arith.addi %mul3A_2535, %add3A_2536 : i32
        %add3A_2538 = arith.constant 0 : i32
        %add3A_2539 = arith.addi %add3A_2537, %add3A_2538 : i32
        %get3A_2540 = arith.constant 3 : i32
        %get3A_2541 = arith.index_cast %get3A_2540 : i32 to index
        %get3A_2542 = arith.constant 0 : index
        %get3A_2543 = tpu.vector_load %arg8[%get3A_2541, %get3A_2542] {strides = array<i32>} : memref<4x128xi32, #tpu.memory_space<vmem>>, vector<1x16xi32>,
        %get3A_2544 = vector.shape_cast %get3A_2543 : vector<1x16xi32> to vector<16xi32>
        %add3A_2545 = vector.broadcast %add3A_2539 : i32 to vector<16xi32>
        %add3A_2546 = arith.addi %iota3A, %add3A_2545 : vector<16xi32>
        %and3A_2547 = arith.constant 2047 : i32
        %and3A_2548 = vector.broadcast %and3A_2547 : i32 to vector<16xi32>
        %and3A_2549 = arith.andi %add3A_2546, %and3A_2548 : vector<16xi32>
        %mul3A_2550 = arith.constant 3 : i32
        %mul3A_2551 = vector.broadcast %mul3A_2550 : i32 to vector<16xi32>
        %mul3A_2552 = arith.muli %and3A_2549, %mul3A_2551 : vector<16xi32>
        %add3A_2553 = arith.addi %get3A_2544, %mul3A_2552 : vector<16xi32>
        %swap3A_2554 = arith.constant 3 : i32
        %swap3A_2555 = arith.index_cast %swap3A_2554 : i32 to index
        %swap3A_2556 = arith.constant 0 : index
        %swap3A_2557 = tpu.vector_load %arg8[%swap3A_2555, %swap3A_2556] {strides = array<i32>} : memref<4x128xi32, #tpu.memory_space<vmem>>, vector<1x16xi32>,
        %swap3A_2558 = vector.shape_cast %swap3A_2557 : vector<1x16xi32> to vector<16xi32>
        %swap3A_2559 = vector.shape_cast %add3A_2553 : vector<16xi32> to vector<1x16xi32>
        tpu.vector_store %arg8[%swap3A_2555, %swap3A_2556], %swap3A_2559 {strides = array<i32>} : memref<4x128xi32, #tpu.memory_space<vmem>>, vector<1x16xi32>,
        %mul3A_2560 = arith.constant 512 : i32
        %mul3A_2561 = arith.muli %add3A, %mul3A_2560 : i32
        %add3A_2562 = arith.constant 384 : i32
        %add3A_2563 = arith.addi %mul3A_2561, %add3A_2562 : i32
        %add3A_2564 = arith.constant 16 : i32
        %add3A_2565 = arith.addi %add3A_2563, %add3A_2564 : i32
        %get3A_2566 = arith.constant 3 : i32
        %get3A_2567 = arith.index_cast %get3A_2566 : i32 to index
        %get3A_2568 = arith.constant 16 : index
        %get3A_2569 = tpu.vector_load %arg8[%get3A_2567, %get3A_2568] {strides = array<i32>} : memref<4x128xi32, #tpu.memory_space<vmem>>, vector<1x16xi32>,
        %get3A_2570 = vector.shape_cast %get3A_2569 : vector<1x16xi32> to vector<16xi32>
        %add3A_2571 = vector.broadcast %add3A_2565 : i32 to vector<16xi32>
        %add3A_2572 = arith.addi %iota3A, %add3A_2571 : vector<16xi32>
        %and3A_2573 = arith.constant 2047 : i32
        %and3A_2574 = vector.broadcast %and3A_2573 : i32 to vector<16xi32>
        %and3A_2575 = arith.andi %add3A_2572, %and3A_2574 : vector<16xi32>
        %mul3A_2576 = arith.constant 3 : i32
        %mul3A_2577 = vector.broadcast %mul3A_2576 : i32 to vector<16xi32>
        %mul3A_2578 = arith.muli %and3A_2575, %mul3A_2577 : vector<16xi32>
        %add3A_2579 = arith.addi %get3A_2570, %mul3A_2578 : vector<16xi32>
        %swap3A_2580 = arith.constant 3 : i32
        %swap3A_2581 = arith.index_cast %swap3A_2580 : i32 to index
        %swap3A_2582 = arith.constant 16 : index
        %swap3A_2583 = tpu.vector_load %arg8[%swap3A_2581, %swap3A_2582] {strides = array<i32>} : memref<4x128xi32, #tpu.memory_space<vmem>>, vector<1x16xi32>,
        %swap3A_2584 = vector.shape_cast %swap3A_2583 : vector<1x16xi32> to vector<16xi32>
        %swap3A_2585 = vector.shape_cast %add3A_2579 : vector<16xi32> to vector<1x16xi32>
        tpu.vector_store %arg8[%swap3A_2581, %swap3A_2582], %swap3A_2585 {strides = array<i32>} : memref<4x128xi32, #tpu.memory_space<vmem>>, vector<1x16xi32>,
        %mul3A_2586 = arith.constant 512 : i32
        %mul3A_2587 = arith.muli %add3A, %mul3A_2586 : i32
        %add3A_2588 = arith.constant 384 : i32
        %add3A_2589 = arith.addi %mul3A_2587, %add3A_2588 : i32
        %add3A_2590 = arith.constant 32 : i32
        %add3A_2591 = arith.addi %add3A_2589, %add3A_2590 : i32
        %get3A_2592 = arith.constant 3 : i32
        %get3A_2593 = arith.index_cast %get3A_2592 : i32 to index
        %get3A_2594 = arith.constant 32 : index
        %get3A_2595 = tpu.vector_load %arg8[%get3A_2593, %get3A_2594] {strides = array<i32>} : memref<4x128xi32, #tpu.memory_space<vmem>>, vector<1x16xi32>,
        %get3A_2596 = vector.shape_cast %get3A_2595 : vector<1x16xi32> to vector<16xi32>
        %add3A_2597 = vector.broadcast %add3A_2591 : i32 to vector<16xi32>
        %add3A_2598 = arith.addi %iota3A, %add3A_2597 : vector<16xi32>
        %and3A_2599 = arith.constant 2047 : i32
        %and3A_2600 = vector.broadcast %and3A_2599 : i32 to vector<16xi32>
        %and3A_2601 = arith.andi %add3A_2598, %and3A_2600 : vector<16xi32>
        %mul3A_2602 = arith.constant 3 : i32
        %mul3A_2603 = vector.broadcast %mul3A_2602 : i32 to vector<16xi32>
        %mul3A_2604 = arith.muli %and3A_2601, %mul3A_2603 : vector<16xi32>
        %add3A_2605 = arith.addi %get3A_2596, %mul3A_2604 : vector<16xi32>
        %swap3A_2606 = arith.constant 3 : i32
        %swap3A_2607 = arith.index_cast %swap3A_2606 : i32 to index
        %swap3A_2608 = arith.constant 32 : index
        %swap3A_2609 = tpu.vector_load %arg8[%swap3A_2607, %swap3A_2608] {strides = array<i32>} : memref<4x128xi32, #tpu.memory_space<vmem>>, vector<1x16xi32>,
        %swap3A_2610 = vector.shape_cast %swap3A_2609 : vector<1x16xi32> to vector<16xi32>
        %swap3A_2611 = vector.shape_cast %add3A_2605 : vector<16xi32> to vector<1x16xi32>
        tpu.vector_store %arg8[%swap3A_2607, %swap3A_2608], %swap3A_2611 {strides = array<i32>} : memref<4x128xi32, #tpu.memory_space<vmem>>, vector<1x16xi32>,
        %mul3A_2612 = arith.constant 512 : i32
        %mul3A_2613 = arith.muli %add3A, %mul3A_2612 : i32
        %add3A_2614 = arith.constant 384 : i32
        %add3A_2615 = arith.addi %mul3A_2613, %add3A_2614 : i32
        %add3A_2616 = arith.constant 48 : i32
        %add3A_2617 = arith.addi %add3A_2615, %add3A_2616 : i32
        %get3A_2618 = arith.constant 3 : i32
        %get3A_2619 = arith.index_cast %get3A_2618 : i32 to index
        %get3A_2620 = arith.constant 48 : index
        %get3A_2621 = tpu.vector_load %arg8[%get3A_2619, %get3A_2620] {strides = array<i32>} : memref<4x128xi32, #tpu.memory_space<vmem>>, vector<1x16xi32>,
        %get3A_2622 = vector.shape_cast %get3A_2621 : vector<1x16xi32> to vector<16xi32>
        %add3A_2623 = vector.broadcast %add3A_2617 : i32 to vector<16xi32>
        %add3A_2624 = arith.addi %iota3A, %add3A_2623 : vector<16xi32>
        %and3A_2625 = arith.constant 2047 : i32
        %and3A_2626 = vector.broadcast %and3A_2625 : i32 to vector<16xi32>
        %and3A_2627 = arith.andi %add3A_2624, %and3A_2626 : vector<16xi32>
        %mul3A_2628 = arith.constant 3 : i32
        %mul3A_2629 = vector.broadcast %mul3A_2628 : i32 to vector<16xi32>
        %mul3A_2630 = arith.muli %and3A_2627, %mul3A_2629 : vector<16xi32>
        %add3A_2631 = arith.addi %get3A_2622, %mul3A_2630 : vector<16xi32>
        %swap3A_2632 = arith.constant 3 : i32
        %swap3A_2633 = arith.index_cast %swap3A_2632 : i32 to index
        %swap3A_2634 = arith.constant 48 : index
        %swap3A_2635 = tpu.vector_load %arg8[%swap3A_2633, %swap3A_2634] {strides = array<i32>} : memref<4x128xi32, #tpu.memory_space<vmem>>, vector<1x16xi32>,
        %swap3A_2636 = vector.shape_cast %swap3A_2635 : vector<1x16xi32> to vector<16xi32>
        %swap3A_2637 = vector.shape_cast %add3A_2631 : vector<16xi32> to vector<1x16xi32>
        tpu.vector_store %arg8[%swap3A_2633, %swap3A_2634], %swap3A_2637 {strides = array<i32>} : memref<4x128xi32, #tpu.memory_space<vmem>>, vector<1x16xi32>,
        %mul3A_2638 = arith.constant 512 : i32
        %mul3A_2639 = arith.muli %add3A, %mul3A_2638 : i32
        %add3A_2640 = arith.constant 384 : i32
        %add3A_2641 = arith.addi %mul3A_2639, %add3A_2640 : i32
        %add3A_2642 = arith.constant 64 : i32
        %add3A_2643 = arith.addi %add3A_2641, %add3A_2642 : i32
        %get3A_2644 = arith.constant 3 : i32
        %get3A_2645 = arith.index_cast %get3A_2644 : i32 to index
        %get3A_2646 = arith.constant 64 : index
        %get3A_2647 = tpu.vector_load %arg8[%get3A_2645, %get3A_2646] {strides = array<i32>} : memref<4x128xi32, #tpu.memory_space<vmem>>, vector<1x16xi32>,
        %get3A_2648 = vector.shape_cast %get3A_2647 : vector<1x16xi32> to vector<16xi32>
        %add3A_2649 = vector.broadcast %add3A_2643 : i32 to vector<16xi32>
        %add3A_2650 = arith.addi %iota3A, %add3A_2649 : vector<16xi32>
        %and3A_2651 = arith.constant 2047 : i32
        %and3A_2652 = vector.broadcast %and3A_2651 : i32 to vector<16xi32>
        %and3A_2653 = arith.andi %add3A_2650, %and3A_2652 : vector<16xi32>
        %mul3A_2654 = arith.constant 3 : i32
        %mul3A_2655 = vector.broadcast %mul3A_2654 : i32 to vector<16xi32>
        %mul3A_2656 = arith.muli %and3A_2653, %mul3A_2655 : vector<16xi32>
        %add3A_2657 = arith.addi %get3A_2648, %mul3A_2656 : vector<16xi32>
        %swap3A_2658 = arith.constant 3 : i32
        %swap3A_2659 = arith.index_cast %swap3A_2658 : i32 to index
        %swap3A_2660 = arith.constant 64 : index
        %swap3A_2661 = tpu.vector_load %arg8[%swap3A_2659, %swap3A_2660] {strides = array<i32>} : memref<4x128xi32, #tpu.memory_space<vmem>>, vector<1x16xi32>,
        %swap3A_2662 = vector.shape_cast %swap3A_2661 : vector<1x16xi32> to vector<16xi32>
        %swap3A_2663 = vector.shape_cast %add3A_2657 : vector<16xi32> to vector<1x16xi32>
        tpu.vector_store %arg8[%swap3A_2659, %swap3A_2660], %swap3A_2663 {strides = array<i32>} : memref<4x128xi32, #tpu.memory_space<vmem>>, vector<1x16xi32>,
        %mul3A_2664 = arith.constant 512 : i32
        %mul3A_2665 = arith.muli %add3A, %mul3A_2664 : i32
        %add3A_2666 = arith.constant 384 : i32
        %add3A_2667 = arith.addi %mul3A_2665, %add3A_2666 : i32
        %add3A_2668 = arith.constant 80 : i32
        %add3A_2669 = arith.addi %add3A_2667, %add3A_2668 : i32
        %get3A_2670 = arith.constant 3 : i32
        %get3A_2671 = arith.index_cast %get3A_2670 : i32 to index
        %get3A_2672 = arith.constant 80 : index
        %get3A_2673 = tpu.vector_load %arg8[%get3A_2671, %get3A_2672] {strides = array<i32>} : memref<4x128xi32, #tpu.memory_space<vmem>>, vector<1x16xi32>,
        %get3A_2674 = vector.shape_cast %get3A_2673 : vector<1x16xi32> to vector<16xi32>
        %add3A_2675 = vector.broadcast %add3A_2669 : i32 to vector<16xi32>
        %add3A_2676 = arith.addi %iota3A, %add3A_2675 : vector<16xi32>
        %and3A_2677 = arith.constant 2047 : i32
        %and3A_2678 = vector.broadcast %and3A_2677 : i32 to vector<16xi32>
        %and3A_2679 = arith.andi %add3A_2676, %and3A_2678 : vector<16xi32>
        %mul3A_2680 = arith.constant 3 : i32
        %mul3A_2681 = vector.broadcast %mul3A_2680 : i32 to vector<16xi32>
        %mul3A_2682 = arith.muli %and3A_2679, %mul3A_2681 : vector<16xi32>
        %add3A_2683 = arith.addi %get3A_2674, %mul3A_2682 : vector<16xi32>
        %swap3A_2684 = arith.constant 3 : i32
        %swap3A_2685 = arith.index_cast %swap3A_2684 : i32 to index
        %swap3A_2686 = arith.constant 80 : index
        %swap3A_2687 = tpu.vector_load %arg8[%swap3A_2685, %swap3A_2686] {strides = array<i32>} : memref<4x128xi32, #tpu.memory_space<vmem>>, vector<1x16xi32>,
        %swap3A_2688 = vector.shape_cast %swap3A_2687 : vector<1x16xi32> to vector<16xi32>
        %swap3A_2689 = vector.shape_cast %add3A_2683 : vector<16xi32> to vector<1x16xi32>
        tpu.vector_store %arg8[%swap3A_2685, %swap3A_2686], %swap3A_2689 {strides = array<i32>} : memref<4x128xi32, #tpu.memory_space<vmem>>, vector<1x16xi32>,
        %mul3A_2690 = arith.constant 512 : i32
        %mul3A_2691 = arith.muli %add3A, %mul3A_2690 : i32
        %add3A_2692 = arith.constant 384 : i32
        %add3A_2693 = arith.addi %mul3A_2691, %add3A_2692 : i32
        %add3A_2694 = arith.constant 96 : i32
        %add3A_2695 = arith.addi %add3A_2693, %add3A_2694 : i32
        %get3A_2696 = arith.constant 3 : i32
        %get3A_2697 = arith.index_cast %get3A_2696 : i32 to index
        %get3A_2698 = arith.constant 96 : index
        %get3A_2699 = tpu.vector_load %arg8[%get3A_2697, %get3A_2698] {strides = array<i32>} : memref<4x128xi32, #tpu.memory_space<vmem>>, vector<1x16xi32>,
        %get3A_2700 = vector.shape_cast %get3A_2699 : vector<1x16xi32> to vector<16xi32>
        %add3A_2701 = vector.broadcast %add3A_2695 : i32 to vector<16xi32>
        %add3A_2702 = arith.addi %iota3A, %add3A_2701 : vector<16xi32>
        %and3A_2703 = arith.constant 2047 : i32
        %and3A_2704 = vector.broadcast %and3A_2703 : i32 to vector<16xi32>
        %and3A_2705 = arith.andi %add3A_2702, %and3A_2704 : vector<16xi32>
        %mul3A_2706 = arith.constant 3 : i32
        %mul3A_2707 = vector.broadcast %mul3A_2706 : i32 to vector<16xi32>
        %mul3A_2708 = arith.muli %and3A_2705, %mul3A_2707 : vector<16xi32>
        %add3A_2709 = arith.addi %get3A_2700, %mul3A_2708 : vector<16xi32>
        %swap3A_2710 = arith.constant 3 : i32
        %swap3A_2711 = arith.index_cast %swap3A_2710 : i32 to index
        %swap3A_2712 = arith.constant 96 : index
        %swap3A_2713 = tpu.vector_load %arg8[%swap3A_2711, %swap3A_2712] {strides = array<i32>} : memref<4x128xi32, #tpu.memory_space<vmem>>, vector<1x16xi32>,
        %swap3A_2714 = vector.shape_cast %swap3A_2713 : vector<1x16xi32> to vector<16xi32>
        %swap3A_2715 = vector.shape_cast %add3A_2709 : vector<16xi32> to vector<1x16xi32>
        tpu.vector_store %arg8[%swap3A_2711, %swap3A_2712], %swap3A_2715 {strides = array<i32>} : memref<4x128xi32, #tpu.memory_space<vmem>>, vector<1x16xi32>,
        %mul3A_2716 = arith.constant 512 : i32
        %mul3A_2717 = arith.muli %add3A, %mul3A_2716 : i32
        %add3A_2718 = arith.constant 384 : i32
        %add3A_2719 = arith.addi %mul3A_2717, %add3A_2718 : i32
        %add3A_2720 = arith.constant 112 : i32
        %add3A_2721 = arith.addi %add3A_2719, %add3A_2720 : i32
        %get3A_2722 = arith.constant 3 : i32
        %get3A_2723 = arith.index_cast %get3A_2722 : i32 to index
        %get3A_2724 = arith.constant 112 : index
        %get3A_2725 = tpu.vector_load %arg8[%get3A_2723, %get3A_2724] {strides = array<i32>} : memref<4x128xi32, #tpu.memory_space<vmem>>, vector<1x16xi32>,
        %get3A_2726 = vector.shape_cast %get3A_2725 : vector<1x16xi32> to vector<16xi32>
        %add3A_2727 = vector.broadcast %add3A_2721 : i32 to vector<16xi32>
        %add3A_2728 = arith.addi %iota3A, %add3A_2727 : vector<16xi32>
        %and3A_2729 = arith.constant 2047 : i32
        %and3A_2730 = vector.broadcast %and3A_2729 : i32 to vector<16xi32>
        %and3A_2731 = arith.andi %add3A_2728, %and3A_2730 : vector<16xi32>
        %mul3A_2732 = arith.constant 3 : i32
        %mul3A_2733 = vector.broadcast %mul3A_2732 : i32 to vector<16xi32>
        %mul3A_2734 = arith.muli %and3A_2731, %mul3A_2733 : vector<16xi32>
        %add3A_2735 = arith.addi %get3A_2726, %mul3A_2734 : vector<16xi32>
        %swap3A_2736 = arith.constant 3 : i32
        %swap3A_2737 = arith.index_cast %swap3A_2736 : i32 to index
        %swap3A_2738 = arith.constant 112 : index
        %swap3A_2739 = tpu.vector_load %arg8[%swap3A_2737, %swap3A_2738] {strides = array<i32>} : memref<4x128xi32, #tpu.memory_space<vmem>>, vector<1x16xi32>,
        %swap3A_2740 = vector.shape_cast %swap3A_2739 : vector<1x16xi32> to vector<16xi32>
        %swap3A_2741 = vector.shape_cast %add3A_2735 : vector<16xi32> to vector<1x16xi32>
        tpu.vector_store %arg8[%swap3A_2737, %swap3A_2738], %swap3A_2741 {strides = array<i32>} : memref<4x128xi32, #tpu.memory_space<vmem>>, vector<1x16xi32>,
        %dma_start3A_2742 = arith.constant 0 : i32
        %dma_start3A_2743 = arith.constant 0 : i32
        %dma_start3A_2744 = arith.constant 0 : i32
        %dma_start3A_2745 = tpu.memref_slice %arg9[%dma_start3A_2743, %dma_start3A_2744] : memref<512x64xf32, #tpu.memory_space<vmem>> -> memref<128x64xf32, #tpu.memory_space<vmem>>
        %dma_start3A_2746 = arith.constant 0 : i32
        %dma_start3A_2747 = tpu.memref_slice %arg8[%dma_start3A_2742, %dma_start3A_2746] : memref<4x128xi32, #tpu.memory_space<vmem>> -> memref<1x128xi32, #tpu.memory_space<vmem>>
        %dma_start3A_2748 = tpu.memref_squeeze %dma_start3A_2747 : memref<1x128xi32, #tpu.memory_space<vmem>> -> memref<128xi32, #tpu.memory_space<vmem>>
        %dma_start3A_2749 = arith.constant 0 : i32
        %dma_start3A_2750 = arith.constant 0 : i32
        %dma_start3A_2751 = tpu.memref_slice %arg5[%dma_start3A_2749, %dma_start3A_2750] : memref<6144x64xf32, #tpu.memory_space<hbm>> -> memref<6144x64xf32, #tpu.memory_space<hbm>>
        tpu.enqueue_indirect_dma source(%dma_start3A_2751 : memref<6144x64xf32, #tpu.memory_space<hbm>>) target(%dma_start3A_2745 : memref<128x64xf32, #tpu.memory_space<vmem>>) offsets(%dma_start3A_2748 : memref<128xi32, #tpu.memory_space<vmem>>) semaphore(%arg13 : memref<!tpu.dma_semaphore, #tpu.memory_space<semaphore_mem>>)
        %dma_start3A_2752 = arith.constant 1 : i32
        %dma_start3A_2753 = arith.constant 128 : i32
        %dma_start3A_2754 = arith.constant 0 : i32
        %dma_start3A_2755 = tpu.memref_slice %arg9[%dma_start3A_2753, %dma_start3A_2754] : memref<512x64xf32, #tpu.memory_space<vmem>> -> memref<128x64xf32, #tpu.memory_space<vmem>>
        %dma_start3A_2756 = arith.constant 0 : i32
        %dma_start3A_2757 = tpu.memref_slice %arg8[%dma_start3A_2752, %dma_start3A_2756] : memref<4x128xi32, #tpu.memory_space<vmem>> -> memref<1x128xi32, #tpu.memory_space<vmem>>
        %dma_start3A_2758 = tpu.memref_squeeze %dma_start3A_2757 : memref<1x128xi32, #tpu.memory_space<vmem>> -> memref<128xi32, #tpu.memory_space<vmem>>
        %dma_start3A_2759 = arith.constant 0 : i32
        %dma_start3A_2760 = arith.constant 0 : i32
        %dma_start3A_2761 = tpu.memref_slice %arg5[%dma_start3A_2759, %dma_start3A_2760] : memref<6144x64xf32, #tpu.memory_space<hbm>> -> memref<6144x64xf32, #tpu.memory_space<hbm>>
        tpu.enqueue_indirect_dma source(%dma_start3A_2761 : memref<6144x64xf32, #tpu.memory_space<hbm>>) target(%dma_start3A_2755 : memref<128x64xf32, #tpu.memory_space<vmem>>) offsets(%dma_start3A_2758 : memref<128xi32, #tpu.memory_space<vmem>>) semaphore(%arg13 : memref<!tpu.dma_semaphore, #tpu.memory_space<semaphore_mem>>)
        %dma_start3A_2762 = arith.constant 2 : i32
        %dma_start3A_2763 = arith.constant 256 : i32
        %dma_start3A_2764 = arith.constant 0 : i32
        %dma_start3A_2765 = tpu.memref_slice %arg9[%dma_start3A_2763, %dma_start3A_2764] : memref<512x64xf32, #tpu.memory_space<vmem>> -> memref<128x64xf32, #tpu.memory_space<vmem>>
        %dma_start3A_2766 = arith.constant 0 : i32
        %dma_start3A_2767 = tpu.memref_slice %arg8[%dma_start3A_2762, %dma_start3A_2766] : memref<4x128xi32, #tpu.memory_space<vmem>> -> memref<1x128xi32, #tpu.memory_space<vmem>>
        %dma_start3A_2768 = tpu.memref_squeeze %dma_start3A_2767 : memref<1x128xi32, #tpu.memory_space<vmem>> -> memref<128xi32, #tpu.memory_space<vmem>>
        %dma_start3A_2769 = arith.constant 0 : i32
        %dma_start3A_2770 = arith.constant 0 : i32
        %dma_start3A_2771 = tpu.memref_slice %arg5[%dma_start3A_2769, %dma_start3A_2770] : memref<6144x64xf32, #tpu.memory_space<hbm>> -> memref<6144x64xf32, #tpu.memory_space<hbm>>
        tpu.enqueue_indirect_dma source(%dma_start3A_2771 : memref<6144x64xf32, #tpu.memory_space<hbm>>) target(%dma_start3A_2765 : memref<128x64xf32, #tpu.memory_space<vmem>>) offsets(%dma_start3A_2768 : memref<128xi32, #tpu.memory_space<vmem>>) semaphore(%arg13 : memref<!tpu.dma_semaphore, #tpu.memory_space<semaphore_mem>>)
        %dma_start3A_2772 = arith.constant 3 : i32
        %dma_start3A_2773 = arith.constant 384 : i32
        %dma_start3A_2774 = arith.constant 0 : i32
        %dma_start3A_2775 = tpu.memref_slice %arg9[%dma_start3A_2773, %dma_start3A_2774] : memref<512x64xf32, #tpu.memory_space<vmem>> -> memref<128x64xf32, #tpu.memory_space<vmem>>
        %dma_start3A_2776 = arith.constant 0 : i32
        %dma_start3A_2777 = tpu.memref_slice %arg8[%dma_start3A_2772, %dma_start3A_2776] : memref<4x128xi32, #tpu.memory_space<vmem>> -> memref<1x128xi32, #tpu.memory_space<vmem>>
        %dma_start3A_2778 = tpu.memref_squeeze %dma_start3A_2777 : memref<1x128xi32, #tpu.memory_space<vmem>> -> memref<128xi32, #tpu.memory_space<vmem>>
        %dma_start3A_2779 = arith.constant 0 : i32
        %dma_start3A_2780 = arith.constant 0 : i32
        %dma_start3A_2781 = tpu.memref_slice %arg5[%dma_start3A_2779, %dma_start3A_2780] : memref<6144x64xf32, #tpu.memory_space<hbm>> -> memref<6144x64xf32, #tpu.memory_space<hbm>>
        tpu.enqueue_indirect_dma source(%dma_start3A_2781 : memref<6144x64xf32, #tpu.memory_space<hbm>>) target(%dma_start3A_2775 : memref<128x64xf32, #tpu.memory_space<vmem>>) offsets(%dma_start3A_2778 : memref<128xi32, #tpu.memory_space<vmem>>) semaphore(%arg13 : memref<!tpu.dma_semaphore, #tpu.memory_space<semaphore_mem>>)
      } else {
      }
      %dma_wait3A_1886 = arith.constant 0 : i32
      %dma_wait3A_1887 = arith.constant 0 : i32
      %dma_wait3A_1888 = tpu.memref_slice %arg6[%dma_wait3A_1886, %dma_wait3A_1887] : memref<819200x64xf32, #tpu.memory_space<hbm>> -> memref<512x64xf32, #tpu.memory_space<hbm>>
      %dma_wait3A_1889 = arith.constant 0 : i32
      %dma_wait3A_1890 = arith.constant 0 : i32
      %dma_wait3A_1891 = tpu.memref_slice %arg6[%dma_wait3A_1889, %dma_wait3A_1890] : memref<819200x64xf32, #tpu.memory_space<hbm>> -> memref<512x64xf32, #tpu.memory_space<hbm>>
      tpu.wait_dma2 semaphore(%arg14 : memref<!tpu.dma_semaphore, #tpu.memory_space<semaphore_mem>>) src(%dma_wait3A_1891 : memref<512x64xf32, #tpu.memory_space<hbm>>) dst(%arg12 : memref<512x64xf32, #tpu.memory_space<vmem>>)
      %mul3A_1892 = arith.constant 4 : i32
      %mul3A_1893 = arith.muli %add3A_935, %mul3A_1892 : i32
      %add3A_1894 = arith.addi %mul3A_2, %mul3A_1893 : i32
      %mul3A_1895 = arith.constant 128 : i32
      %mul3A_1896 = arith.muli %add3A_1894, %mul3A_1895 : i32
      %dma_start3A_1897 = arith.constant 0 : i32
      %dma_start3A_1898 = tpu.memref_slice %arg6[%mul3A_1896, %dma_start3A_1897] : memref<819200x64xf32, #tpu.memory_space<hbm>> -> memref<512x64xf32, #tpu.memory_space<hbm>>
      %dma_start3A_1899 = arith.constant 0 : i32
      %dma_start3A_1900 = tpu.memref_slice %arg6[%mul3A_1896, %dma_start3A_1899] : memref<819200x64xf32, #tpu.memory_space<hbm>> -> memref<512x64xf32, #tpu.memory_space<hbm>>
      tpu.enqueue_dma source(%arg12 : memref<512x64xf32, #tpu.memory_space<vmem>>) target(%dma_start3A_1900 : memref<512x64xf32, #tpu.memory_space<hbm>>) target_semaphore(%arg16 : memref<!tpu.dma_semaphore, #tpu.memory_space<semaphore_mem>>)
      %lt3A_1901 = arith.constant 50 : i32
      %lt3A_1902 = arith.cmpi slt, %add3A_937, %lt3A_1901 : i32
      %convert_element_type3A_1903 = arith.extui %lt3A_1902 : i1 to i32
      %cond3A_1904 = arith.constant 0 : i32
      %cond3A_1905 = arith.cmpi ne, %convert_element_type3A_1903, %cond3A_1904 : i32
      scf.if %cond3A_1905 {
        %dma_wait3A_1907 = arith.constant 0 : i32
        %dma_wait3A_1908 = arith.constant 0 : i32
        %dma_wait3A_1909 = tpu.memref_slice %arg6[%dma_wait3A_1907, %dma_wait3A_1908] : memref<819200x64xf32, #tpu.memory_space<hbm>> -> memref<512x64xf32, #tpu.memory_space<hbm>>
        %dma_wait3A_1910 = arith.constant 0 : i32
        %dma_wait3A_1911 = arith.constant 0 : i32
        %dma_wait3A_1912 = tpu.memref_slice %arg6[%dma_wait3A_1910, %dma_wait3A_1911] : memref<819200x64xf32, #tpu.memory_space<hbm>> -> memref<512x64xf32, #tpu.memory_space<hbm>>
        tpu.wait_dma2 semaphore(%arg13 : memref<!tpu.dma_semaphore, #tpu.memory_space<semaphore_mem>>) src(%dma_wait3A_1912 : memref<512x64xf32, #tpu.memory_space<hbm>>) dst(%arg9 : memref<512x64xf32, #tpu.memory_space<vmem>>)
        %dma_start3A_1913 = arith.constant 0 : i32
        %dma_start3A_1914 = arith.constant 0 : i32
        %dma_start3A_1915 = arith.constant 0 : i32
        %dma_start3A_1916 = tpu.memref_slice %arg9[%dma_start3A_1914, %dma_start3A_1915] : memref<512x64xf32, #tpu.memory_space<vmem>> -> memref<128x64xf32, #tpu.memory_space<vmem>>
        %dma_start3A_1917 = arith.constant 0 : i32
        %dma_start3A_1918 = tpu.memref_slice %arg7[%dma_start3A_1913, %dma_start3A_1917] : memref<4x128xi32, #tpu.memory_space<vmem>> -> memref<1x128xi32, #tpu.memory_space<vmem>>
        %dma_start3A_1919 = tpu.memref_squeeze %dma_start3A_1918 : memref<1x128xi32, #tpu.memory_space<vmem>> -> memref<128xi32, #tpu.memory_space<vmem>>
        %dma_start3A_1920 = arith.constant 0 : i32
        %dma_start3A_1921 = arith.constant 0 : i32
        %dma_start3A_1922 = tpu.memref_slice %arg4[%dma_start3A_1920, %dma_start3A_1921] : memref<1000000x64xf32, #tpu.memory_space<hbm>> -> memref<1000000x64xf32, #tpu.memory_space<hbm>>
        tpu.enqueue_indirect_dma source(%dma_start3A_1922 : memref<1000000x64xf32, #tpu.memory_space<hbm>>) target(%dma_start3A_1916 : memref<128x64xf32, #tpu.memory_space<vmem>>) offsets(%dma_start3A_1919 : memref<128xi32, #tpu.memory_space<vmem>>) semaphore(%arg13 : memref<!tpu.dma_semaphore, #tpu.memory_space<semaphore_mem>>) {add = true}
        %dma_start3A_1923 = arith.constant 1 : i32
        %dma_start3A_1924 = arith.constant 128 : i32
        %dma_start3A_1925 = arith.constant 0 : i32
        %dma_start3A_1926 = tpu.memref_slice %arg9[%dma_start3A_1924, %dma_start3A_1925] : memref<512x64xf32, #tpu.memory_space<vmem>> -> memref<128x64xf32, #tpu.memory_space<vmem>>
        %dma_start3A_1927 = arith.constant 0 : i32
        %dma_start3A_1928 = tpu.memref_slice %arg7[%dma_start3A_1923, %dma_start3A_1927] : memref<4x128xi32, #tpu.memory_space<vmem>> -> memref<1x128xi32, #tpu.memory_space<vmem>>
        %dma_start3A_1929 = tpu.memref_squeeze %dma_start3A_1928 : memref<1x128xi32, #tpu.memory_space<vmem>> -> memref<128xi32, #tpu.memory_space<vmem>>
        %dma_start3A_1930 = arith.constant 0 : i32
        %dma_start3A_1931 = arith.constant 0 : i32
        %dma_start3A_1932 = tpu.memref_slice %arg4[%dma_start3A_1930, %dma_start3A_1931] : memref<1000000x64xf32, #tpu.memory_space<hbm>> -> memref<1000000x64xf32, #tpu.memory_space<hbm>>
        tpu.enqueue_indirect_dma source(%dma_start3A_1932 : memref<1000000x64xf32, #tpu.memory_space<hbm>>) target(%dma_start3A_1926 : memref<128x64xf32, #tpu.memory_space<vmem>>) offsets(%dma_start3A_1929 : memref<128xi32, #tpu.memory_space<vmem>>) semaphore(%arg13 : memref<!tpu.dma_semaphore, #tpu.memory_space<semaphore_mem>>) {add = true}
        %dma_start3A_1933 = arith.constant 2 : i32
        %dma_start3A_1934 = arith.constant 256 : i32
        %dma_start3A_1935 = arith.constant 0 : i32
        %dma_start3A_1936 = tpu.memref_slice %arg9[%dma_start3A_1934, %dma_start3A_1935] : memref<512x64xf32, #tpu.memory_space<vmem>> -> memref<128x64xf32, #tpu.memory_space<vmem>>
        %dma_start3A_1937 = arith.constant 0 : i32
        %dma_start3A_1938 = tpu.memref_slice %arg7[%dma_start3A_1933, %dma_start3A_1937] : memref<4x128xi32, #tpu.memory_space<vmem>> -> memref<1x128xi32, #tpu.memory_space<vmem>>
        %dma_start3A_1939 = tpu.memref_squeeze %dma_start3A_1938 : memref<1x128xi32, #tpu.memory_space<vmem>> -> memref<128xi32, #tpu.memory_space<vmem>>
        %dma_start3A_1940 = arith.constant 0 : i32
        %dma_start3A_1941 = arith.constant 0 : i32
        %dma_start3A_1942 = tpu.memref_slice %arg4[%dma_start3A_1940, %dma_start3A_1941] : memref<1000000x64xf32, #tpu.memory_space<hbm>> -> memref<1000000x64xf32, #tpu.memory_space<hbm>>
        tpu.enqueue_indirect_dma source(%dma_start3A_1942 : memref<1000000x64xf32, #tpu.memory_space<hbm>>) target(%dma_start3A_1936 : memref<128x64xf32, #tpu.memory_space<vmem>>) offsets(%dma_start3A_1939 : memref<128xi32, #tpu.memory_space<vmem>>) semaphore(%arg13 : memref<!tpu.dma_semaphore, #tpu.memory_space<semaphore_mem>>) {add = true}
        %dma_start3A_1943 = arith.constant 3 : i32
        %dma_start3A_1944 = arith.constant 384 : i32
        %dma_start3A_1945 = arith.constant 0 : i32
        %dma_start3A_1946 = tpu.memref_slice %arg9[%dma_start3A_1944, %dma_start3A_1945] : memref<512x64xf32, #tpu.memory_space<vmem>> -> memref<128x64xf32, #tpu.memory_space<vmem>>
        %dma_start3A_1947 = arith.constant 0 : i32
        %dma_start3A_1948 = tpu.memref_slice %arg7[%dma_start3A_1943, %dma_start3A_1947] : memref<4x128xi32, #tpu.memory_space<vmem>> -> memref<1x128xi32, #tpu.memory_space<vmem>>
        %dma_start3A_1949 = tpu.memref_squeeze %dma_start3A_1948 : memref<1x128xi32, #tpu.memory_space<vmem>> -> memref<128xi32, #tpu.memory_space<vmem>>
        %dma_start3A_1950 = arith.constant 0 : i32
        %dma_start3A_1951 = arith.constant 0 : i32
        %dma_start3A_1952 = tpu.memref_slice %arg4[%dma_start3A_1950, %dma_start3A_1951] : memref<1000000x64xf32, #tpu.memory_space<hbm>> -> memref<1000000x64xf32, #tpu.memory_space<hbm>>
        tpu.enqueue_indirect_dma source(%dma_start3A_1952 : memref<1000000x64xf32, #tpu.memory_space<hbm>>) target(%dma_start3A_1946 : memref<128x64xf32, #tpu.memory_space<vmem>>) offsets(%dma_start3A_1949 : memref<128xi32, #tpu.memory_space<vmem>>) semaphore(%arg13 : memref<!tpu.dma_semaphore, #tpu.memory_space<semaphore_mem>>) {add = true}
      } else {
      }
      %scan3A_1906 = arith.constant 0 : i32
      scf.yield %scan3A_1906 : i32
    }
    %scan3A_923 = arith.constant 25 : i32
    %dma_wait3A_924 = arith.constant 0 : i32
    %dma_wait3A_925 = arith.constant 0 : i32
    %dma_wait3A_926 = tpu.memref_slice %arg6[%dma_wait3A_924, %dma_wait3A_925] : memref<819200x64xf32, #tpu.memory_space<hbm>> -> memref<512x64xf32, #tpu.memory_space<hbm>>
    %dma_wait3A_927 = arith.constant 0 : i32
    %dma_wait3A_928 = arith.constant 0 : i32
    %dma_wait3A_929 = tpu.memref_slice %arg6[%dma_wait3A_927, %dma_wait3A_928] : memref<819200x64xf32, #tpu.memory_space<hbm>> -> memref<512x64xf32, #tpu.memory_space<hbm>>
    tpu.wait_dma2 semaphore(%arg16 : memref<!tpu.dma_semaphore, #tpu.memory_space<semaphore_mem>>) src(%arg12 : memref<512x64xf32, #tpu.memory_space<vmem>>) dst(%dma_wait3A_929 : memref<512x64xf32, #tpu.memory_space<hbm>>)
    return
  }
}

</mosaic_0001>

<sc_bundles>
// kernel: _run.3.cloned.1.call-start
scs
__scs_entry_jumppad:
0x0: {  	(pc) =	sbr.rel $0x88, $3  }
0x1: {  	(tag) =	ssettag $0x0;
	lr =	simm.s32 $0x1  }
0x2: {  	[smem:$0x3F9D] =	sst lr;
	_ =	strace $0xD0000000  }
0x3: {  	_ = 	snop  }
0x4: {  	_ = 	snop  }
0x5: {  	_ = 	snop  }
0x6: {  	_ = 	snop  }
0x7: {  	_ = 	snop  }
__scs_overlays_trampoline_lowered:
0x8: {  	[smem:$0x3FAC] =	sst s0  }
0x9: {  	[smem:$0x3FAD] =	sst s1  }
0xa: {  	[smem:$0x3FAE] =	sst s2  }
0xb: {  	[smem:$0x3FAF] =	sst s3  }
0xc: {  	[smem:$0x3FB0] =	sst s4  }
0xd: {  	[smem:$0x3FB1] =	sst s5  }
0xe: {  	[smem:$0x3FB2] =	sst s6  }
0xf: {  	[smem:$0x3FB3] =	sst s7  }
0x10: {  	[smem:$0x3FB4] =	sst s8  }
0x11: {  	[smem:$0x3FB5] =	sst s9;
	s0 =	simm.s32 @!p0 $0x0  }
0x12: {  	s1 =	sld [smem:$0x3F9B];
	s0 =	simm.s32 @p0 $0x1  }
0x13: {  	[smem:$0x3FB6] =	sst s0;
	s0 =	simm.s32 @!p1 $0x0  }
0x14: {  	s2 =	sld [smem:$0x3F9A];
	s0 =	simm.s32 @p1 $0x1  }
0x15: {  	[smem:$0x3FB7] =	sst s0;
	s0 =	simm.s32 @!p2 $0x0  }
0x16: {  	s3 =	sld [smem:$0x3FDB];
	s0 =	simm.s32 @p2 $0x1  }
0x17: {  	s4 =	simm.s32 $0x1BF5;
	[smem:$0x3FB9] =	sst s0  }
0x18: {  	s0 =	sld [smem:$0x3F9C];
	_ =	swait.ge [sflag:s4], $0x0  }
0x19: {  	s7 =	sld [smem:$0x3F9D]  }
0x1a: {  	s8 =	sadd.s32 $0xFFFFE003, lr  }
0x1b: {  	s9 =	sadd.s32 $0xFFFFFEF7, lr;
	s5 =	simm.s32 $0xFFFFFFFF;
	p2 =	slt.u32 s8, $0xFFFFF086  }
0x1c: {  	p1 =	slt.u32 s9, $0xF7A;
	s5 =	simm.s32 @!p2 $0x0  }
0x1d: {  	s5 =	simm.s32 @p1 $0x1;
	p0 =	seq.s32 s7, s2  }
0x1e: {  	s7 =	smul.u32 @!p0 $0xF7A, s2;
	p2 =	seq.s32 @!p0 s5, $0x0  }
0x1f: {  	s9 =	smul.u32 $0xF7A, s1;
	s8 =	simm.s32 @!p0 $0x1BF5;
	p2 =	por !p2, p0  }
0x20: {  	[sflag:s8] =	ssyncset.s32 @!p0 $0xFFFFF086;
	s6 =	sadd.s32 @!p0 s3, s7;
	s7 =	simm.s32 @!p0 $0x108  }
0x21: {  	s3 =	sadd.s32 s3, s9;
	s6 =	sadd.s32 @!p0 $0x88, s6;
	s7 =	simm.s32 @p2 $0x1082  }
0x22: {  	[simem:s7], [sflag:s8] =	dma.local @!p0 [hbm:s6], $0xF7A  }
0x23: {  	s9 =	sor.u32 $0xD0000000, s2;
	s6 =	simm.s32 $0x108;
	_ =	swait.ge @!p0 [sflag:s8], $0x0  }
0x24: {  	s3 =	sadd.s32 $0x88, s3;
	s6 =	simm.s32 @!p1 $0x1082;
	[sflag:s4] =	ssyncset.s32 $0xFFFFF086  }
0x25: {  	[simem:s6], [sflag:s4] =	dma.local [hbm:s3], $0xF7A  }
0x26: {  	[smem:$0x3F9D] =	sst s1;
	(tag) =	ssettag s2;
	_ =	strace s9  }
0x27: {  	s1 =	sld [smem:$0x3FAD]  }
0x28: {  	s2 =	sld [smem:$0x3FAE]  }
0x29: {  	s4 =	sld [smem:$0x3FB0]  }
0x2a: {  	p0 =	seq.s32 s5, $0x0;
	s5 =	sld [smem:$0x3FB1]  }
0x2b: {  	s6 =	sld [smem:$0x3FB2]  }
0x2c: {  	s7 =	sld [smem:$0x3FB3]  }
0x2d: {  	s3 =	simm.s32 $0x108;
	s8 =	sld [smem:$0x3FB4]  }
0x2e: {  	s3 =	simm.s32 @!p0 $0x1082;
	s9 =	sld [smem:$0x3FB5]  }
0x2f: {  	lr =	sadd.s32 s0, s3;
	s0 =	sld [smem:$0x3FAC]  }
0x30: {  	s3 =	sld [smem:$0x3FAF]  }
0x31: {  	[smem:$0x3FB8] =	sst s10  }
0x32: {  	s10 =	sld [smem:$0x3FB6];
	_ =	sdelay $0x3  }
0x33: {  	p0 =	seq.s32 s10, $0x1;
	s10 =	sld [smem:$0x3FB8];
	_ =	sdelay $0x3  }
0x34: {  	[smem:$0x3FB8] =	sst s10  }
0x35: {  	s10 =	sld [smem:$0x3FB7];
	_ =	sdelay $0x3  }
0x36: {  	p1 =	seq.s32 s10, $0x1;
	s10 =	sld [smem:$0x3FB8];
	_ =	sdelay $0x3  }
0x37: {  	[smem:$0x3FB8] =	sst s10  }
0x38: {  	s10 =	sld [smem:$0x3FB9]  }
0x39: {  	_ = 	snop;
	(pc) =	sbr.ind lr, $3  }
0x3a: {  	_ = 	snop  }
0x3b: {  	_ = 	snop  }
0x3c: {  	p2 =	seq.s32 s10, $0x1;
	s10 =	sld [smem:$0x3FB8]  }
0x3d: {  	_ =	shalt  }
0x3e: {  	_ =	shalt  }
0x3f: {  	_ =	shalt  }
0x40: {  	_ =	shalt  }
0x41: {  	_ =	shalt  }
0x42: {  	_ =	shalt  }
0x43: {  	_ =	shalt  }
0x44: {  	_ =	shalt  }
0x45: {  	_ =	shalt  }
0x46: {  	_ =	shalt  }
0x47: {  	_ =	shalt  }
0x48: {  	_ =	shalt  }
0x49: {  	_ =	shalt  }
0x4a: {  	_ =	shalt  }
0x4b: {  	_ =	shalt  }
0x4c: {  	_ =	shalt  }
0x4d: {  	_ =	shalt  }
0x4e: {  	_ =	shalt  }
0x4f: {  	_ =	shalt  }
0x50: {  	_ =	shalt  }
0x51: {  	_ =	shalt  }
0x52: {  	_ =	shalt  }
0x53: {  	_ =	shalt  }
0x54: {  	_ =	shalt  }
0x55: {  	_ =	shalt  }
0x56: {  	_ =	shalt  }
0x57: {  	_ =	shalt  }
0x58: {  	_ =	shalt  }
0x59: {  	_ =	shalt  }
0x5a: {  	_ =	shalt  }
0x5b: {  	_ =	shalt  }
0x5c: {  	_ =	shalt  }
0x5d: {  	_ =	shalt  }
0x5e: {  	_ =	shalt  }
0x5f: {  	_ =	shalt  }
0x60: {  	_ =	shalt  }
0x61: {  	_ =	shalt  }
0x62: {  	_ =	shalt  }
0x63: {  	_ =	shalt  }
0x64: {  	_ =	shalt  }
0x65: {  	_ =	shalt  }
0x66: {  	_ =	shalt  }
0x67: {  	_ =	shalt  }
0x68: {  	_ =	shalt  }
0x69: {  	_ =	shalt  }
0x6a: {  	_ =	shalt  }
0x6b: {  	_ =	shalt  }
0x6c: {  	_ =	shalt  }
0x6d: {  	_ =	shalt  }
0x6e: {  	_ =	shalt  }
0x6f: {  	_ =	shalt  }
0x70: {  	_ =	shalt  }
0x71: {  	_ =	shalt  }
0x72: {  	_ =	shalt  }
0x73: {  	_ =	shalt  }
0x74: {  	_ =	shalt  }
0x75: {  	_ =	shalt  }
0x76: {  	_ =	shalt  }
0x77: {  	_ =	shalt  }
0x78: {  	_ =	shalt  }
0x79: {  	_ =	shalt  }
0x7a: {  	_ =	shalt  }
0x7b: {  	_ =	shalt  }
0x7c: {  	_ =	shalt  }
0x7d: {  	_ =	shalt  }
0x7e: {  	_ =	shalt  }
0x7f: {  	_ =	shalt  }
0x80: {  	_ =	shalt  }
0x81: {  	_ =	shalt  }
0x82: {  	_ =	shalt  }
0x83: {  	_ =	shalt  }
0x84: {  	_ =	shalt  }
0x85: {  	_ =	shalt  }
0x86: {  	_ =	shalt  }
0x87: {  	_ =	shalt  }
.Lfunc_end0:
.L_simem_size_0:
called_computation.1_lowered:
.L_overlay_start_0:
0x88: {  	s2 =	sld [smem:$0x3FD9]  }
0x89: {  	s3 =	sld [smem:$0x3FFE];
	_ =	sdelay $0x1  }
0x8a: {  	s1 =	srdreg.scid  }
0x8b: {  	s0 =	sand.u32 $0x1, s1  }
0x8c: {  	s17 =	sshll.u32 s0, $0xA;
	s2 =	sadd.s32 s3, s2  }
0x8d: {  	s2 =	sadd.s32 s2, s17  }
0x8e: {  	[smem:$0x3FC4] =	sst s2  }
0x8f: {  	_ = 	snop  }
0x90: {  	s2 =	sld [smem:$0x3FC9]  }
0x91: {  	s18 =	sld [smem:$0x3FC8]  }
0x92: {  	s4 =	sld [smem:$0x3FD0];
	(tm) =	ssettm $0x1  }
0x93: {  	s5 =	sld [smem:$0x3FFB];
	_ =	sdelay $0x3  }
0x94: {  	_ =	strace s5  }
0x95: {  	s5 =	sld [smem:$0x3FFC];
	_ =	sdelay $0x3  }
0x96: {  	_ =	strace s5  }
0x97: {  	s5 =	sld [smem:$0x3FFD];
	_ =	sdelay $0x3  }
0x98: {  	_ =	strace s5  }
0x99: {  	_ =	strace $0x8FFFFFFF  }
0x9a: {  	s19 =	sld [smem:$0x3FDB];
	_ =	sdelay $0x1  }
0x9b: {  	s6 =	simm.s32 $_scs_section_size  }
0x9c: {  	s7 =	simm.s32 $_size__tile_overlayer_lowered;
	s8 =	simm.s32 $_tile_overlayer_lowered  }
0x9d: {  	s22 =	simm.s32 $0x1BFF;
	s21 =	sshll.u32 s8, $0x1;
	s5 =	sadd.s32 s6, s19  }
0x9e: {  	s9 =	simm.s32 $0x0;
	s20 =	sshll.u32 s7, $0x1;
	s7 =	sadd.s32 s21, s5  }
0x9f: {  	[timem:s9], [sflag:s22] =	dma.local [hbm:s7], s20  }
0xa0: {  	_ =	swait.ge [sflag:s22], s20  }
0xa1: {  	s6 =	ssub.s32 $0x0, s20;
	[sflag:s22] =	ssyncset.done $0x0  }
0xa2: {  	[sflag:s22] =	ssyncadd.s32 s6;
	_ =	sdelay $0x1  }
0xa3: {  	s23 =	simm.s32 $0x1B8B  }
0xa4: {  	_ =	swait.ge [sflag:s23], $0x1  }
0xa5: {  	[sflag:s23] =	ssyncset.done $0x0  }
0xa6: {  	s25 =	simm.s32 $0x1B8E;
	s24 =	sld [smem:$0x3FFE];
	[sflag:s23] =	ssyncadd.s32 $0xFFFFFFFF  }
0xa7: {  	s26 =	simm.s32 $execute0_lowered;
	[smem:$0x3FD2] =	sst s25  }
0xa8: {  	s7 =	sshll.u32 s26, $0x1;
	_ =	strace $0x80000046;
	[dreg:$0x1] =	wrdreg $0xFFFFFFFF  }
0xa9: {  	s28 =	simm.s32 $_size_execute0_lowered;
	s5 =	sadd.s32 s5, s7;
	[dreg:$0x0] =	wrdreg $0x0  }
0xaa: {  	s7 =	sshll.u32 s28, $0x1;
	[dreg:$0x2] =	wrdreg s5  }
0xab: {  	[dreg:$0x3] =	wrdreg s7  }
0xac: {  	[dreg:$0x4] =	wrdreg $0xC0  }
0xad: {  	_ =	task [dreg:s9], $0x5FFFF  }
0xae: {  	[dreg:$0x1] =	wrdreg $0xFFFFFFFF  }
0xaf: {  	[dreg:$0x0] =	wrdreg $0x60  }
0xb0: {  	[dreg:$0x2] =	wrdreg s2  }
0xb1: {  	[dreg:$0x3] =	wrdreg s18  }
0xb2: {  	[dreg:$0x4] =	wrdreg s24  }
0xb3: {  	[dreg:$0x5] =	wrdreg s4  }
0xb4: {  	[dreg:$0x6] =	wrdreg $0x9  }
0xb5: {  	_ =	task.clear_ibuf [dreg:s9], $0x7FFFF;
	_ =	strace $0x90000046  }
0xb6: {  	s29 =	simm.s32 $0x9;
	_ =	strace $0x80000048  }
0xb7: {  	_ =	swait.ge [sflag:s29], $0x1  }
0xb8: {  	[sflag:s29] =	ssyncadd.s32 $0xFFFFFFFF  }
0xb9: {  	_ =	strace $0x90000048  }
0xba: {  	_ =	sfence  }
0xbb: {  	s30 =	sld [smem:$0x0];
	_ =	sdelay $0x2  }
0xbc: {  	s31 =	sshll.u32 s1, $0xD;
	s1 =	sshrl.u32 s1, $0x2  }
0xbd: {  	s3 =	sand.u32 $0x4000, s31;
	s1 =	sadd.s32 s1, s30  }
0xbe: {  	s0 =	sor.u32 s3, s0;
	s1 =	sshll.u32 s1, $0x11  }
0xbf: {  	s0 =	sor.u32 s1, s0  }
0xc0: {  	s0 =	sadd.s32 $0x8F2B, s0  }
0xc1: {  	[sflag:s0] =	ssyncadd.remote.s32 $0x1  }
0xc2: {  	_ =	sfence.sel $0xFFFF  }
0xc3: {  	[dreg:$0x0] =	wrdreg $0xFFFFFFFF;
	(pc) =	sbr.abs _section_cstart, $3  }
0xc4: {  	[dreg:$0x1] =	wrdreg $0xFFFFFFFF  }
0xc5: {  	_ =	task.clear_ibuf [dreg:s9], $0x2FFFF;
	_ =	strace $0x9FFFFFFF  }
0xc6: {  	(tm) =	ssettm $0x7FFFFFFF  }
0xc7: {  	_ =	shalt  }
tec
execute0_lowered:
.L_overlay_start_1:
0x0: {  	(tag) =	ssettag $0x1  }
0x1: {  	s0 =	srdreg.scid;
	s21 =	stileid.u32  }
0x2: {  	s1 =	sand.u32 $0x1, s0;
	s25 =	sshll.u32 s21, $0x1  }
0x3: {  	s7 =	sor.u32 s1, s25  }
0x4: {  	v23 =	vlaneseq.u32;
	s2 =	sshll.u32 s7, $0x9  }
0x5: {  	s26 =	sor.u32 $0x10, s2;
	v0 =	vor.u32 s2, v23  }
0x6: {  	s5 =	sor.u32 $0x20, s2;
	s6 =	sor.u32 $0x30, s2;
	s8 =	sor.u32 $0x40, s2;
	v1 =	vor.u32 s26, v23;
	v0 =	vand.u32 $0x60F, v0  }
0x7: {  	s12 =	sor.u32 $0x50, s2;
	s9 =	sor.u32 $0x60, s2;
	s10 =	sor.u32 $0x70, s2;
	v2 =	vor.u32 s5, v23;
	v3 =	vor.u32 s6, v23;
	v4 =	vor.u32 s8, v23  }
0x8: {  	s13 =	sor.u32 $0x80, s2;
	s14 =	sor.u32 $0x90, s2;
	s15 =	sor.u32 $0xA0, s2;
	v5 =	vor.u32 s12, v23;
	v6 =	vor.u32 s9, v23;
	v7 =	vor.u32 s10, v23  }
0x9: {  	s17 =	sor.u32 $0xB0, s2;
	s18 =	sor.u32 $0xC0, s2;
	s19 =	sor.u32 $0xD0, s2;
	v8 =	vor.u32 s13, v23;
	v9 =	vor.u32 s14, v23;
	v10 =	vor.u32 s15, v23  }
0xa: {  	s20 =	sor.u32 $0xE0, s2;
	s24 =	sor.u32 $0xF0, s2;
	s25 =	sor.u32 $0x120, s2;
	v11 =	vor.u32 s17, v23;
	v12 =	vor.u32 s18, v23;
	v13 =	vor.u32 s19, v23  }
0xb: {  	s22 =	rddreg [dreg:$0x0];
	v14 =	vor.u32 s20, v23;
	v15 =	vor.u32 s24, v23;
	v18 =	vor.u32 s25, v23  }
0xc: {  	s23 =	rddreg [dreg:$0x1];
	v1 =	vand.u32 $0x61F, v1;
	v0 =	vmul.u32 $0x3, v0;
	v2 =	vand.u32 $0x62F, v2  }
0xd: {  	s3 =	rddreg [dreg:$0x2];
	s4 =	simm.s32 $0x0;
	s29 =	simm.s32 $0x8400;
	v3 =	vand.u32 $0x63F, v3;
	v4 =	vand.u32 $0x64F, v4;
	v5 =	vand.u32 $0x65F, v5  }
0xe: {  	s30 =	simm.s32 $0x8600;
	s0 =	rddreg [dreg:$0x3];
	s28 =	ssub.s32 $0x2, s1;
	v6 =	vand.u32 $0x66F, v6;
	v7 =	vand.u32 $0x67F, v7;
	v8 =	vand.u32 $0x68F, v8  }
0xf: {  	s11 =	sshrl.u32 s28, $0x1;
	s7 =	smul.u32 $0xC80, s7;
	s12 =	sor.u32 $0x100, s2;
	v9 =	vand.u32 $0x69F, v9;
	v10 =	vand.u32 $0x6AF, v10;
	v11 =	vand.u32 $0x6BF, v11  }
0x10: {  	s5 =	sadd.s32 $0xF42E00, s3;
	s13 =	sor.u32 $0x110, s2;
	s26 =	sor.u32 $0x130, s2;
	v12 =	vand.u32 $0x6CF, v12;
	v13 =	vand.u32 $0x6DF, v13;
	v16 =	vor.u32 s12, v23  }
0x11: {  	s6 =	sadd.s32 $0xA00, s3;
	s3 =	ssub.s32 s28, s11;
	s28 =	sor.u32 $0x140, s2;
	v17 =	vor.u32 s13, v23;
	v19 =	vor.u32 s26, v23;
	v14 =	vand.u32 $0x6EF, v14  }
0x12: {  	s14 =	sor.u32 $0x150, s2;
	s15 =	sor.u32 $0x160, s2;
	s17 =	sor.u32 $0x170, s2;
	v15 =	vand.u32 $0x6FF, v15;
	v20 =	vor.u32 s28, v23;
	v18 =	vand.u32 $0x72F, v18  }
0x13: {  	s18 =	sor.u32 $0x180, s2;
	s11 =	sor.u32 $0x190, s2;
	s20 =	sor.u32 $0x1A0, s2;
	v21 =	vor.u32 s14, v23;
	v22 =	vor.u32 s15, v23;
	v24 =	vor.u32 s17, v23  }
0x14: {  	s19 =	smul.u32 $0x190000, s1;
	s8 =	sor.u32 $0x1C0, s2;
	s9 =	sor.u32 $0x1D0, s2;
	v25 =	vor.u32 s18, v23;
	v26 =	vor.u32 s11, v23;
	v27 =	vor.u32 s20, v23  }
0x15: {  	s31 =	simm.s32 $0x8800;
	[smem:$0x7FF] =	sst s4;
	s24 =	smul.u32 $0x190, s21;
	v29 =	vor.u32 s8, v23;
	v30 =	vor.u32 s9, v23;
	v1 =	vmul.u32 $0x3, v1  }
0x16: {  	_ =	strace $0x80000047;
	s16 =	sadd.s32 s22, s7;
	s25 =	smul.u32 $0xC8, s1;
	v2 =	vmul.u32 $0x3, v2;
	v3 =	vmul.u32 $0x3, v3;
	v4 =	vmul.u32 $0x3, v4  }
0x17: {  	s7 =	sadd.s32 s23, s7;
	s1 =	smul.u32 $0x6400, s1;
	[dreg:$0x5] =	wrdreg s16;
	v5 =	vmul.u32 $0x3, v5;
	v6 =	vmul.u32 $0x3, v6;
	v7 =	vmul.u32 $0x3, v7  }
0x18: {  	[dreg:$0x6] =	wrdreg s7;
	s16 =	smul.u32 $0x320000, s21;
	s7 =	sor.u32 $0x1B0, s2;
	v8 =	vmul.u32 $0x3, v8;
	v9 =	vmul.u32 $0x3, v9;
	v10 =	vmul.u32 $0x3, v10  }
0x19: {  	s28 =	smul.u32 $0xC800, s21;
	s3 =	smax.u32 s3, $0x1;
	s15 =	simm.s32 $0x5;
	v11 =	vmul.u32 $0x3, v11;
	v12 =	vmul.u32 $0x3, v12;
	v13 =	vmul.u32 $0x3, v13  }
0x1a: {  	s17 =	simm.s32 $0x80;
	s18 =	simm.s32 $0x400;
	s20 =	simm.s32 $0x2400;
	v14 =	vmul.u32 $0x3, v14;
	v15 =	vmul.u32 $0x3, v15;
	v16 =	vand.u32 $0x70F, v16  }
0x1b: {  	s8 =	simm.s32 $0xC800;
	s11 =	simm.s32 $0xE800;
	s14 =	simm.s32 $0x8480;
	v17 =	vand.u32 $0x71F, v17;
	v18 =	vmul.u32 $0x3, v18;
	v19 =	vand.u32 $0x73F, v19  }
0x1c: {  	s9 =	simm.s32 $0x0;
	s10 =	sadd.s32 s25, s24;
	[dreg:$0x7] =	wrdreg s3;
	v20 =	vand.u32 $0x74F, v20;
	v21 =	vand.u32 $0x75F, v21;
	v22 =	vand.u32 $0x76F, v22  }
0x1d: {  	v28 =	vor.u32 s7, v23;
	s26 =	sadd.s32 s19, s16;
	s19 =	sor.u32 $0x1E0, s2;
	s2 =	sor.u32 $0x1F0, s2;
	v16 =	vmul.u32 $0x3, v16;
	v17 =	vmul.u32 $0x3, v17  }
0x1e: {  	s21 =	sor.u32 $0x4, s10;
	v19 =	vmul.u32 $0x3, v19;
	s1 =	sadd.s32 s1, s28;
	v20 =	vmul.u32 $0x3, v20;
	v21 =	vmul.u32 $0x3, v21;
	s16 =	simm.s32 $0x200  }
0x1f: {  	v22 =	vmul.u32 $0x3, v22;
	s13 =	sshrl.u32 s26, $0x3;
	s24 =	sshrl.u32 s21, $0x2;
	s1 =	sadd.s32 $0x400, s1;
	v31 =	vor.u32 s19, v23;
	v32 =	vor.u32 s2, v23  }
0x20: {  	v23 =	vand.u32 $0x77F, v24;
	v24 =	vand.u32 $0x78F, v25;
	v25 =	vand.u32 $0x79F, v26;
	s2 =	simm.s32 $0x8580;
	s19 =	simm.s32 $0x3;
	s10 =	sadd.s32 s13, s0  }
.Ltmp0:
0x21: {  	v26 =	vand.u32 $0x7AF, v27;
	v27 =	vand.u32 $0x7BF, v28;
	v28 =	vand.u32 $0x7CF, v29;
	s25 =	sshll.u32 s24, $0xC;
	s3 =	sshll.u32 s24, $0x6;
	(pc) =	sbr.rel .LBB2_1-.Ltmp0, $4  }
0x22: {  	v29 =	vand.u32 $0x7DF, v30;
	[dreg:$0x8] =	wrdreg s1;
	s24 =	simm.s32 $0x6400;
	v23 =	vmul.u32 $0x3, v23;
	v24 =	vmul.u32 $0x3, v24;
	s13 =	simm.s32 $0x2  }
0x23: {  	v25 =	vmul.u32 $0x3, v25;
	v26 =	vmul.u32 $0x3, v26;
	v27 =	vmul.u32 $0x3, v27;
	s1 =	simm.s32 $0x8500;
	s12 =	sadd.s32 s25, s0;
	s26 =	sadd.s32 s3, s22  }
0x24: {  	v28 =	vmul.u32 $0x3, v28;
	v30 =	vand.u32 $0x7EF, v31;
	v31 =	vand.u32 $0x7FF, v32;
	s28 =	sadd.s32 s3, s23;
	s22 =	simm.s32 $0x4400;
	[dreg:$0x9] =	wrdreg s26  }
0x25: {  	v29 =	vmul.u32 $0x3, v29;
	s25 =	simm.s32 $0x1;
	s0 =	simm.s32 $0xA800;
	v30 =	vmul.u32 $0x3, v30;
	v31 =	vmul.u32 $0x3, v31;
	[dreg:$0xa] =	wrdreg s28  }
.LBB2_4:
0x26: {  	_ =	swait.ge [sflag:s13], $0x8000  }
0x27: {  	[sflag:s13] =	ssyncset.done $0x0  }
0x28: {  	s7 =	simm.s32 $0x4;
	[sflag:s13] =	ssyncadd.s32 $0xFFFF8000  }
0x29: {  	[hbm4b:s3+s4] =	stream.linear.scatter [tilespmem:s31], [sflag:$0x4], $0x8000, $0x38;
	[tilespmem:$0x10800] =	vst v63  }
0x2a: {  	_ =	swait.ge [sflag:s7], $0x8000  }
0x2b: {  	s9 =	rddreg [dreg:$0xb]  }
0x2c: {  	s28 =	rddreg [dreg:$0x7];
	s9 =	sadd.s32 $0x1, s9  }
0x2d: {  	p0 =	sne.s32 s9, s28  }
.Ltmp1:
0x2e: {  	_ = 	snop;
	(pc) =	sbr.rel @!p0 .LBB2_5-.Ltmp1, $3  }
0x2f: {  	_ =	sdelay $0x1  }
0x30: {  	[sflag:s7] =	ssyncset.done $0x0  }
0x31: {  	[sflag:s7] =	ssyncadd.s32 $0xFFFF8000  }
.LBB2_1:
0x32: {  	[dreg:$0xb] =	wrdreg s9  }
0x33: {  	s3 =	rddreg [dreg:$0x5]  }
0x34: {  	[tilespmem:s4], [sflag:$0x5] =	stream.linear.gather [hbm4b:s3+s4], $0x200, $0x38;
	[tilespmem:$0x10800] =	vst v63  }
0x35: {  	_ =	swait.ge [sflag:s15], $0x200  }
0x36: {  	[sflag:s15] =	ssyncset.done $0x0  }
0x37: {  	s26 =	rddreg [dreg:$0x6];
	[sflag:s15] =	ssyncadd.s32 $0xFFFFFE00  }
0x38: {  	[tilespmem:s16], [sflag:$0x5] =	stream.linear.gather [hbm4b:s26+s4], $0x200, $0x38;
	[tilespmem:$0x10800] =	vst v63  }
0x39: {  	_ =	swait.ge [sflag:s15], $0x200  }
0x3a: {  	[sflag:s15] =	ssyncset.done $0x0  }
0x3b: {  	[sflag:s15] =	ssyncadd.s32 $0xFFFFFE00  }
0x3c: {  	v32 =	vld [tilespmem:$0x200]  }
0x3d: {  	v33 =	vld [tilespmem:$0x210]  }
0x3e: {  	v34 =	vld [tilespmem:$0x220]  }
0x3f: {  	v35 =	vld [tilespmem:$0x230]  }
0x40: {  	v36 =	vld [tilespmem:$0x240]  }
0x41: {  	v37 =	vld [tilespmem:$0x250];
	v32 =	vadd.s32 v0, v32  }
0x42: {  	v57 =	vld [tilespmem:$0x260];
	v56 =	vadd.s32 v1, v33;
	[tilespmem:$0x200] =	vst v32  }
0x43: {  	v59 =	vld [tilespmem:$0x270];
	v58 =	vadd.s32 v2, v34;
	[tilespmem:$0x210] =	vst v56  }
0x44: {  	v61 =	vld [tilespmem:$0x280];
	v60 =	vadd.s32 v3, v35;
	[tilespmem:$0x220] =	vst v58  }
0x45: {  	v63 =	vld [tilespmem:$0x290];
	v62 =	vadd.s32 v4, v36;
	[tilespmem:$0x230] =	vst v60  }
0x46: {  	v41 =	vld [tilespmem:$0x2A0];
	v40 =	vadd.s32 v5, v37;
	[tilespmem:$0x240] =	vst v62  }
0x47: {  	v43 =	vld [tilespmem:$0x2B0];
	v42 =	vadd.s32 v6, v57;
	[tilespmem:$0x250] =	vst v40  }
0x48: {  	v45 =	vld [tilespmem:$0x2C0];
	v44 =	vadd.s32 v7, v59;
	[tilespmem:$0x260] =	vst v42  }
0x49: {  	v55 =	vld [tilespmem:$0x310];
	v46 =	vadd.s32 v8, v61;
	[tilespmem:$0x270] =	vst v44  }
0x4a: {  	v47 =	vld [tilespmem:$0x2D0];
	v48 =	vadd.s32 v9, v63;
	[tilespmem:$0x280] =	vst v46  }
0x4b: {  	v49 =	vld [tilespmem:$0x2E0];
	v50 =	vadd.s32 v10, v41;
	[tilespmem:$0x290] =	vst v48  }
0x4c: {  	v51 =	vld [tilespmem:$0x2F0];
	v52 =	vadd.s32 v11, v43;
	[tilespmem:$0x2A0] =	vst v50  }
0x4d: {  	v53 =	vld [tilespmem:$0x300];
	v54 =	vadd.s32 v12, v45;
	[tilespmem:$0x2B0] =	vst v52  }
0x4e: {  	v57 =	vld [tilespmem:$0x320];
	v39 =	vadd.s32 v17, v55;
	[tilespmem:$0x2C0] =	vst v54  }
0x4f: {  	v59 =	vld [tilespmem:$0x330];
	v56 =	vadd.s32 v13, v47;
	[tilespmem:$0x310] =	vst v39  }
0x50: {  	v61 =	vld [tilespmem:$0x340];
	v58 =	vadd.s32 v14, v49;
	[tilespmem:$0x2D0] =	vst v56  }
0x51: {  	v63 =	vld [tilespmem:$0x350];
	v60 =	vadd.s32 v15, v51;
	[tilespmem:$0x2E0] =	vst v58  }
0x52: {  	v62 =	vadd.s32 v16, v53;
	v40 =	vld [tilespmem:$0x360];
	[tilespmem:$0x2F0] =	vst v60  }
0x53: {  	v42 =	vld [tilespmem:$0x370];
	[tilespmem:$0x300] =	vst v62;
	v41 =	vadd.s32 v18, v57  }
0x54: {  	v44 =	vld [tilespmem:$0x380];
	v43 =	vadd.s32 v19, v59;
	[tilespmem:$0x320] =	vst v41  }
0x55: {  	v46 =	vld [tilespmem:$0x390];
	v45 =	vadd.s32 v20, v61;
	[tilespmem:$0x330] =	vst v43  }
0x56: {  	v48 =	vld [tilespmem:$0x3A0];
	v47 =	vadd.s32 v21, v63;
	[tilespmem:$0x340] =	vst v45  }
0x57: {  	v50 =	vld [tilespmem:$0x3B0];
	[tilespmem:$0x350] =	vst v47;
	v49 =	vadd.s32 v22, v40  }
0x58: {  	v52 =	vld [tilespmem:$0x3C0];
	v51 =	vadd.s32 v23, v42;
	[tilespmem:$0x360] =	vst v49  }
0x59: {  	v54 =	vld [tilespmem:$0x3D0];
	v53 =	vadd.s32 v24, v44;
	[tilespmem:$0x370] =	vst v51  }
0x5a: {  	v56 =	vld [tilespmem:$0x3E0];
	v55 =	vadd.s32 v25, v46;
	[tilespmem:$0x380] =	vst v53  }
0x5b: {  	v58 =	vld [tilespmem:$0x3F0];
	v57 =	vadd.s32 v26, v48;
	[tilespmem:$0x390] =	vst v55  }
0x5c: {  	v59 =	vadd.s32 v27, v50;
	[tilespmem:$0x3A0] =	vst v57  }
0x5d: {  	v60 =	vadd.s32 v28, v52;
	[tilespmem:$0x3B0] =	vst v59  }
0x5e: {  	v61 =	vadd.s32 v29, v54;
	[tilespmem:$0x3C0] =	vst v60  }
0x5f: {  	[tilespmem:$0x3D0] =	vst v61;
	v62 =	vadd.s32 v30, v56  }
0x60: {  	v63 =	vadd.s32 v31, v58;
	[tilespmem:$0x3E0] =	vst v62  }
0x61: {  	[tilespmem:$0x3F0] =	vst v63  }
0x62: {  	[tilespmem:s18], [sflag:$0x1] =	stream.indirect.gather [hbm4b:s6+s17], $0x40, s16, s17, $0xb8;
	[tilespmem:$0x10800] =	vst v63  }
0x63: {  	s7 =	simm.s32 $0x280  }
0x64: {  	[tilespmem:s20], [sflag:$0x1] =	stream.indirect.gather [hbm4b:s6+s17], $0x40, s7, s17, $0xb8;
	[tilespmem:$0x10800] =	vst v63  }
0x65: {  	s9 =	simm.s32 $0x300  }
0x66: {  	[tilespmem:s22], [sflag:$0x1] =	stream.indirect.gather [hbm4b:s6+s17], $0x40, s9, s17, $0xb8;
	[tilespmem:$0x10800] =	vst v63  }
0x67: {  	s21 =	simm.s32 $0x380  }
0x68: {  	[tilespmem:s24], [sflag:$0x1] =	stream.indirect.gather [hbm4b:s6+s17], $0x40, s21, s17, $0xb8;
	[tilespmem:$0x10800] =	vst v63  }
0x69: {  	_ =	swait.ge [sflag:s25], $0x8000  }
0x6a: {  	[sflag:s25] =	ssyncset.done $0x0  }
0x6b: {  	[sflag:s25] =	ssyncadd.s32 $0xFFFF8000  }
0x6c: {  	[tilespmem:s18], [sflag:$0x1] =	stream.indirect.gather.add.f32 [hbm:s5], $0x40, s4, s17, $0xb8;
	[tilespmem:$0x10800] =	vst v63  }
0x6d: {  	_ = 	snop  }
0x6e: {  	[tilespmem:s20], [sflag:$0x1] =	stream.indirect.gather.add.f32 [hbm:s5], $0x40, s17, s17, $0xb8;
	[tilespmem:$0x10800] =	vst v63  }
0x6f: {  	s23 =	simm.s32 $0x100;
	s21 =	rddreg [dreg:$0xa]  }
0x70: {  	[tilespmem:s22], [sflag:$0x1] =	stream.indirect.gather.add.f32 [hbm:s5], $0x40, s23, s17, $0xb8;
	[tilespmem:$0x10800] =	vst v63  }
0x71: {  	s26 =	simm.s32 $0x180;
	s23 =	rddreg [dreg:$0x9]  }
0x72: {  	[tilespmem:s24], [sflag:$0x1] =	stream.indirect.gather.add.f32 [hbm:s5], $0x40, s26, s17, $0xb8;
	[tilespmem:$0x10800] =	vst v63  }
0x73: {  	s28 =	simm.s32 $0x0;
	s26 =	rddreg [dreg:$0x8]  }
.LBB2_2:
0x74: {  	p0 =	seq.s32 s28, $0x0  }
0x75: {  	s3 =	simm.s32 @!p0 $0x4  }
0x76: {  	_ =	swait.ge @!p0 [sflag:s3], $0x8000  }
0x77: {  	[sflag:s3] =	ssyncset.done @!p0 $0x0  }
0x78: {  	[sflag:s3] =	ssyncadd.s32 @!p0 $0xFFFF8000  }
0x79: {  	[tilespmem:s29], [sflag:$0x5] =	stream.linear.gather [hbm4b:s23+s4], $0x200, $0x38;
	[tilespmem:$0x10800] =	vst v63  }
0x7a: {  	_ =	swait.ge [sflag:s15], $0x200  }
0x7b: {  	[sflag:s15] =	ssyncset.done $0x0  }
0x7c: {  	[sflag:s15] =	ssyncadd.s32 $0xFFFFFE00  }
0x7d: {  	[tilespmem:s30], [sflag:$0x5] =	stream.linear.gather [hbm4b:s21+s4], $0x200, $0x38;
	[tilespmem:$0x10800] =	vst v63  }
0x7e: {  	_ =	swait.ge [sflag:s15], $0x200  }
0x7f: {  	[sflag:s15] =	ssyncset.done $0x0  }
0x80: {  	[sflag:s15] =	ssyncadd.s32 $0xFFFFFE00  }
0x81: {  	v32 =	vld [tilespmem:$0x8600]  }
0x82: {  	v33 =	vld [tilespmem:$0x8610]  }
0x83: {  	v34 =	vld [tilespmem:$0x8620]  }
0x84: {  	v35 =	vld [tilespmem:$0x8630]  }
0x85: {  	v36 =	vld [tilespmem:$0x8640]  }
0x86: {  	v37 =	vld [tilespmem:$0x8650];
	v32 =	vadd.s32 v0, v32  }
0x87: {  	v57 =	vld [tilespmem:$0x8660];
	v56 =	vadd.s32 v1, v33;
	[tilespmem:$0x8600] =	vst v32  }
0x88: {  	v59 =	vld [tilespmem:$0x8670];
	v58 =	vadd.s32 v2, v34;
	[tilespmem:$0x8610] =	vst v56  }
0x89: {  	v61 =	vld [tilespmem:$0x8680];
	v60 =	vadd.s32 v3, v35;
	[tilespmem:$0x8620] =	vst v58  }
0x8a: {  	v63 =	vld [tilespmem:$0x8690];
	v62 =	vadd.s32 v4, v36;
	[tilespmem:$0x8630] =	vst v60  }
0x8b: {  	v41 =	vld [tilespmem:$0x86A0];
	v40 =	vadd.s32 v5, v37;
	[tilespmem:$0x8640] =	vst v62  }
0x8c: {  	v43 =	vld [tilespmem:$0x86B0];
	v42 =	vadd.s32 v6, v57;
	[tilespmem:$0x8650] =	vst v40  }
0x8d: {  	v45 =	vld [tilespmem:$0x86C0];
	v44 =	vadd.s32 v7, v59;
	[tilespmem:$0x8660] =	vst v42  }
0x8e: {  	v55 =	vld [tilespmem:$0x8710];
	v46 =	vadd.s32 v8, v61;
	[tilespmem:$0x8670] =	vst v44  }
0x8f: {  	v47 =	vld [tilespmem:$0x86D0];
	v48 =	vadd.s32 v9, v63;
	[tilespmem:$0x8680] =	vst v46  }
0x90: {  	v49 =	vld [tilespmem:$0x86E0];
	v50 =	vadd.s32 v10, v41;
	[tilespmem:$0x8690] =	vst v48  }
0x91: {  	v51 =	vld [tilespmem:$0x86F0];
	v52 =	vadd.s32 v11, v43;
	[tilespmem:$0x86A0] =	vst v50  }
0x92: {  	v53 =	vld [tilespmem:$0x8700];
	v54 =	vadd.s32 v12, v45;
	[tilespmem:$0x86B0] =	vst v52  }
0x93: {  	v57 =	vld [tilespmem:$0x8720];
	v39 =	vadd.s32 v17, v55;
	[tilespmem:$0x86C0] =	vst v54  }
0x94: {  	v59 =	vld [tilespmem:$0x8730];
	v56 =	vadd.s32 v13, v47;
	[tilespmem:$0x8710] =	vst v39  }
0x95: {  	v61 =	vld [tilespmem:$0x8740];
	v58 =	vadd.s32 v14, v49;
	[tilespmem:$0x86D0] =	vst v56  }
0x96: {  	v63 =	vld [tilespmem:$0x8750];
	v60 =	vadd.s32 v15, v51;
	[tilespmem:$0x86E0] =	vst v58  }
0x97: {  	v62 =	vadd.s32 v16, v53;
	v40 =	vld [tilespmem:$0x8760];
	[tilespmem:$0x86F0] =	vst v60  }
0x98: {  	v42 =	vld [tilespmem:$0x8770];
	[tilespmem:$0x8700] =	vst v62;
	v41 =	vadd.s32 v18, v57  }
0x99: {  	v44 =	vld [tilespmem:$0x8780];
	v43 =	vadd.s32 v19, v59;
	[tilespmem:$0x8720] =	vst v41  }
0x9a: {  	v46 =	vld [tilespmem:$0x8790];
	v45 =	vadd.s32 v20, v61;
	[tilespmem:$0x8730] =	vst v43  }
0x9b: {  	v48 =	vld [tilespmem:$0x87A0];
	v47 =	vadd.s32 v21, v63;
	[tilespmem:$0x8740] =	vst v45  }
0x9c: {  	v50 =	vld [tilespmem:$0x87B0];
	[tilespmem:$0x8750] =	vst v47;
	v49 =	vadd.s32 v22, v40  }
0x9d: {  	v52 =	vld [tilespmem:$0x87C0];
	v51 =	vadd.s32 v23, v42;
	[tilespmem:$0x8760] =	vst v49  }
0x9e: {  	v54 =	vld [tilespmem:$0x87D0];
	v53 =	vadd.s32 v24, v44;
	[tilespmem:$0x8770] =	vst v51  }
0x9f: {  	v56 =	vld [tilespmem:$0x87E0];
	v55 =	vadd.s32 v25, v46;
	[tilespmem:$0x8780] =	vst v53  }
0xa0: {  	v58 =	vld [tilespmem:$0x87F0];
	v57 =	vadd.s32 v26, v48;
	[tilespmem:$0x8790] =	vst v55  }
0xa1: {  	v59 =	vadd.s32 v27, v50;
	[tilespmem:$0x87A0] =	vst v57  }
0xa2: {  	v60 =	vadd.s32 v28, v52;
	[tilespmem:$0x87B0] =	vst v59  }
0xa3: {  	v61 =	vadd.s32 v29, v54;
	[tilespmem:$0x87C0] =	vst v60  }
0xa4: {  	[tilespmem:$0x87D0] =	vst v61;
	v62 =	vadd.s32 v30, v56  }
0xa5: {  	v63 =	vadd.s32 v31, v58;
	[tilespmem:$0x87E0] =	vst v62  }
0xa6: {  	[tilespmem:$0x87F0] =	vst v63  }
0xa7: {  	[tilespmem:s31], [sflag:$0x2] =	stream.indirect.gather [hbm4b:s6+s17], $0x40, s30, s17, $0xb8;
	[tilespmem:$0x10800] =	vst v63  }
0xa8: {  	s7 =	simm.s32 $0x8680  }
0xa9: {  	[tilespmem:s0], [sflag:$0x2] =	stream.indirect.gather [hbm4b:s6+s17], $0x40, s7, s17, $0xb8;
	[tilespmem:$0x10800] =	vst v63  }
0xaa: {  	s9 =	simm.s32 $0x8700  }
0xab: {  	[tilespmem:s8], [sflag:$0x2] =	stream.indirect.gather [hbm4b:s6+s17], $0x40, s9, s17, $0xb8;
	[tilespmem:$0x10800] =	vst v63  }
0xac: {  	s7 =	simm.s32 $0x8780  }
0xad: {  	[tilespmem:s11], [sflag:$0x2] =	stream.indirect.gather [hbm4b:s6+s17], $0x40, s7, s17, $0xb8;
	[tilespmem:$0x10800] =	vst v63  }
0xae: {  	_ =	swait.ge [sflag:s25], $0x8000  }
0xaf: {  	[sflag:s25] =	ssyncset.done $0x0  }
0xb0: {  	s9 =	sadd.s32 s28, s10;
	[sflag:s25] =	ssyncadd.s32 $0xFFFF8000  }
0xb1: {  	[hbm4b:s9+s4] =	stream.linear.scatter [tilespmem:s18], [sflag:$0x3], $0x8000, $0x38;
	[tilespmem:$0x10800] =	vst v63  }
0xb2: {  	_ =	swait.ge [sflag:s13], $0x8000  }
0xb3: {  	[sflag:s13] =	ssyncset.done $0x0  }
0xb4: {  	[sflag:s13] =	ssyncadd.s32 $0xFFFF8000  }
0xb5: {  	[tilespmem:s31], [sflag:$0x2] =	stream.indirect.gather.add.f32 [hbm:s5], $0x40, s29, s17, $0xb8;
	[tilespmem:$0x10800] =	vst v63  }
0xb6: {  	_ = 	snop  }
0xb7: {  	[tilespmem:s0], [sflag:$0x2] =	stream.indirect.gather.add.f32 [hbm:s5], $0x40, s14, s17, $0xb8;
	[tilespmem:$0x10800] =	vst v63  }
0xb8: {  	p0 =	seq.s32 s28, $0x30000  }
0xb9: {  	[tilespmem:s8], [sflag:$0x2] =	stream.indirect.gather.add.f32 [hbm:s5], $0x40, s1, s17, $0xb8;
	[tilespmem:$0x10800] =	vst v63  }
.Ltmp2:
0xba: {  	_ = 	snop;
	(pc) =	sbr.rel @p0 .LBB2_4-.Ltmp2, $4  }
0xbb: {  	[tilespmem:s11], [sflag:$0x2] =	stream.indirect.gather.add.f32 [hbm:s5], $0x40, s2, s17, $0xb8;
	[tilespmem:$0x10800] =	vst v63  }
0xbc: {  	_ =	swait.ge [sflag:s19], $0x8000  }
0xbd: {  	[sflag:s19] =	ssyncset.done $0x0  }
0xbe: {  	s3 =	sadd.s32 s28, s12;
	[sflag:s19] =	ssyncadd.s32 $0xFFFF8000  }
0xbf: {  	s7 =	sshrl.u32 s26, $0x3;
	s9 =	rddreg [dreg:$0x0]  }
0xc0: {  	s9 =	sadd.s32 s9, s7  }
0xc1: {  	[tilespmem:s4], [sflag:$0x5] =	stream.linear.gather [hbm4b:s9+s4], $0x200, $0x38;
	[tilespmem:$0x10800] =	vst v63  }
0xc2: {  	_ =	swait.ge [sflag:s15], $0x200  }
0xc3: {  	[sflag:s15] =	ssyncset.done $0x0  }
0xc4: {  	[sflag:s15] =	ssyncadd.s32 $0xFFFFFE00  }
0xc5: {  	s9 =	rddreg [dreg:$0x1]  }
0xc6: {  	s7 =	sadd.s32 s9, s7  }
0xc7: {  	[tilespmem:s16], [sflag:$0x5] =	stream.linear.gather [hbm4b:s7+s4], $0x200, $0x38;
	[tilespmem:$0x10800] =	vst v63  }
0xc8: {  	_ =	swait.ge [sflag:s15], $0x200  }
0xc9: {  	[sflag:s15] =	ssyncset.done $0x0  }
0xca: {  	[sflag:s15] =	ssyncadd.s32 $0xFFFFFE00  }
0xcb: {  	v32 =	vld [tilespmem:$0x200]  }
0xcc: {  	v33 =	vld [tilespmem:$0x210]  }
0xcd: {  	v34 =	vld [tilespmem:$0x220]  }
0xce: {  	v35 =	vld [tilespmem:$0x230]  }
0xcf: {  	v36 =	vld [tilespmem:$0x240]  }
0xd0: {  	v37 =	vld [tilespmem:$0x250];
	v32 =	vadd.s32 v0, v32  }
0xd1: {  	v57 =	vld [tilespmem:$0x260];
	v56 =	vadd.s32 v1, v33;
	[tilespmem:$0x200] =	vst v32  }
0xd2: {  	v59 =	vld [tilespmem:$0x270];
	v58 =	vadd.s32 v2, v34;
	[tilespmem:$0x210] =	vst v56  }
0xd3: {  	v61 =	vld [tilespmem:$0x280];
	v60 =	vadd.s32 v3, v35;
	[tilespmem:$0x220] =	vst v58  }
0xd4: {  	v63 =	vld [tilespmem:$0x290];
	v62 =	vadd.s32 v4, v36;
	[tilespmem:$0x230] =	vst v60  }
0xd5: {  	v41 =	vld [tilespmem:$0x2A0];
	v40 =	vadd.s32 v5, v37;
	[tilespmem:$0x240] =	vst v62  }
0xd6: {  	v43 =	vld [tilespmem:$0x2B0];
	v42 =	vadd.s32 v6, v57;
	[tilespmem:$0x250] =	vst v40  }
0xd7: {  	v45 =	vld [tilespmem:$0x2C0];
	v44 =	vadd.s32 v7, v59;
	[tilespmem:$0x260] =	vst v42  }
0xd8: {  	v55 =	vld [tilespmem:$0x310];
	v46 =	vadd.s32 v8, v61;
	[tilespmem:$0x270] =	vst v44  }
0xd9: {  	v47 =	vld [tilespmem:$0x2D0];
	v48 =	vadd.s32 v9, v63;
	[tilespmem:$0x280] =	vst v46  }
0xda: {  	v49 =	vld [tilespmem:$0x2E0];
	v50 =	vadd.s32 v10, v41;
	[tilespmem:$0x290] =	vst v48  }
0xdb: {  	v51 =	vld [tilespmem:$0x2F0];
	v52 =	vadd.s32 v11, v43;
	[tilespmem:$0x2A0] =	vst v50  }
0xdc: {  	v53 =	vld [tilespmem:$0x300];
	v54 =	vadd.s32 v12, v45;
	[tilespmem:$0x2B0] =	vst v52  }
0xdd: {  	v57 =	vld [tilespmem:$0x320];
	v39 =	vadd.s32 v17, v55;
	[tilespmem:$0x2C0] =	vst v54  }
0xde: {  	v59 =	vld [tilespmem:$0x330];
	v56 =	vadd.s32 v13, v47;
	[tilespmem:$0x310] =	vst v39  }
0xdf: {  	v61 =	vld [tilespmem:$0x340];
	v58 =	vadd.s32 v14, v49;
	[tilespmem:$0x2D0] =	vst v56  }
0xe0: {  	v63 =	vld [tilespmem:$0x350];
	v60 =	vadd.s32 v15, v51;
	[tilespmem:$0x2E0] =	vst v58  }
0xe1: {  	v62 =	vadd.s32 v16, v53;
	v40 =	vld [tilespmem:$0x360];
	[tilespmem:$0x2F0] =	vst v60  }
0xe2: {  	v42 =	vld [tilespmem:$0x370];
	[tilespmem:$0x300] =	vst v62;
	v41 =	vadd.s32 v18, v57  }
0xe3: {  	v44 =	vld [tilespmem:$0x380];
	v43 =	vadd.s32 v19, v59;
	[tilespmem:$0x320] =	vst v41  }
0xe4: {  	v46 =	vld [tilespmem:$0x390];
	v45 =	vadd.s32 v20, v61;
	[tilespmem:$0x330] =	vst v43  }
0xe5: {  	v48 =	vld [tilespmem:$0x3A0];
	v47 =	vadd.s32 v21, v63;
	[tilespmem:$0x340] =	vst v45  }
0xe6: {  	v50 =	vld [tilespmem:$0x3B0];
	[tilespmem:$0x350] =	vst v47;
	v49 =	vadd.s32 v22, v40  }
0xe7: {  	v52 =	vld [tilespmem:$0x3C0];
	v51 =	vadd.s32 v23, v42;
	[tilespmem:$0x360] =	vst v49  }
0xe8: {  	v54 =	vld [tilespmem:$0x3D0];
	v53 =	vadd.s32 v24, v44;
	[tilespmem:$0x370] =	vst v51  }
0xe9: {  	v56 =	vld [tilespmem:$0x3E0];
	v55 =	vadd.s32 v25, v46;
	[tilespmem:$0x380] =	vst v53  }
0xea: {  	v58 =	vld [tilespmem:$0x3F0];
	v57 =	vadd.s32 v26, v48;
	[tilespmem:$0x390] =	vst v55  }
0xeb: {  	v59 =	vadd.s32 v27, v50;
	[tilespmem:$0x3A0] =	vst v57  }
0xec: {  	v60 =	vadd.s32 v28, v52;
	[tilespmem:$0x3B0] =	vst v59  }
0xed: {  	v61 =	vadd.s32 v29, v54;
	[tilespmem:$0x3C0] =	vst v60  }
0xee: {  	[tilespmem:$0x3D0] =	vst v61;
	v62 =	vadd.s32 v30, v56  }
0xef: {  	v63 =	vadd.s32 v31, v58;
	[tilespmem:$0x3E0] =	vst v62  }
0xf0: {  	[tilespmem:$0x3F0] =	vst v63  }
0xf1: {  	[tilespmem:s18], [sflag:$0x1] =	stream.indirect.gather [hbm4b:s6+s17], $0x40, s16, s17, $0xb8;
	[tilespmem:$0x10800] =	vst v63  }
0xf2: {  	s9 =	simm.s32 $0x280  }
0xf3: {  	[tilespmem:s20], [sflag:$0x1] =	stream.indirect.gather [hbm4b:s6+s17], $0x40, s9, s17, $0xb8;
	[tilespmem:$0x10800] =	vst v63  }
0xf4: {  	s9 =	simm.s32 $0x300  }
0xf5: {  	[tilespmem:s22], [sflag:$0x1] =	stream.indirect.gather [hbm4b:s6+s17], $0x40, s9, s17, $0xb8;
	[tilespmem:$0x10800] =	vst v63  }
0xf6: {  	s9 =	simm.s32 $0x380  }
0xf7: {  	[tilespmem:s24], [sflag:$0x1] =	stream.indirect.gather [hbm4b:s6+s17], $0x40, s9, s17, $0xb8;
	[tilespmem:$0x10800] =	vst v63  }
0xf8: {  	_ =	swait.ge [sflag:s13], $0x8000  }
0xf9: {  	[sflag:s13] =	ssyncset.done $0x0  }
0xfa: {  	[sflag:s13] =	ssyncadd.s32 $0xFFFF8000  }
0xfb: {  	[hbm4b:s3+s4] =	stream.linear.scatter [tilespmem:s31], [sflag:$0x4], $0x8000, $0x38;
	[tilespmem:$0x10800] =	vst v63  }
0xfc: {  	_ =	swait.ge [sflag:s25], $0x8000  }
0xfd: {  	[sflag:s25] =	ssyncset.done $0x0  }
0xfe: {  	[sflag:s25] =	ssyncadd.s32 $0xFFFF8000  }
0xff: {  	[tilespmem:s18], [sflag:$0x1] =	stream.indirect.gather.add.f32 [hbm:s5], $0x40, s4, s17, $0xb8;
	[tilespmem:$0x10800] =	vst v63  }
0x100: {  	_ = 	snop  }
0x101: {  	[tilespmem:s20], [sflag:$0x1] =	stream.indirect.gather.add.f32 [hbm:s5], $0x40, s17, s17, $0xb8;
	[tilespmem:$0x10800] =	vst v63  }
.Ltmp3:
0x102: {  	_ = 	snop;
	(pc) =	sbr.rel .LBB2_2-.Ltmp3, $4  }
0x103: {  	s28 =	sadd.s32 $0x2000, s28;
	s26 =	sadd.s32 $0x400, s26;
	s7 =	simm.s32 $0x100  }
0x104: {  	[tilespmem:s22], [sflag:$0x1] =	stream.indirect.gather.add.f32 [hbm:s5], $0x40, s7, s17, $0xb8;
	[tilespmem:$0x10800] =	vst v63  }
0x105: {  	s23 =	sadd.s32 $0x80, s23;
	s21 =	sadd.s32 $0x80, s21;
	s9 =	simm.s32 $0x180  }
0x106: {  	[tilespmem:s24], [sflag:$0x1] =	stream.indirect.gather.add.f32 [hbm:s5], $0x40, s9, s17, $0xb8;
	[tilespmem:$0x10800] =	vst v63  }
.LBB2_5:
0x107: {  	_ =	sfence.sel $0x180000  }
0x108: {  	[bflag:$0x0] =	sbarrier.arrive $0xFFFF  }
0x109: {  	_ =	strace $0x90000047  }
0x10a: {  	s0 =	stileid.u32;
	[bflag:$0x2] =	sbarrier.arrive $0xFFFF  }
0x10b: {  	p0 =	sne.s32 s0, $0x0;
	s0 =	rddreg [dreg:$0x4]  }
0x10c: {  	s0 =	sadd.s32 @!p0 $0x100000, s0  }
0x10d: {  	[sflag:s0] =	ssyncadd.tile.s32 @!p0 $0x1;
	_ =	shalt  }
.Lfunc_end2:
_tile_overlayer_lowered:
.L_overlay_start_2:
0x10e: {  	(tag) =	ssettag $0x2  }
0x10f: {  	s0 =	rddreg [dreg:$0x0];
	s2 =	stileid.u32  }
0x110: {  	s1 =	rddreg [dreg:$0x1];
	p0 =	sne.s32 s2, $0x0  }
0x111: {  	s3 =	rddreg [dreg:$0x2];
	[bflag:$0x3] =	sbarrier.arrive $0xFFFF;
	s2 =	simm.s32 @!p0 $0x1C05  }
0x112: {  	[timem:s3], [sflag:s2] =	dma.local @!p0 [hbm:s0], s1  }
0x113: {  	s0 =	simm.s32 @!p0 $0x5  }
0x114: {  	_ =	swait.ge @!p0 [sflag:s0], s1  }
0x115: {  	s1 =	ssub.s32 @!p0 $0x0, s1;
	[sflag:s0] =	ssyncset.done @!p0 $0x0  }
0x116: {  	[sflag:s0] =	ssyncadd.s32 @!p0 s1  }
0x117: {  	[bflag:$0x3] =	sbarrier.arrive $0xFFFF  }
0x118: {  	_ =	shalt  }

// kernel: sparse-core-data-format-call.cloned.1.call-start
scs
called_computation_lowered:
.L_overlay_start_0:
0x0: {  	s2 =	sld [smem:$0x3FD9]  }
0x1: {  	s3 =	sld [smem:$0x3FFE];
	_ =	sdelay $0x1  }
0x2: {  	s1 =	srdreg.scid  }
0x3: {  	s0 =	sand.u32 $0x1, s1  }
0x4: {  	s18 =	sshll.u32 s0, $0xA;
	s2 =	sadd.s32 s3, s2  }
0x5: {  	s2 =	sadd.s32 s2, s18  }
0x6: {  	[smem:$0x3FC4] =	sst s2  }
0x7: {  	_ = 	snop  }
0x8: {  	s2 =	sld [smem:$0x3FD0];
	(tm) =	ssettm $0x1  }
0x9: {  	s19 =	sld [smem:$0x3FFB];
	_ =	sdelay $0x3  }
0xa: {  	_ =	strace s19  }
0xb: {  	s3 =	sld [smem:$0x3FFC];
	_ =	sdelay $0x3  }
0xc: {  	_ =	strace s3  }
0xd: {  	s3 =	sld [smem:$0x3FFD];
	_ =	sdelay $0x3  }
0xe: {  	_ =	strace s3  }
0xf: {  	_ =	strace $0x8FFFFFFF  }
0x10: {  	s20 =	sld [smem:$0x3FDB];
	_ =	sdelay $0x1  }
0x11: {  	s4 =	simm.s32 $_scs_section_size  }
0x12: {  	s5 =	simm.s32 $_size__tile_overlayer_lowered;
	s6 =	simm.s32 $_tile_overlayer_lowered  }
0x13: {  	s23 =	simm.s32 $0x1BFF;
	s22 =	sshll.u32 s6, $0x1;
	s3 =	sadd.s32 s4, s20  }
0x14: {  	s7 =	simm.s32 $0x0;
	s21 =	sshll.u32 s5, $0x1;
	s5 =	sadd.s32 s22, s3  }
0x15: {  	[timem:s7], [sflag:s23] =	dma.local [hbm:s5], s21  }
0x16: {  	_ =	swait.ge [sflag:s23], s21  }
0x17: {  	s4 =	ssub.s32 $0x0, s21;
	[sflag:s23] =	ssyncset.done $0x0  }
0x18: {  	[sflag:s23] =	ssyncadd.s32 s4;
	_ =	sdelay $0x1  }
0x19: {  	s24 =	simm.s32 $0x1B8B  }
0x1a: {  	_ =	swait.ge [sflag:s24], $0x1  }
0x1b: {  	[sflag:s24] =	ssyncset.done $0x0  }
0x1c: {  	s26 =	simm.s32 $0x1B8E;
	s25 =	sld [smem:$0x3FFE];
	[sflag:s24] =	ssyncadd.s32 $0xFFFFFFFF  }
0x1d: {  	s27 =	simm.s32 $execute0_lowered;
	[smem:$0x3FD2] =	sst s26  }
0x1e: {  	s5 =	sshll.u32 s27, $0x1;
	_ =	strace $0x80000049;
	[dreg:$0x1] =	wrdreg $0xFFFFFFFF  }
0x1f: {  	s28 =	simm.s32 $_size_execute0_lowered;
	s3 =	sadd.s32 s3, s5;
	[dreg:$0x0] =	wrdreg $0x0  }
0x20: {  	s5 =	sshll.u32 s28, $0x1;
	[dreg:$0x2] =	wrdreg s3  }
0x21: {  	[dreg:$0x3] =	wrdreg s5  }
0x22: {  	[dreg:$0x4] =	wrdreg $0xC0  }
0x23: {  	_ =	task [dreg:s7], $0x5FFFF  }
0x24: {  	[dreg:$0x1] =	wrdreg $0xFFFFFFFF  }
0x25: {  	[dreg:$0x0] =	wrdreg $0x60  }
0x26: {  	[dreg:$0x2] =	wrdreg s25  }
0x27: {  	[dreg:$0x3] =	wrdreg s2  }
0x28: {  	[dreg:$0x4] =	wrdreg $0x9  }
0x29: {  	_ =	task.clear_ibuf [dreg:s7], $0x5FFFF;
	_ =	strace $0x90000049  }
0x2a: {  	s29 =	simm.s32 $0x9;
	_ =	strace $0x8000004B  }
0x2b: {  	_ =	swait.ge [sflag:s29], $0x1  }
0x2c: {  	[sflag:s29] =	ssyncadd.s32 $0xFFFFFFFF  }
0x2d: {  	_ =	strace $0x9000004B  }
0x2e: {  	_ =	sfence  }
0x2f: {  	s30 =	sld [smem:$0x0];
	_ =	sdelay $0x2  }
0x30: {  	s31 =	sshll.u32 s1, $0xD;
	s1 =	sshrl.u32 s1, $0x2  }
0x31: {  	s3 =	sand.u32 $0x4000, s31;
	s1 =	sadd.s32 s1, s30  }
0x32: {  	s0 =	sor.u32 s3, s0;
	s1 =	sshll.u32 s1, $0x11  }
0x33: {  	s0 =	sor.u32 s1, s0  }
0x34: {  	s0 =	sadd.s32 $0x8F2B, s0  }
0x35: {  	[sflag:s0] =	ssyncadd.remote.s32 $0x1  }
0x36: {  	_ =	sfence.sel $0xFFFF  }
0x37: {  	[dreg:$0x0] =	wrdreg $0xFFFFFFFF;
	(pc) =	sbr.abs _section_cstart, $3  }
0x38: {  	[dreg:$0x1] =	wrdreg $0xFFFFFFFF  }
0x39: {  	_ =	task.clear_ibuf [dreg:s7], $0x2FFFF;
	_ =	strace $0x9FFFFFFF  }
0x3a: {  	(tm) =	ssettm $0x7FFFFFFF  }
0x3b: {  	_ =	shalt  }
tec
execute0_lowered:
.L_overlay_start_1:
0x0: {  	(tag) =	ssettag $0x1  }
0x1: {  	s0 =	srdreg.scid  }
0x2: {  	s1 =	sshll.u32 s0, $0x4  }
0x3: {  	s4 =	rddreg [dreg:$0x0];
	s0 =	stileid.u32;
	s1 =	sand.u32 $0x10, s1  }
0x4: {  	s2 =	rddreg [dreg:$0x1];
	s7 =	simm.s32 $0x1;
	s1 =	sor.u32 s0, s1  }
0x5: {  	s8 =	simm.s32 $0x2;
	s11 =	simm.s32 $0x0;
	s3 =	sshll.u32 s1, $0x7  }
0x6: {  	s10 =	simm.s32 $0x0;
	s4 =	sadd.s32 $0xA00, s4;
	s6 =	ssub.s32 $0xC8000, s3  }
.Ltmp0:
0x7: {  	s1 =	rddreg [dreg:$0x2];
	s5 =	sand.u32 $0xF80, s6;
	(pc) =	sbr.rel .LBB1_1-.Ltmp0, $4  }
0x8: {  	_ =	strace $0x8000004A;
	s9 =	smov.u32 s3;
	p0 =	sne.s32 s5, $0x0  }
0x9: {  	s6 =	sshrl.u32 s6, $0xC;
	s5 =	simm.s32 $0x1;
	s7 =	simm.s32 @!p0 $0x0  }
0xa: {  	[sflag:s5] =	ssyncpa.u1 $0x0;
	p0 =	por $0x0, $0x0;
	s6 =	sadd.s32 s7, s6  }
0xb: {  	[sflag:s8] =	ssyncpa.u1 $0x0;
	s8 =	simm.s32 $0x640000;
	s7 =	sadd.s32 $0x1, s6  }
.LBB1_4:
0xc: {  	s14 =	sshll.u32 s11, $0x3  }
0xd: {  	s30 =	sand.u32 $0x7F, s11;
	s15 =	sand.u32 $0xFFFFFC00, s14  }
0xe: {  	s11 =	sor.u32 s30, s15  }
0xf: {  	s15 =	smulhi.u32 $0x51EB851F, s11  }
0x10: {  	s14 =	smulhi.u32 $0x51EB851F, s14  }
0x11: {  	s15 =	sshrl.u32 s15, $0x12  }
0x12: {  	s14 =	sshrl.u32 s14, $0x12;
	s15 =	smul.u32 $0xC8000, s15  }
0x13: {  	s14 =	sand.u32 $0x3F, s14  }
0x14: {  	s14 =	smul.u32 $0x19000, s14;
	s11 =	ssub.s32 s11, s15  }
0x15: {  	[tilespmem:s13+$0x810 ss:$0x81] =	vst.msk $0xffff, v2;
	s15 =	sand.u32 $0x7, s11  }
0x16: {  	[tilespmem:s13+$0x1020 ss:$0x81] =	vst.msk $0xffff, v0;
	s14 =	sadd.s32 s2, s14;
	s11 =	sshrl.u32 s11, $0x3;
	s15 =	sshll.u32 s15, $0x12  }
0x17: {  	[tilespmem:s13+$0x0 ss:$0x81] =	vst.msk $0xffff, v1;
	s11 =	sadd.s32 s11, s14;
	s31 =	sor.u32 $0x400, s15  }
0x18: {  	[hbm4b:s11+s31] =	stream.strided.scatter [tilespmem:s12], [sflag:$0x2], $0x2000, s8, s31, $0x20;
	[tilespmem:$0x8080] =	vst v63  }
.LBB1_5:
0x19: {  	s13 =	sadd.s32 $0x1000, s9  }
0x1a: {  	p2 =	sgt.s32 s13, $0xC7FFF  }
0x1b: {  	s13 =	smov.u32 @p2 s3;
	p2 =	sne.s32 s10, s7  }
.Ltmp1:
0x1c: {  	p1 =	slt.u32 s10, $0x2;
	(pc) =	sbr.rel @!p2 .LBB1_6-.Ltmp1, $4  }
0x1d: {  	s12 =	simm.s32 @!p1 $0x2  }
0x1e: {  	s14 =	sadd.s32 $0x1, s10;
	_ =	swait.ge @!p1 [sflag:s12], $0x2000  }
0x1f: {  	s11 =	smov.u32 s9;
	p0 =	por !p0, !p0;
	[sflag:s12] =	ssyncset.done @!p1 $0x0  }
0x20: {  	s10 =	smov.u32 s14;
	s9 =	smov.u32 s13;
	[sflag:s12] =	ssyncadd.s32 @!p1 $0xFFFFE000  }
.LBB1_1:
0x21: {  	p1 =	sge.u32 s10, s6  }
0x22: {  	s12 =	sand.u32 @!p1 $0x1FFFFFF, s9  }
0x23: {  	s13 =	smulhi.u32 @!p1 $0x147AE15, s12;
	_ =	sdelay $0x1  }
0x24: {  	s13 =	sshrl.u32 @!p1 s13, $0xC  }
0x25: {  	s13 =	smul.u32 @!p1 $0xC8000, s13;
	_ =	sdelay $0x1  }
0x26: {  	s31 =	sadd.s32 $0xFFFFFFFF, s10;
	s14 =	sxor.u32 @!p1 $0xFFFFFFFF, s10;
	s12 =	ssub.s32 @!p1 s12, s13  }
0x27: {  	s15 =	simm.s32 @!p1 $0x80;
	s14 =	sshll.u32 @!p1 s14, $0xD;
	s12 =	sshll.u32 @!p1 s12, $0x4  }
0x28: {  	s13 =	sand.u32 @!p1 $0x2000, s14;
	s14 =	simm.s32 @!p1 $0x40;
	s12 =	sadd.s32 @!p1 s4, s12  }
0x29: {  	[tilespmem:s13], [sflag:$0x1] =	stream.strided.gather @!p1 [hbm4b:s12+s14], $0x2000, s15, s14, $0x38;
	[tilespmem:$0x8080] =	vst v63  }
0x2a: {  	p1 =	sge.u32 s31, s6  }
.Ltmp2:
0x2b: {  	_ = 	snop;
	(pc) =	sbr.rel @p1 .LBB1_5-.Ltmp2, $1  }
0x2c: {  	_ =	sdelay $0x3  }
0x2d: {  	s12 =	simm.s32 $0x1  }
0x2e: {  	_ =	swait.ge [sflag:s5], $0x2000;
	s12 =	simm.s32 @!p0 $0x0  }
0x2f: {  	[sflag:s5] =	ssyncset.done $0x0;
	s13 =	sshll.u32 s12, $0xD  }
0x30: {  	[sflag:s5] =	ssyncadd.s32 $0xFFFFE000;
	s16 =	sor.u32 $0x20, s13  }
0x31: {  	s12 =	smul.u32 $0x8100, s12;
	v3 =	vld [tilespmem:s16+$0x10]  }
0x32: {  	s30 =	sand.u32 $0x1, s10;
	v2 =	vld [tilespmem:s16+$0xFFFFFFF0]  }
0x33: {  	s13 =	smul.u32 $0x8100, s30;
	s12 =	sshrl.u32 s12, $0x2;
	v0 =	vld [tilespmem:s16+$0x0]  }
0x34: {  	v1 =	vld [tilespmem:s16+$0xFFFFFFE0];
	s14 =	sor.u32 $0x4000, s12  }
0x35: {  	s31 =	sshrl.u32 s13, $0x2;
	s13 =	sadd.s32 $0x0, s14  }
0x36: {  	s15 =	simm.s32 $0x4;
	s16 =	sadd.s32 $0x40, s16;
	s12 =	sor.u32 $0x4000, s31;
	[tilespmem:s13+$0x1830 ss:$0x81] =	vst.msk $0xffff, v3  }
.LBB1_3:
0x37: {  	v3 =	vld [tilespmem:s16+$0x10];
	p1 =	sne.s32 s15, $0x1FC;
	[tilespmem:s13+$0x810 ss:$0x81] =	vst.msk $0xffff, v2;
	s17 =	smov.u32 s15;
	s15 =	sadd.s32 $0x4, s15  }
.Ltmp3:
0x38: {  	v2 =	vld [tilespmem:s16+$0xFFFFFFF0];
	[tilespmem:s13+$0x1020 ss:$0x81] =	vst.msk $0xffff, v0;
	(pc) =	sbr.rel @p1 .LBB1_3-.Ltmp3, $4  }
0x39: {  	v0 =	vld [tilespmem:s16+$0x0];
	[tilespmem:s13+$0x0 ss:$0x81] =	vst.msk $0xffff, v1  }
0x3a: {  	s13 =	sshra.s32 s17, $0x2;
	v1 =	vld [tilespmem:s16+$0xFFFFFFE0]  }
0x3b: {  	s13 =	sadd.s32 s13, s14  }
0x3c: {  	s16 =	sadd.s32 $0x40, s16;
	[tilespmem:s13+$0x1830 ss:$0x81] =	vst.msk $0xffff, v3  }
.Ltmp4:
0x3d: {  	_ = 	snop;
	(pc) =	sbr.rel .LBB1_4-.Ltmp4, $1  }
0x3e: {  	_ =	sdelay $0x3  }
.LBB1_6:
0x3f: {  	_ =	sfence.sel $0x180000  }
0x40: {  	s2 =	simm.s32 $0x1;
	[bflag:$0x0] =	sbarrier.arrive $0xFFFF  }
0x41: {  	s31 =	simm.s32 $0x2;
	[sflag:s2] =	ssyncpa.u1 $0x1  }
0x42: {  	[sflag:s31] =	ssyncpa.u1 $0x1  }
0x43: {  	p0 =	sne.s32 s0, $0x0;
	_ =	strace $0x9000004A  }
0x44: {  	s0 =	sadd.s32 @!p0 $0x100000, s1;
	[bflag:$0x2] =	sbarrier.arrive $0xFFFF  }
0x45: {  	[sflag:s0] =	ssyncadd.tile.s32 @!p0 $0x1;
	_ =	shalt  }
.Lfunc_end1:
_tile_overlayer_lowered:
.L_overlay_start_2:
0x46: {  	(tag) =	ssettag $0x2  }
0x47: {  	s0 =	rddreg [dreg:$0x0];
	s2 =	stileid.u32  }
0x48: {  	s1 =	rddreg [dreg:$0x1];
	p0 =	sne.s32 s2, $0x0  }
0x49: {  	s3 =	rddreg [dreg:$0x2];
	[bflag:$0x3] =	sbarrier.arrive $0xFFFF;
	s2 =	simm.s32 @!p0 $0x1C01  }
0x4a: {  	[timem:s3], [sflag:s2] =	dma.local @!p0 [hbm:s0], s1  }
0x4b: {  	s0 =	simm.s32 @!p0 $0x1  }
0x4c: {  	_ =	swait.ge @!p0 [sflag:s0], s1  }
0x4d: {  	s1 =	ssub.s32 @!p0 $0x0, s1;
	[sflag:s0] =	ssyncset.done @!p0 $0x0  }
0x4e: {  	[sflag:s0] =	ssyncadd.s32 @!p0 s1  }
0x4f: {  	[bflag:$0x3] =	sbarrier.arrive $0xFFFF  }
0x50: {  	_ =	shalt  }

</sc_bundles>
